<compile_context>
chip_gen: v7x
topology: tpu7x:2x2x1
jax: 0.10.2.dev20260603
libtpu: 0.0.44.dev20260713+nightly
codegen_flags: <defaults>
</compile_context>

<pallas_src>
import functools

import jax
import jax.numpy as jnp
from jax import lax
from jax.experimental import pallas as pl
from jax.experimental.pallas import tpu as pltpu
from jax.experimental.pallas import tpu_sc as plsc

_C = 128
_NB = 7


@functools.cache
def _make_gather(D, B, NC, NS):
    NW = NC * NS
    span = NW * _C
    B_pad = ((B + span - 1) // span) * span
    b_per_w = B_pad // NW
    n_chunks = b_per_w // _C
    mesh = plsc.VectorSubcoreMesh(core_axis_name="c", subcore_axis_name="s")

    @functools.partial(
        pl.kernel,
        mesh=mesh,
        out_type=jax.ShapeDtypeStruct((B, D), jnp.float32),
        scratch_types=[
            pltpu.VMEM((b_per_w,), jnp.int32),
            *[pltpu.VMEM((_C, D), jnp.float32) for _ in range(_NB)],
            *[pltpu.SemaphoreType.DMA for _ in range(2 * _NB)],
        ],
    )
    def k(x_hbm, idx_hbm, out_hbm, idx_v, *rest):
        bufs = rest[:_NB]
        gsem = rest[_NB : 2 * _NB]
        ssem = rest[2 * _NB :]
        wid = lax.axis_index("s") * NC + lax.axis_index("c")
        base = wid * b_per_w
        tail_n = B - (NW - 1) * b_per_w
        if tail_n >= b_per_w:
            pltpu.sync_copy(idx_hbm.at[pl.ds(base, b_per_w)], idx_v)
        else:
            full = base + b_per_w <= B
            pl.when(full)(
                lambda: pltpu.sync_copy(
                    idx_hbm.at[pl.ds(base, b_per_w)], idx_v
                )
            )
            pl.when(jnp.logical_not(full))(
                lambda: pltpu.sync_copy(
                    idx_hbm.at[pl.ds(base, tail_n)],
                    idx_v.at[pl.ds(0, tail_n)],
                )
            )

        def active(j):
            return base + j * _C < B

        def is_norm(j):
            return base + (j + 1) * _C <= B

        def is_bound(j):
            return jnp.logical_and(active(j), jnp.logical_not(is_norm(j)))

        def start_gather(j):
            b = j % _NB
            def _gn():
                pltpu.async_copy(
                    x_hbm.at[idx_v.at[pl.ds(j * _C, _C)]], bufs[b], gsem[b]
                )

            def _gb():
                pltpu.async_copy(
                    x_hbm.at[idx_v.at[pl.ds((B - _C) - base, _C)]],
                    bufs[b],
                    gsem[b],
                )

            pl.when(is_norm(j))(_gn)
            pl.when(is_bound(j))(_gb)

        def wait_gather(j):
            b = j % _NB
            pltpu.make_async_copy(
                x_hbm.at[idx_v.at[pl.ds(0, _C)]], bufs[b], gsem[b]
            ).wait()

        def start_store(j):
            b = j % _NB
            def _sn():
                pltpu.async_copy(
                    bufs[b], out_hbm.at[pl.ds(base + j * _C, _C)], ssem[b]
                )

            def _sb():
                pltpu.async_copy(
                    bufs[b], out_hbm.at[pl.ds(B - _C, _C)], ssem[b]
                )

            pl.when(is_norm(j))(_sn)
            pl.when(is_bound(j))(_sb)

        def wait_store(j):
            b = j % _NB
            pltpu.make_async_copy(
                bufs[b], out_hbm.at[pl.ds(0, _C)], ssem[b]
            ).wait()

        G = _NB - 1
        for j in range(G):
            start_gather(j)
        for j in range(n_chunks):
            pl.when(active(j))(lambda j=j: wait_gather(j))
            start_store(j)
            nxt = j + G
            if nxt < n_chunks:
                if j >= 1:
                    pl.when(active(nxt))(lambda j=j: wait_store(j - 1))
                start_gather(nxt)
        for j in range(n_chunks):
            nxt = j + _NB
            if nxt >= n_chunks:
                tail = active(j)
            else:
                tail = jnp.logical_and(active(j), jnp.logical_not(active(nxt)))
            pl.when(tail)(lambda j=j: wait_store(j))

    return k


def kernel(x, upsample_inds):
    D = x.shape[1]
    B = upsample_inds.shape[0]
    idx = upsample_inds[:, 0].astype(jnp.int32)
    info = plsc.get_sparse_core_info()
    NC, NS = info.num_cores, info.num_subcores
    return _make_gather(D, B, NC, NS)(x, idx)

# --- scband reference (transcript-rebuilt; emitter-appended) ---
"""Pipeline reference for scband-nearest-upsample-block-26225070309990 (READ-ONLY COPY).

The authoritative reference and input builder live on the scoring server;
editing this copy changes nothing except your own understanding.
"""

import jax, jax.numpy as jnp
import numpy as np


def setup_inputs(seed: int = 0) -> dict:
    key = jax.random.key(seed)
    k1, k2 = jax.random.split(key, 2)
    x = jax.random.normal(k1, (50000, 128), dtype=jnp.float32)
    # valid index range is [0, N] inclusive (N is the appended shadow zero row);
    # we sample in [0, N) which is always in-range
    upsample_inds = jax.random.randint(k2, (100000, 16), 0, 50000, dtype=jnp.int64)
    return {"x": x, "upsample_inds": upsample_inds}


def reference(x, upsample_inds):
    # local_nearest_pool: append a zero shadow row, then gather the nearest
    # (first) neighbor's features for each output point.
    x_pad = jnp.concatenate([x, jnp.zeros_like(x[:1, :])], axis=0)
    pooled = jnp.take(x_pad, upsample_inds[:, 0], axis=0)
    return pooled

if __name__ == "__main__":
    import jax
    _d = setup_inputs()
    print(jax.jit(kernel)(*tuple(_d.values())))

</pallas_src>

<mosaic_0001>
#map = affine_map<(d0, d1) -> (0, 0)>
#map1 = affine_map<(d0, d1) -> (0)>
module attributes {stable_mosaic.version = 14 : i64} {
  func.func @k(%arg0: i32, %arg1: i32, %arg2: memref<50000x128xf32, #tpu.memory_space<hbm>>, %arg3: memref<100000xi32, #tpu.memory_space<hbm>>, %arg4: memref<100000x128xf32, #tpu.memory_space<hbm>>, %arg5: memref<3200xi32, #tpu.memory_space<vmem>>, %arg6: memref<128x128xf32, #tpu.memory_space<vmem>>, %arg7: memref<128x128xf32, #tpu.memory_space<vmem>>, %arg8: memref<128x128xf32, #tpu.memory_space<vmem>>, %arg9: memref<128x128xf32, #tpu.memory_space<vmem>>, %arg10: memref<128x128xf32, #tpu.memory_space<vmem>>, %arg11: memref<128x128xf32, #tpu.memory_space<vmem>>, %arg12: memref<128x128xf32, #tpu.memory_space<vmem>>, %arg13: memref<!tpu.dma_semaphore, #tpu.memory_space<semaphore_mem>>, %arg14: memref<!tpu.dma_semaphore, #tpu.memory_space<semaphore_mem>>, %arg15: memref<!tpu.dma_semaphore, #tpu.memory_space<semaphore_mem>>, %arg16: memref<!tpu.dma_semaphore, #tpu.memory_space<semaphore_mem>>, %arg17: memref<!tpu.dma_semaphore, #tpu.memory_space<semaphore_mem>>, %arg18: memref<!tpu.dma_semaphore, #tpu.memory_space<semaphore_mem>>, %arg19: memref<!tpu.dma_semaphore, #tpu.memory_space<semaphore_mem>>, %arg20: memref<!tpu.dma_semaphore, #tpu.memory_space<semaphore_mem>>, %arg21: memref<!tpu.dma_semaphore, #tpu.memory_space<semaphore_mem>>, %arg22: memref<!tpu.dma_semaphore, #tpu.memory_space<semaphore_mem>>, %arg23: memref<!tpu.dma_semaphore, #tpu.memory_space<semaphore_mem>>, %arg24: memref<!tpu.dma_semaphore, #tpu.memory_space<semaphore_mem>>, %arg25: memref<!tpu.dma_semaphore, #tpu.memory_space<semaphore_mem>>, %arg26: memref<!tpu.dma_semaphore, #tpu.memory_space<semaphore_mem>>) attributes {dimension_semantics = [#tpu.dimension_semantics<core_parallel>, #tpu.dimension_semantics<subcore_parallel>], iteration_bounds = array<i64: 2, 16>, scalar_prefetch = 0 : i64, scratch_operands = 22 : i64, tpu.core_type = #tpu.core_type<sc_vector_subcore>, window_params = [{transform_indices = #map}, {transform_indices = #map1}, {transform_indices = #map}]} {
    %mul3A = arith.constant 2 : i32
    %mul3A_0 = arith.muli %arg1, %mul3A : i32
    %add3A = arith.addi %mul3A_0, %arg0 : i32
    %mul3A_1 = arith.constant 3200 : i32
    %mul3A_2 = arith.muli %add3A, %mul3A_1 : i32
    %add3A_3 = arith.constant 3200 : i32
    %add3A_4 = arith.addi %mul3A_2, %add3A_3 : i32
    %le3A = arith.constant 100000 : i32
    %le3A_5 = arith.cmpi sle, %add3A_4, %le3A : i32
    %convert_element_type3A = arith.extui %le3A_5 : i1 to i32
    %cond3A = arith.constant 0 : i32
    %cond3A_6 = arith.cmpi ne, %convert_element_type3A, %cond3A : i32
    scf.if %cond3A_6 {
      "tpu.region"() ({
        %run_scoped3A = tpu.sem_alloc : memref<!tpu.dma_semaphore, #tpu.memory_space<semaphore_mem>>
        %dma_start3A = tpu.memref_slice %arg3[%mul3A_2] : memref<100000xi32, #tpu.memory_space<hbm>> -> memref<3200xi32, #tpu.memory_space<hbm>>
        %dma_start3A_1661 = tpu.memref_slice %arg3[%mul3A_2] : memref<100000xi32, #tpu.memory_space<hbm>> -> memref<3200xi32, #tpu.memory_space<hbm>>
        tpu.enqueue_dma source(%dma_start3A_1661 : memref<3200xi32, #tpu.memory_space<hbm>>) target(%arg5 : memref<3200xi32, #tpu.memory_space<vmem>>) target_semaphore(%run_scoped3A : memref<!tpu.dma_semaphore, #tpu.memory_space<semaphore_mem>>)
        %dma_wait3A = tpu.memref_slice %arg3[%mul3A_2] : memref<100000xi32, #tpu.memory_space<hbm>> -> memref<3200xi32, #tpu.memory_space<hbm>>
        %dma_wait3A_1662 = tpu.memref_slice %arg3[%mul3A_2] : memref<100000xi32, #tpu.memory_space<hbm>> -> memref<3200xi32, #tpu.memory_space<hbm>>
        tpu.wait_dma2 semaphore(%run_scoped3A : memref<!tpu.dma_semaphore, #tpu.memory_space<semaphore_mem>>) src(%dma_wait3A_1662 : memref<3200xi32, #tpu.memory_space<hbm>>) dst(%arg5 : memref<3200xi32, #tpu.memory_space<vmem>>)
        tpu.yield
      }) : () -> ()
    } else {
    }
    %not3A = arith.constant true
    %not3A_7 = arith.xori %le3A_5, %not3A : i1
    %convert_element_type3A_8 = arith.extui %not3A_7 : i1 to i32
    %cond3A_9 = arith.constant 0 : i32
    %cond3A_10 = arith.cmpi ne, %convert_element_type3A_8, %cond3A_9 : i32
    scf.if %cond3A_10 {
      "tpu.region"() ({
        %run_scoped3A = tpu.sem_alloc : memref<!tpu.dma_semaphore, #tpu.memory_space<semaphore_mem>>
        %dma_start3A = arith.constant 0 : i32
        %dma_start3A_1661 = tpu.memref_slice %arg5[%dma_start3A] : memref<3200xi32, #tpu.memory_space<vmem>> -> memref<800xi32, #tpu.memory_space<vmem>>
        %dma_start3A_1662 = tpu.memref_slice %arg3[%mul3A_2] : memref<100000xi32, #tpu.memory_space<hbm>> -> memref<800xi32, #tpu.memory_space<hbm>>
        %dma_start3A_1663 = arith.constant 0 : i32
        %dma_start3A_1664 = tpu.memref_slice %arg5[%dma_start3A_1663] : memref<3200xi32, #tpu.memory_space<vmem>> -> memref<800xi32, #tpu.memory_space<vmem>>
        %dma_start3A_1665 = tpu.memref_slice %arg3[%mul3A_2] : memref<100000xi32, #tpu.memory_space<hbm>> -> memref<800xi32, #tpu.memory_space<hbm>>
        tpu.enqueue_dma source(%dma_start3A_1665 : memref<800xi32, #tpu.memory_space<hbm>>) target(%dma_start3A_1664 : memref<800xi32, #tpu.memory_space<vmem>>) target_semaphore(%run_scoped3A : memref<!tpu.dma_semaphore, #tpu.memory_space<semaphore_mem>>)
        %dma_wait3A = arith.constant 0 : i32
        %dma_wait3A_1666 = tpu.memref_slice %arg5[%dma_wait3A] : memref<3200xi32, #tpu.memory_space<vmem>> -> memref<800xi32, #tpu.memory_space<vmem>>
        %dma_wait3A_1667 = tpu.memref_slice %arg3[%mul3A_2] : memref<100000xi32, #tpu.memory_space<hbm>> -> memref<800xi32, #tpu.memory_space<hbm>>
        %dma_wait3A_1668 = arith.constant 0 : i32
        %dma_wait3A_1669 = tpu.memref_slice %arg5[%dma_wait3A_1668] : memref<3200xi32, #tpu.memory_space<vmem>> -> memref<800xi32, #tpu.memory_space<vmem>>
        %dma_wait3A_1670 = tpu.memref_slice %arg3[%mul3A_2] : memref<100000xi32, #tpu.memory_space<hbm>> -> memref<800xi32, #tpu.memory_space<hbm>>
        tpu.wait_dma2 semaphore(%run_scoped3A : memref<!tpu.dma_semaphore, #tpu.memory_space<semaphore_mem>>) src(%dma_wait3A_1670 : memref<800xi32, #tpu.memory_space<hbm>>) dst(%dma_wait3A_1669 : memref<800xi32, #tpu.memory_space<vmem>>)
        tpu.yield
      }) : () -> ()
    } else {
    }
    %add3A_11 = arith.constant 128 : i32
    %add3A_12 = arith.addi %mul3A_2, %add3A_11 : i32
    %le3A_13 = arith.constant 100000 : i32
    %le3A_14 = arith.cmpi sle, %add3A_12, %le3A_13 : i32
    %convert_element_type3A_15 = arith.extui %le3A_14 : i1 to i32
    %cond3A_16 = arith.constant 0 : i32
    %cond3A_17 = arith.cmpi ne, %convert_element_type3A_15, %cond3A_16 : i32
    scf.if %cond3A_17 {
      %dma_start3A = arith.constant 0 : i32
      %dma_start3A_1661 = tpu.memref_slice %arg5[%dma_start3A] : memref<3200xi32, #tpu.memory_space<vmem>> -> memref<128xi32, #tpu.memory_space<vmem>>
      %dma_start3A_1662 = arith.constant 0 : i32
      %dma_start3A_1663 = arith.constant 0 : i32
      %dma_start3A_1664 = tpu.memref_slice %arg2[%dma_start3A_1662, %dma_start3A_1663] : memref<50000x128xf32, #tpu.memory_space<hbm>> -> memref<50000x128xf32, #tpu.memory_space<hbm>>
      tpu.enqueue_indirect_dma source(%dma_start3A_1664 : memref<50000x128xf32, #tpu.memory_space<hbm>>) target(%arg6 : memref<128x128xf32, #tpu.memory_space<vmem>>) offsets(%dma_start3A_1661 : memref<128xi32, #tpu.memory_space<vmem>>) semaphore(%arg13 : memref<!tpu.dma_semaphore, #tpu.memory_space<semaphore_mem>>)
    } else {
    }
    %add3A_18 = arith.constant 0 : i32
    %add3A_19 = arith.addi %mul3A_2, %add3A_18 : i32
    %lt3A = arith.constant 100000 : i32
    %lt3A_20 = arith.cmpi slt, %add3A_19, %lt3A : i32
    %add3A_21 = arith.constant 128 : i32
    %add3A_22 = arith.addi %mul3A_2, %add3A_21 : i32
    %le3A_23 = arith.constant 100000 : i32
    %le3A_24 = arith.cmpi sle, %add3A_22, %le3A_23 : i32
    %not3A_25 = arith.constant true
    %not3A_26 = arith.xori %le3A_24, %not3A_25 : i1
    %and3A = arith.andi %lt3A_20, %not3A_26 : i1
    %convert_element_type3A_27 = arith.extui %and3A : i1 to i32
    %cond3A_28 = arith.constant 0 : i32
    %cond3A_29 = arith.cmpi ne, %convert_element_type3A_27, %cond3A_28 : i32
    scf.if %cond3A_29 {
      %sub3A = arith.constant 99872 : i32
      %sub3A_1661 = arith.subi %sub3A, %mul3A_2 : i32
      %dma_start3A = tpu.memref_slice %arg5[%sub3A_1661] : memref<3200xi32, #tpu.memory_space<vmem>> -> memref<128xi32, #tpu.memory_space<vmem>>
      %dma_start3A_1662 = arith.constant 0 : i32
      %dma_start3A_1663 = arith.constant 0 : i32
      %dma_start3A_1664 = tpu.memref_slice %arg2[%dma_start3A_1662, %dma_start3A_1663] : memref<50000x128xf32, #tpu.memory_space<hbm>> -> memref<50000x128xf32, #tpu.memory_space<hbm>>
      tpu.enqueue_indirect_dma source(%dma_start3A_1664 : memref<50000x128xf32, #tpu.memory_space<hbm>>) target(%arg6 : memref<128x128xf32, #tpu.memory_space<vmem>>) offsets(%dma_start3A : memref<128xi32, #tpu.memory_space<vmem>>) semaphore(%arg13 : memref<!tpu.dma_semaphore, #tpu.memory_space<semaphore_mem>>)
    } else {
    }
    %add3A_30 = arith.constant 256 : i32
    %add3A_31 = arith.addi %mul3A_2, %add3A_30 : i32
    %le3A_32 = arith.constant 100000 : i32
    %le3A_33 = arith.cmpi sle, %add3A_31, %le3A_32 : i32
    %convert_element_type3A_34 = arith.extui %le3A_33 : i1 to i32
    %cond3A_35 = arith.constant 0 : i32
    %cond3A_36 = arith.cmpi ne, %convert_element_type3A_34, %cond3A_35 : i32
    scf.if %cond3A_36 {
      %dma_start3A = arith.constant 128 : i32
      %dma_start3A_1661 = tpu.memref_slice %arg5[%dma_start3A] : memref<3200xi32, #tpu.memory_space<vmem>> -> memref<128xi32, #tpu.memory_space<vmem>>
      %dma_start3A_1662 = arith.constant 0 : i32
      %dma_start3A_1663 = arith.constant 0 : i32
      %dma_start3A_1664 = tpu.memref_slice %arg2[%dma_start3A_1662, %dma_start3A_1663] : memref<50000x128xf32, #tpu.memory_space<hbm>> -> memref<50000x128xf32, #tpu.memory_space<hbm>>
      tpu.enqueue_indirect_dma source(%dma_start3A_1664 : memref<50000x128xf32, #tpu.memory_space<hbm>>) target(%arg7 : memref<128x128xf32, #tpu.memory_space<vmem>>) offsets(%dma_start3A_1661 : memref<128xi32, #tpu.memory_space<vmem>>) semaphore(%arg14 : memref<!tpu.dma_semaphore, #tpu.memory_space<semaphore_mem>>)
    } else {
    }
    %add3A_37 = arith.constant 128 : i32
    %add3A_38 = arith.addi %mul3A_2, %add3A_37 : i32
    %lt3A_39 = arith.constant 100000 : i32
    %lt3A_40 = arith.cmpi slt, %add3A_38, %lt3A_39 : i32
    %add3A_41 = arith.constant 256 : i32
    %add3A_42 = arith.addi %mul3A_2, %add3A_41 : i32
    %le3A_43 = arith.constant 100000 : i32
    %le3A_44 = arith.cmpi sle, %add3A_42, %le3A_43 : i32
    %not3A_45 = arith.constant true
    %not3A_46 = arith.xori %le3A_44, %not3A_45 : i1
    %and3A_47 = arith.andi %lt3A_40, %not3A_46 : i1
    %convert_element_type3A_48 = arith.extui %and3A_47 : i1 to i32
    %cond3A_49 = arith.constant 0 : i32
    %cond3A_50 = arith.cmpi ne, %convert_element_type3A_48, %cond3A_49 : i32
    scf.if %cond3A_50 {
      %sub3A = arith.constant 99872 : i32
      %sub3A_1661 = arith.subi %sub3A, %mul3A_2 : i32
      %dma_start3A = tpu.memref_slice %arg5[%sub3A_1661] : memref<3200xi32, #tpu.memory_space<vmem>> -> memref<128xi32, #tpu.memory_space<vmem>>
      %dma_start3A_1662 = arith.constant 0 : i32
      %dma_start3A_1663 = arith.constant 0 : i32
      %dma_start3A_1664 = tpu.memref_slice %arg2[%dma_start3A_1662, %dma_start3A_1663] : memref<50000x128xf32, #tpu.memory_space<hbm>> -> memref<50000x128xf32, #tpu.memory_space<hbm>>
      tpu.enqueue_indirect_dma source(%dma_start3A_1664 : memref<50000x128xf32, #tpu.memory_space<hbm>>) target(%arg7 : memref<128x128xf32, #tpu.memory_space<vmem>>) offsets(%dma_start3A : memref<128xi32, #tpu.memory_space<vmem>>) semaphore(%arg14 : memref<!tpu.dma_semaphore, #tpu.memory_space<semaphore_mem>>)
    } else {
    }
    %add3A_51 = arith.constant 384 : i32
    %add3A_52 = arith.addi %mul3A_2, %add3A_51 : i32
    %le3A_53 = arith.constant 100000 : i32
    %le3A_54 = arith.cmpi sle, %add3A_52, %le3A_53 : i32
    %convert_element_type3A_55 = arith.extui %le3A_54 : i1 to i32
    %cond3A_56 = arith.constant 0 : i32
    %cond3A_57 = arith.cmpi ne, %convert_element_type3A_55, %cond3A_56 : i32
    scf.if %cond3A_57 {
      %dma_start3A = arith.constant 256 : i32
      %dma_start3A_1661 = tpu.memref_slice %arg5[%dma_start3A] : memref<3200xi32, #tpu.memory_space<vmem>> -> memref<128xi32, #tpu.memory_space<vmem>>
      %dma_start3A_1662 = arith.constant 0 : i32
      %dma_start3A_1663 = arith.constant 0 : i32
      %dma_start3A_1664 = tpu.memref_slice %arg2[%dma_start3A_1662, %dma_start3A_1663] : memref<50000x128xf32, #tpu.memory_space<hbm>> -> memref<50000x128xf32, #tpu.memory_space<hbm>>
      tpu.enqueue_indirect_dma source(%dma_start3A_1664 : memref<50000x128xf32, #tpu.memory_space<hbm>>) target(%arg8 : memref<128x128xf32, #tpu.memory_space<vmem>>) offsets(%dma_start3A_1661 : memref<128xi32, #tpu.memory_space<vmem>>) semaphore(%arg15 : memref<!tpu.dma_semaphore, #tpu.memory_space<semaphore_mem>>)
    } else {
    }
    %add3A_58 = arith.constant 256 : i32
    %add3A_59 = arith.addi %mul3A_2, %add3A_58 : i32
    %lt3A_60 = arith.constant 100000 : i32
    %lt3A_61 = arith.cmpi slt, %add3A_59, %lt3A_60 : i32
    %add3A_62 = arith.constant 384 : i32
    %add3A_63 = arith.addi %mul3A_2, %add3A_62 : i32
    %le3A_64 = arith.constant 100000 : i32
    %le3A_65 = arith.cmpi sle, %add3A_63, %le3A_64 : i32
    %not3A_66 = arith.constant true
    %not3A_67 = arith.xori %le3A_65, %not3A_66 : i1
    %and3A_68 = arith.andi %lt3A_61, %not3A_67 : i1
    %convert_element_type3A_69 = arith.extui %and3A_68 : i1 to i32
    %cond3A_70 = arith.constant 0 : i32
    %cond3A_71 = arith.cmpi ne, %convert_element_type3A_69, %cond3A_70 : i32
    scf.if %cond3A_71 {
      %sub3A = arith.constant 99872 : i32
      %sub3A_1661 = arith.subi %sub3A, %mul3A_2 : i32
      %dma_start3A = tpu.memref_slice %arg5[%sub3A_1661] : memref<3200xi32, #tpu.memory_space<vmem>> -> memref<128xi32, #tpu.memory_space<vmem>>
      %dma_start3A_1662 = arith.constant 0 : i32
      %dma_start3A_1663 = arith.constant 0 : i32
      %dma_start3A_1664 = tpu.memref_slice %arg2[%dma_start3A_1662, %dma_start3A_1663] : memref<50000x128xf32, #tpu.memory_space<hbm>> -> memref<50000x128xf32, #tpu.memory_space<hbm>>
      tpu.enqueue_indirect_dma source(%dma_start3A_1664 : memref<50000x128xf32, #tpu.memory_space<hbm>>) target(%arg8 : memref<128x128xf32, #tpu.memory_space<vmem>>) offsets(%dma_start3A : memref<128xi32, #tpu.memory_space<vmem>>) semaphore(%arg15 : memref<!tpu.dma_semaphore, #tpu.memory_space<semaphore_mem>>)
    } else {
    }
    %add3A_72 = arith.constant 512 : i32
    %add3A_73 = arith.addi %mul3A_2, %add3A_72 : i32
    %le3A_74 = arith.constant 100000 : i32
    %le3A_75 = arith.cmpi sle, %add3A_73, %le3A_74 : i32
    %convert_element_type3A_76 = arith.extui %le3A_75 : i1 to i32
    %cond3A_77 = arith.constant 0 : i32
    %cond3A_78 = arith.cmpi ne, %convert_element_type3A_76, %cond3A_77 : i32
    scf.if %cond3A_78 {
      %dma_start3A = arith.constant 384 : i32
      %dma_start3A_1661 = tpu.memref_slice %arg5[%dma_start3A] : memref<3200xi32, #tpu.memory_space<vmem>> -> memref<128xi32, #tpu.memory_space<vmem>>
      %dma_start3A_1662 = arith.constant 0 : i32
      %dma_start3A_1663 = arith.constant 0 : i32
      %dma_start3A_1664 = tpu.memref_slice %arg2[%dma_start3A_1662, %dma_start3A_1663] : memref<50000x128xf32, #tpu.memory_space<hbm>> -> memref<50000x128xf32, #tpu.memory_space<hbm>>
      tpu.enqueue_indirect_dma source(%dma_start3A_1664 : memref<50000x128xf32, #tpu.memory_space<hbm>>) target(%arg9 : memref<128x128xf32, #tpu.memory_space<vmem>>) offsets(%dma_start3A_1661 : memref<128xi32, #tpu.memory_space<vmem>>) semaphore(%arg16 : memref<!tpu.dma_semaphore, #tpu.memory_space<semaphore_mem>>)
    } else {
    }
    %add3A_79 = arith.constant 384 : i32
    %add3A_80 = arith.addi %mul3A_2, %add3A_79 : i32
    %lt3A_81 = arith.constant 100000 : i32
    %lt3A_82 = arith.cmpi slt, %add3A_80, %lt3A_81 : i32
    %add3A_83 = arith.constant 512 : i32
    %add3A_84 = arith.addi %mul3A_2, %add3A_83 : i32
    %le3A_85 = arith.constant 100000 : i32
    %le3A_86 = arith.cmpi sle, %add3A_84, %le3A_85 : i32
    %not3A_87 = arith.constant true
    %not3A_88 = arith.xori %le3A_86, %not3A_87 : i1
    %and3A_89 = arith.andi %lt3A_82, %not3A_88 : i1
    %convert_element_type3A_90 = arith.extui %and3A_89 : i1 to i32
    %cond3A_91 = arith.constant 0 : i32
    %cond3A_92 = arith.cmpi ne, %convert_element_type3A_90, %cond3A_91 : i32
    scf.if %cond3A_92 {
      %sub3A = arith.constant 99872 : i32
      %sub3A_1661 = arith.subi %sub3A, %mul3A_2 : i32
      %dma_start3A = tpu.memref_slice %arg5[%sub3A_1661] : memref<3200xi32, #tpu.memory_space<vmem>> -> memref<128xi32, #tpu.memory_space<vmem>>
      %dma_start3A_1662 = arith.constant 0 : i32
      %dma_start3A_1663 = arith.constant 0 : i32
      %dma_start3A_1664 = tpu.memref_slice %arg2[%dma_start3A_1662, %dma_start3A_1663] : memref<50000x128xf32, #tpu.memory_space<hbm>> -> memref<50000x128xf32, #tpu.memory_space<hbm>>
      tpu.enqueue_indirect_dma source(%dma_start3A_1664 : memref<50000x128xf32, #tpu.memory_space<hbm>>) target(%arg9 : memref<128x128xf32, #tpu.memory_space<vmem>>) offsets(%dma_start3A : memref<128xi32, #tpu.memory_space<vmem>>) semaphore(%arg16 : memref<!tpu.dma_semaphore, #tpu.memory_space<semaphore_mem>>)
    } else {
    }
    %add3A_93 = arith.constant 640 : i32
    %add3A_94 = arith.addi %mul3A_2, %add3A_93 : i32
    %le3A_95 = arith.constant 100000 : i32
    %le3A_96 = arith.cmpi sle, %add3A_94, %le3A_95 : i32
    %convert_element_type3A_97 = arith.extui %le3A_96 : i1 to i32
    %cond3A_98 = arith.constant 0 : i32
    %cond3A_99 = arith.cmpi ne, %convert_element_type3A_97, %cond3A_98 : i32
    scf.if %cond3A_99 {
      %dma_start3A = arith.constant 512 : i32
      %dma_start3A_1661 = tpu.memref_slice %arg5[%dma_start3A] : memref<3200xi32, #tpu.memory_space<vmem>> -> memref<128xi32, #tpu.memory_space<vmem>>
      %dma_start3A_1662 = arith.constant 0 : i32
      %dma_start3A_1663 = arith.constant 0 : i32
      %dma_start3A_1664 = tpu.memref_slice %arg2[%dma_start3A_1662, %dma_start3A_1663] : memref<50000x128xf32, #tpu.memory_space<hbm>> -> memref<50000x128xf32, #tpu.memory_space<hbm>>
      tpu.enqueue_indirect_dma source(%dma_start3A_1664 : memref<50000x128xf32, #tpu.memory_space<hbm>>) target(%arg10 : memref<128x128xf32, #tpu.memory_space<vmem>>) offsets(%dma_start3A_1661 : memref<128xi32, #tpu.memory_space<vmem>>) semaphore(%arg17 : memref<!tpu.dma_semaphore, #tpu.memory_space<semaphore_mem>>)
    } else {
    }
    %add3A_100 = arith.constant 512 : i32
    %add3A_101 = arith.addi %mul3A_2, %add3A_100 : i32
    %lt3A_102 = arith.constant 100000 : i32
    %lt3A_103 = arith.cmpi slt, %add3A_101, %lt3A_102 : i32
    %add3A_104 = arith.constant 640 : i32
    %add3A_105 = arith.addi %mul3A_2, %add3A_104 : i32
    %le3A_106 = arith.constant 100000 : i32
    %le3A_107 = arith.cmpi sle, %add3A_105, %le3A_106 : i32
    %not3A_108 = arith.constant true
    %not3A_109 = arith.xori %le3A_107, %not3A_108 : i1
    %and3A_110 = arith.andi %lt3A_103, %not3A_109 : i1
    %convert_element_type3A_111 = arith.extui %and3A_110 : i1 to i32
    %cond3A_112 = arith.constant 0 : i32
    %cond3A_113 = arith.cmpi ne, %convert_element_type3A_111, %cond3A_112 : i32
    scf.if %cond3A_113 {
      %sub3A = arith.constant 99872 : i32
      %sub3A_1661 = arith.subi %sub3A, %mul3A_2 : i32
      %dma_start3A = tpu.memref_slice %arg5[%sub3A_1661] : memref<3200xi32, #tpu.memory_space<vmem>> -> memref<128xi32, #tpu.memory_space<vmem>>
      %dma_start3A_1662 = arith.constant 0 : i32
      %dma_start3A_1663 = arith.constant 0 : i32
      %dma_start3A_1664 = tpu.memref_slice %arg2[%dma_start3A_1662, %dma_start3A_1663] : memref<50000x128xf32, #tpu.memory_space<hbm>> -> memref<50000x128xf32, #tpu.memory_space<hbm>>
      tpu.enqueue_indirect_dma source(%dma_start3A_1664 : memref<50000x128xf32, #tpu.memory_space<hbm>>) target(%arg10 : memref<128x128xf32, #tpu.memory_space<vmem>>) offsets(%dma_start3A : memref<128xi32, #tpu.memory_space<vmem>>) semaphore(%arg17 : memref<!tpu.dma_semaphore, #tpu.memory_space<semaphore_mem>>)
    } else {
    }
    %add3A_114 = arith.constant 768 : i32
    %add3A_115 = arith.addi %mul3A_2, %add3A_114 : i32
    %le3A_116 = arith.constant 100000 : i32
    %le3A_117 = arith.cmpi sle, %add3A_115, %le3A_116 : i32
    %convert_element_type3A_118 = arith.extui %le3A_117 : i1 to i32
    %cond3A_119 = arith.constant 0 : i32
    %cond3A_120 = arith.cmpi ne, %convert_element_type3A_118, %cond3A_119 : i32
    scf.if %cond3A_120 {
      %dma_start3A = arith.constant 640 : i32
      %dma_start3A_1661 = tpu.memref_slice %arg5[%dma_start3A] : memref<3200xi32, #tpu.memory_space<vmem>> -> memref<128xi32, #tpu.memory_space<vmem>>
      %dma_start3A_1662 = arith.constant 0 : i32
      %dma_start3A_1663 = arith.constant 0 : i32
      %dma_start3A_1664 = tpu.memref_slice %arg2[%dma_start3A_1662, %dma_start3A_1663] : memref<50000x128xf32, #tpu.memory_space<hbm>> -> memref<50000x128xf32, #tpu.memory_space<hbm>>
      tpu.enqueue_indirect_dma source(%dma_start3A_1664 : memref<50000x128xf32, #tpu.memory_space<hbm>>) target(%arg11 : memref<128x128xf32, #tpu.memory_space<vmem>>) offsets(%dma_start3A_1661 : memref<128xi32, #tpu.memory_space<vmem>>) semaphore(%arg18 : memref<!tpu.dma_semaphore, #tpu.memory_space<semaphore_mem>>)
    } else {
    }
    %add3A_121 = arith.constant 640 : i32
    %add3A_122 = arith.addi %mul3A_2, %add3A_121 : i32
    %lt3A_123 = arith.constant 100000 : i32
    %lt3A_124 = arith.cmpi slt, %add3A_122, %lt3A_123 : i32
    %add3A_125 = arith.constant 768 : i32
    %add3A_126 = arith.addi %mul3A_2, %add3A_125 : i32
    %le3A_127 = arith.constant 100000 : i32
    %le3A_128 = arith.cmpi sle, %add3A_126, %le3A_127 : i32
    %not3A_129 = arith.constant true
    %not3A_130 = arith.xori %le3A_128, %not3A_129 : i1
    %and3A_131 = arith.andi %lt3A_124, %not3A_130 : i1
    %convert_element_type3A_132 = arith.extui %and3A_131 : i1 to i32
    %cond3A_133 = arith.constant 0 : i32
    %cond3A_134 = arith.cmpi ne, %convert_element_type3A_132, %cond3A_133 : i32
    scf.if %cond3A_134 {
      %sub3A = arith.constant 99872 : i32
      %sub3A_1661 = arith.subi %sub3A, %mul3A_2 : i32
      %dma_start3A = tpu.memref_slice %arg5[%sub3A_1661] : memref<3200xi32, #tpu.memory_space<vmem>> -> memref<128xi32, #tpu.memory_space<vmem>>
      %dma_start3A_1662 = arith.constant 0 : i32
      %dma_start3A_1663 = arith.constant 0 : i32
      %dma_start3A_1664 = tpu.memref_slice %arg2[%dma_start3A_1662, %dma_start3A_1663] : memref<50000x128xf32, #tpu.memory_space<hbm>> -> memref<50000x128xf32, #tpu.memory_space<hbm>>
      tpu.enqueue_indirect_dma source(%dma_start3A_1664 : memref<50000x128xf32, #tpu.memory_space<hbm>>) target(%arg11 : memref<128x128xf32, #tpu.memory_space<vmem>>) offsets(%dma_start3A : memref<128xi32, #tpu.memory_space<vmem>>) semaphore(%arg18 : memref<!tpu.dma_semaphore, #tpu.memory_space<semaphore_mem>>)
    } else {
    }
    %add3A_135 = arith.constant 0 : i32
    %add3A_136 = arith.addi %mul3A_2, %add3A_135 : i32
    %lt3A_137 = arith.constant 100000 : i32
    %lt3A_138 = arith.cmpi slt, %add3A_136, %lt3A_137 : i32
    %convert_element_type3A_139 = arith.extui %lt3A_138 : i1 to i32
    %cond3A_140 = arith.constant 0 : i32
    %cond3A_141 = arith.cmpi ne, %convert_element_type3A_139, %cond3A_140 : i32
    scf.if %cond3A_141 {
      %dma_wait3A = arith.constant 0 : i32
      %dma_wait3A_1661 = tpu.memref_slice %arg5[%dma_wait3A] : memref<3200xi32, #tpu.memory_space<vmem>> -> memref<128xi32, #tpu.memory_space<vmem>>
      %dma_wait3A_1662 = arith.constant 0 : i32
      %dma_wait3A_1663 = arith.constant 0 : i32
      %dma_wait3A_1664 = tpu.memref_slice %arg2[%dma_wait3A_1662, %dma_wait3A_1663] : memref<50000x128xf32, #tpu.memory_space<hbm>> -> memref<50000x128xf32, #tpu.memory_space<hbm>>
      tpu.wait_indirect_dma semaphore(%arg13 : memref<!tpu.dma_semaphore, #tpu.memory_space<semaphore_mem>>) src(%dma_wait3A_1664 : memref<50000x128xf32, #tpu.memory_space<hbm>>) dst(%arg6 : memref<128x128xf32, #tpu.memory_space<vmem>>)
    } else {
    }
    %add3A_142 = arith.constant 128 : i32
    %add3A_143 = arith.addi %mul3A_2, %add3A_142 : i32
    %le3A_144 = arith.constant 100000 : i32
    %le3A_145 = arith.cmpi sle, %add3A_143, %le3A_144 : i32
    %convert_element_type3A_146 = arith.extui %le3A_145 : i1 to i32
    %cond3A_147 = arith.constant 0 : i32
    %cond3A_148 = arith.cmpi ne, %convert_element_type3A_146, %cond3A_147 : i32
    scf.if %cond3A_148 {
      %add3A_1661 = arith.constant 0 : i32
      %add3A_1662 = arith.addi %mul3A_2, %add3A_1661 : i32
      %dma_start3A = arith.constant 0 : i32
      %dma_start3A_1663 = tpu.memref_slice %arg4[%add3A_1662, %dma_start3A] : memref<100000x128xf32, #tpu.memory_space<hbm>> -> memref<128x128xf32, #tpu.memory_space<hbm>>
      %dma_start3A_1664 = arith.constant 0 : i32
      %dma_start3A_1665 = tpu.memref_slice %arg4[%add3A_1662, %dma_start3A_1664] : memref<100000x128xf32, #tpu.memory_space<hbm>> -> memref<128x128xf32, #tpu.memory_space<hbm>>
      tpu.enqueue_dma source(%arg6 : memref<128x128xf32, #tpu.memory_space<vmem>>) target(%dma_start3A_1665 : memref<128x128xf32, #tpu.memory_space<hbm>>) target_semaphore(%arg20 : memref<!tpu.dma_semaphore, #tpu.memory_space<semaphore_mem>>)
    } else {
    }
    %add3A_149 = arith.constant 0 : i32
    %add3A_150 = arith.addi %mul3A_2, %add3A_149 : i32
    %lt3A_151 = arith.constant 100000 : i32
    %lt3A_152 = arith.cmpi slt, %add3A_150, %lt3A_151 : i32
    %add3A_153 = arith.constant 128 : i32
    %add3A_154 = arith.addi %mul3A_2, %add3A_153 : i32
    %le3A_155 = arith.constant 100000 : i32
    %le3A_156 = arith.cmpi sle, %add3A_154, %le3A_155 : i32
    %not3A_157 = arith.constant true
    %not3A_158 = arith.xori %le3A_156, %not3A_157 : i1
    %and3A_159 = arith.andi %lt3A_152, %not3A_158 : i1
    %convert_element_type3A_160 = arith.extui %and3A_159 : i1 to i32
    %cond3A_161 = arith.constant 0 : i32
    %cond3A_162 = arith.cmpi ne, %convert_element_type3A_160, %cond3A_161 : i32
    scf.if %cond3A_162 {
      %dma_start3A = arith.constant 99872 : i32
      %dma_start3A_1661 = arith.constant 0 : i32
      %dma_start3A_1662 = tpu.memref_slice %arg4[%dma_start3A, %dma_start3A_1661] : memref<100000x128xf32, #tpu.memory_space<hbm>> -> memref<128x128xf32, #tpu.memory_space<hbm>>
      %dma_start3A_1663 = arith.constant 99872 : i32
      %dma_start3A_1664 = arith.constant 0 : i32
      %dma_start3A_1665 = tpu.memref_slice %arg4[%dma_start3A_1663, %dma_start3A_1664] : memref<100000x128xf32, #tpu.memory_space<hbm>> -> memref<128x128xf32, #tpu.memory_space<hbm>>
      tpu.enqueue_dma source(%arg6 : memref<128x128xf32, #tpu.memory_space<vmem>>) target(%dma_start3A_1665 : memref<128x128xf32, #tpu.memory_space<hbm>>) target_semaphore(%arg20 : memref<!tpu.dma_semaphore, #tpu.memory_space<semaphore_mem>>)
    } else {
    }
    %add3A_163 = arith.constant 896 : i32
    %add3A_164 = arith.addi %mul3A_2, %add3A_163 : i32
    %le3A_165 = arith.constant 100000 : i32
    %le3A_166 = arith.cmpi sle, %add3A_164, %le3A_165 : i32
    %convert_element_type3A_167 = arith.extui %le3A_166 : i1 to i32
    %cond3A_168 = arith.constant 0 : i32
    %cond3A_169 = arith.cmpi ne, %convert_element_type3A_167, %cond3A_168 : i32
    scf.if %cond3A_169 {
      %dma_start3A = arith.constant 768 : i32
      %dma_start3A_1661 = tpu.memref_slice %arg5[%dma_start3A] : memref<3200xi32, #tpu.memory_space<vmem>> -> memref<128xi32, #tpu.memory_space<vmem>>
      %dma_start3A_1662 = arith.constant 0 : i32
      %dma_start3A_1663 = arith.constant 0 : i32
      %dma_start3A_1664 = tpu.memref_slice %arg2[%dma_start3A_1662, %dma_start3A_1663] : memref<50000x128xf32, #tpu.memory_space<hbm>> -> memref<50000x128xf32, #tpu.memory_space<hbm>>
      tpu.enqueue_indirect_dma source(%dma_start3A_1664 : memref<50000x128xf32, #tpu.memory_space<hbm>>) target(%arg12 : memref<128x128xf32, #tpu.memory_space<vmem>>) offsets(%dma_start3A_1661 : memref<128xi32, #tpu.memory_space<vmem>>) semaphore(%arg19 : memref<!tpu.dma_semaphore, #tpu.memory_space<semaphore_mem>>)
    } else {
    }
    %add3A_170 = arith.constant 768 : i32
    %add3A_171 = arith.addi %mul3A_2, %add3A_170 : i32
    %lt3A_172 = arith.constant 100000 : i32
    %lt3A_173 = arith.cmpi slt, %add3A_171, %lt3A_172 : i32
    %add3A_174 = arith.constant 896 : i32
    %add3A_175 = arith.addi %mul3A_2, %add3A_174 : i32
    %le3A_176 = arith.constant 100000 : i32
    %le3A_177 = arith.cmpi sle, %add3A_175, %le3A_176 : i32
    %not3A_178 = arith.constant true
    %not3A_179 = arith.xori %le3A_177, %not3A_178 : i1
    %and3A_180 = arith.andi %lt3A_173, %not3A_179 : i1
    %convert_element_type3A_181 = arith.extui %and3A_180 : i1 to i32
    %cond3A_182 = arith.constant 0 : i32
    %cond3A_183 = arith.cmpi ne, %convert_element_type3A_181, %cond3A_182 : i32
    scf.if %cond3A_183 {
      %sub3A = arith.constant 99872 : i32
      %sub3A_1661 = arith.subi %sub3A, %mul3A_2 : i32
      %dma_start3A = tpu.memref_slice %arg5[%sub3A_1661] : memref<3200xi32, #tpu.memory_space<vmem>> -> memref<128xi32, #tpu.memory_space<vmem>>
      %dma_start3A_1662 = arith.constant 0 : i32
      %dma_start3A_1663 = arith.constant 0 : i32
      %dma_start3A_1664 = tpu.memref_slice %arg2[%dma_start3A_1662, %dma_start3A_1663] : memref<50000x128xf32, #tpu.memory_space<hbm>> -> memref<50000x128xf32, #tpu.memory_space<hbm>>
      tpu.enqueue_indirect_dma source(%dma_start3A_1664 : memref<50000x128xf32, #tpu.memory_space<hbm>>) target(%arg12 : memref<128x128xf32, #tpu.memory_space<vmem>>) offsets(%dma_start3A : memref<128xi32, #tpu.memory_space<vmem>>) semaphore(%arg19 : memref<!tpu.dma_semaphore, #tpu.memory_space<semaphore_mem>>)
    } else {
    }
    %add3A_184 = arith.constant 128 : i32
    %add3A_185 = arith.addi %mul3A_2, %add3A_184 : i32
    %lt3A_186 = arith.constant 100000 : i32
    %lt3A_187 = arith.cmpi slt, %add3A_185, %lt3A_186 : i32
    %convert_element_type3A_188 = arith.extui %lt3A_187 : i1 to i32
    %cond3A_189 = arith.constant 0 : i32
    %cond3A_190 = arith.cmpi ne, %convert_element_type3A_188, %cond3A_189 : i32
    scf.if %cond3A_190 {
      %dma_wait3A = arith.constant 0 : i32
      %dma_wait3A_1661 = tpu.memref_slice %arg5[%dma_wait3A] : memref<3200xi32, #tpu.memory_space<vmem>> -> memref<128xi32, #tpu.memory_space<vmem>>
      %dma_wait3A_1662 = arith.constant 0 : i32
      %dma_wait3A_1663 = arith.constant 0 : i32
      %dma_wait3A_1664 = tpu.memref_slice %arg2[%dma_wait3A_1662, %dma_wait3A_1663] : memref<50000x128xf32, #tpu.memory_space<hbm>> -> memref<50000x128xf32, #tpu.memory_space<hbm>>
      tpu.wait_indirect_dma semaphore(%arg14 : memref<!tpu.dma_semaphore, #tpu.memory_space<semaphore_mem>>) src(%dma_wait3A_1664 : memref<50000x128xf32, #tpu.memory_space<hbm>>) dst(%arg7 : memref<128x128xf32, #tpu.memory_space<vmem>>)
    } else {
    }
    %add3A_191 = arith.constant 256 : i32
    %add3A_192 = arith.addi %mul3A_2, %add3A_191 : i32
    %le3A_193 = arith.constant 100000 : i32
    %le3A_194 = arith.cmpi sle, %add3A_192, %le3A_193 : i32
    %convert_element_type3A_195 = arith.extui %le3A_194 : i1 to i32
    %cond3A_196 = arith.constant 0 : i32
    %cond3A_197 = arith.cmpi ne, %convert_element_type3A_195, %cond3A_196 : i32
    scf.if %cond3A_197 {
      %add3A_1661 = arith.constant 128 : i32
      %add3A_1662 = arith.addi %mul3A_2, %add3A_1661 : i32
      %dma_start3A = arith.constant 0 : i32
      %dma_start3A_1663 = tpu.memref_slice %arg4[%add3A_1662, %dma_start3A] : memref<100000x128xf32, #tpu.memory_space<hbm>> -> memref<128x128xf32, #tpu.memory_space<hbm>>
      %dma_start3A_1664 = arith.constant 0 : i32
      %dma_start3A_1665 = tpu.memref_slice %arg4[%add3A_1662, %dma_start3A_1664] : memref<100000x128xf32, #tpu.memory_space<hbm>> -> memref<128x128xf32, #tpu.memory_space<hbm>>
      tpu.enqueue_dma source(%arg7 : memref<128x128xf32, #tpu.memory_space<vmem>>) target(%dma_start3A_1665 : memref<128x128xf32, #tpu.memory_space<hbm>>) target_semaphore(%arg21 : memref<!tpu.dma_semaphore, #tpu.memory_space<semaphore_mem>>)
    } else {
    }
    %add3A_198 = arith.constant 128 : i32
    %add3A_199 = arith.addi %mul3A_2, %add3A_198 : i32
    %lt3A_200 = arith.constant 100000 : i32
    %lt3A_201 = arith.cmpi slt, %add3A_199, %lt3A_200 : i32
    %add3A_202 = arith.constant 256 : i32
    %add3A_203 = arith.addi %mul3A_2, %add3A_202 : i32
    %le3A_204 = arith.constant 100000 : i32
    %le3A_205 = arith.cmpi sle, %add3A_203, %le3A_204 : i32
    %not3A_206 = arith.constant true
    %not3A_207 = arith.xori %le3A_205, %not3A_206 : i1
    %and3A_208 = arith.andi %lt3A_201, %not3A_207 : i1
    %convert_element_type3A_209 = arith.extui %and3A_208 : i1 to i32
    %cond3A_210 = arith.constant 0 : i32
    %cond3A_211 = arith.cmpi ne, %convert_element_type3A_209, %cond3A_210 : i32
    scf.if %cond3A_211 {
      %dma_start3A = arith.constant 99872 : i32
      %dma_start3A_1661 = arith.constant 0 : i32
      %dma_start3A_1662 = tpu.memref_slice %arg4[%dma_start3A, %dma_start3A_1661] : memref<100000x128xf32, #tpu.memory_space<hbm>> -> memref<128x128xf32, #tpu.memory_space<hbm>>
      %dma_start3A_1663 = arith.constant 99872 : i32
      %dma_start3A_1664 = arith.constant 0 : i32
      %dma_start3A_1665 = tpu.memref_slice %arg4[%dma_start3A_1663, %dma_start3A_1664] : memref<100000x128xf32, #tpu.memory_space<hbm>> -> memref<128x128xf32, #tpu.memory_space<hbm>>
      tpu.enqueue_dma source(%arg7 : memref<128x128xf32, #tpu.memory_space<vmem>>) target(%dma_start3A_1665 : memref<128x128xf32, #tpu.memory_space<hbm>>) target_semaphore(%arg21 : memref<!tpu.dma_semaphore, #tpu.memory_space<semaphore_mem>>)
    } else {
    }
    %add3A_212 = arith.constant 896 : i32
    %add3A_213 = arith.addi %mul3A_2, %add3A_212 : i32
    %lt3A_214 = arith.constant 100000 : i32
    %lt3A_215 = arith.cmpi slt, %add3A_213, %lt3A_214 : i32
    %convert_element_type3A_216 = arith.extui %lt3A_215 : i1 to i32
    %cond3A_217 = arith.constant 0 : i32
    %cond3A_218 = arith.cmpi ne, %convert_element_type3A_216, %cond3A_217 : i32
    scf.if %cond3A_218 {
      %dma_wait3A = arith.constant 0 : i32
      %dma_wait3A_1661 = arith.constant 0 : i32
      %dma_wait3A_1662 = tpu.memref_slice %arg4[%dma_wait3A, %dma_wait3A_1661] : memref<100000x128xf32, #tpu.memory_space<hbm>> -> memref<128x128xf32, #tpu.memory_space<hbm>>
      %dma_wait3A_1663 = arith.constant 0 : i32
      %dma_wait3A_1664 = arith.constant 0 : i32
      %dma_wait3A_1665 = tpu.memref_slice %arg4[%dma_wait3A_1663, %dma_wait3A_1664] : memref<100000x128xf32, #tpu.memory_space<hbm>> -> memref<128x128xf32, #tpu.memory_space<hbm>>
      tpu.wait_dma2 semaphore(%arg20 : memref<!tpu.dma_semaphore, #tpu.memory_space<semaphore_mem>>) src(%arg6 : memref<128x128xf32, #tpu.memory_space<vmem>>) dst(%dma_wait3A_1665 : memref<128x128xf32, #tpu.memory_space<hbm>>)
    } else {
    }
    %add3A_219 = arith.constant 1024 : i32
    %add3A_220 = arith.addi %mul3A_2, %add3A_219 : i32
    %le3A_221 = arith.constant 100000 : i32
    %le3A_222 = arith.cmpi sle, %add3A_220, %le3A_221 : i32
    %convert_element_type3A_223 = arith.extui %le3A_222 : i1 to i32
    %cond3A_224 = arith.constant 0 : i32
    %cond3A_225 = arith.cmpi ne, %convert_element_type3A_223, %cond3A_224 : i32
    scf.if %cond3A_225 {
      %dma_start3A = arith.constant 896 : i32
      %dma_start3A_1661 = tpu.memref_slice %arg5[%dma_start3A] : memref<3200xi32, #tpu.memory_space<vmem>> -> memref<128xi32, #tpu.memory_space<vmem>>
      %dma_start3A_1662 = arith.constant 0 : i32
      %dma_start3A_1663 = arith.constant 0 : i32
      %dma_start3A_1664 = tpu.memref_slice %arg2[%dma_start3A_1662, %dma_start3A_1663] : memref<50000x128xf32, #tpu.memory_space<hbm>> -> memref<50000x128xf32, #tpu.memory_space<hbm>>
      tpu.enqueue_indirect_dma source(%dma_start3A_1664 : memref<50000x128xf32, #tpu.memory_space<hbm>>) target(%arg6 : memref<128x128xf32, #tpu.memory_space<vmem>>) offsets(%dma_start3A_1661 : memref<128xi32, #tpu.memory_space<vmem>>) semaphore(%arg13 : memref<!tpu.dma_semaphore, #tpu.memory_space<semaphore_mem>>)
    } else {
    }
    %add3A_226 = arith.constant 896 : i32
    %add3A_227 = arith.addi %mul3A_2, %add3A_226 : i32
    %lt3A_228 = arith.constant 100000 : i32
    %lt3A_229 = arith.cmpi slt, %add3A_227, %lt3A_228 : i32
    %add3A_230 = arith.constant 1024 : i32
    %add3A_231 = arith.addi %mul3A_2, %add3A_230 : i32
    %le3A_232 = arith.constant 100000 : i32
    %le3A_233 = arith.cmpi sle, %add3A_231, %le3A_232 : i32
    %not3A_234 = arith.constant true
    %not3A_235 = arith.xori %le3A_233, %not3A_234 : i1
    %and3A_236 = arith.andi %lt3A_229, %not3A_235 : i1
    %convert_element_type3A_237 = arith.extui %and3A_236 : i1 to i32
    %cond3A_238 = arith.constant 0 : i32
    %cond3A_239 = arith.cmpi ne, %convert_element_type3A_237, %cond3A_238 : i32
    scf.if %cond3A_239 {
      %sub3A = arith.constant 99872 : i32
      %sub3A_1661 = arith.subi %sub3A, %mul3A_2 : i32
      %dma_start3A = tpu.memref_slice %arg5[%sub3A_1661] : memref<3200xi32, #tpu.memory_space<vmem>> -> memref<128xi32, #tpu.memory_space<vmem>>
      %dma_start3A_1662 = arith.constant 0 : i32
      %dma_start3A_1663 = arith.constant 0 : i32
      %dma_start3A_1664 = tpu.memref_slice %arg2[%dma_start3A_1662, %dma_start3A_1663] : memref<50000x128xf32, #tpu.memory_space<hbm>> -> memref<50000x128xf32, #tpu.memory_space<hbm>>
      tpu.enqueue_indirect_dma source(%dma_start3A_1664 : memref<50000x128xf32, #tpu.memory_space<hbm>>) target(%arg6 : memref<128x128xf32, #tpu.memory_space<vmem>>) offsets(%dma_start3A : memref<128xi32, #tpu.memory_space<vmem>>) semaphore(%arg13 : memref<!tpu.dma_semaphore, #tpu.memory_space<semaphore_mem>>)
    } else {
    }
    %add3A_240 = arith.constant 256 : i32
    %add3A_241 = arith.addi %mul3A_2, %add3A_240 : i32
    %lt3A_242 = arith.constant 100000 : i32
    %lt3A_243 = arith.cmpi slt, %add3A_241, %lt3A_242 : i32
    %convert_element_type3A_244 = arith.extui %lt3A_243 : i1 to i32
    %cond3A_245 = arith.constant 0 : i32
    %cond3A_246 = arith.cmpi ne, %convert_element_type3A_244, %cond3A_245 : i32
    scf.if %cond3A_246 {
      %dma_wait3A = arith.constant 0 : i32
      %dma_wait3A_1661 = tpu.memref_slice %arg5[%dma_wait3A] : memref<3200xi32, #tpu.memory_space<vmem>> -> memref<128xi32, #tpu.memory_space<vmem>>
      %dma_wait3A_1662 = arith.constant 0 : i32
      %dma_wait3A_1663 = arith.constant 0 : i32
      %dma_wait3A_1664 = tpu.memref_slice %arg2[%dma_wait3A_1662, %dma_wait3A_1663] : memref<50000x128xf32, #tpu.memory_space<hbm>> -> memref<50000x128xf32, #tpu.memory_space<hbm>>
      tpu.wait_indirect_dma semaphore(%arg15 : memref<!tpu.dma_semaphore, #tpu.memory_space<semaphore_mem>>) src(%dma_wait3A_1664 : memref<50000x128xf32, #tpu.memory_space<hbm>>) dst(%arg8 : memref<128x128xf32, #tpu.memory_space<vmem>>)
    } else {
    }
    %add3A_247 = arith.constant 384 : i32
    %add3A_248 = arith.addi %mul3A_2, %add3A_247 : i32
    %le3A_249 = arith.constant 100000 : i32
    %le3A_250 = arith.cmpi sle, %add3A_248, %le3A_249 : i32
    %convert_element_type3A_251 = arith.extui %le3A_250 : i1 to i32
    %cond3A_252 = arith.constant 0 : i32
    %cond3A_253 = arith.cmpi ne, %convert_element_type3A_251, %cond3A_252 : i32
    scf.if %cond3A_253 {
      %add3A_1661 = arith.constant 256 : i32
      %add3A_1662 = arith.addi %mul3A_2, %add3A_1661 : i32
      %dma_start3A = arith.constant 0 : i32
      %dma_start3A_1663 = tpu.memref_slice %arg4[%add3A_1662, %dma_start3A] : memref<100000x128xf32, #tpu.memory_space<hbm>> -> memref<128x128xf32, #tpu.memory_space<hbm>>
      %dma_start3A_1664 = arith.constant 0 : i32
      %dma_start3A_1665 = tpu.memref_slice %arg4[%add3A_1662, %dma_start3A_1664] : memref<100000x128xf32, #tpu.memory_space<hbm>> -> memref<128x128xf32, #tpu.memory_space<hbm>>
      tpu.enqueue_dma source(%arg8 : memref<128x128xf32, #tpu.memory_space<vmem>>) target(%dma_start3A_1665 : memref<128x128xf32, #tpu.memory_space<hbm>>) target_semaphore(%arg22 : memref<!tpu.dma_semaphore, #tpu.memory_space<semaphore_mem>>)
    } else {
    }
    %add3A_254 = arith.constant 256 : i32
    %add3A_255 = arith.addi %mul3A_2, %add3A_254 : i32
    %lt3A_256 = arith.constant 100000 : i32
    %lt3A_257 = arith.cmpi slt, %add3A_255, %lt3A_256 : i32
    %add3A_258 = arith.constant 384 : i32
    %add3A_259 = arith.addi %mul3A_2, %add3A_258 : i32
    %le3A_260 = arith.constant 100000 : i32
    %le3A_261 = arith.cmpi sle, %add3A_259, %le3A_260 : i32
    %not3A_262 = arith.constant true
    %not3A_263 = arith.xori %le3A_261, %not3A_262 : i1
    %and3A_264 = arith.andi %lt3A_257, %not3A_263 : i1
    %convert_element_type3A_265 = arith.extui %and3A_264 : i1 to i32
    %cond3A_266 = arith.constant 0 : i32
    %cond3A_267 = arith.cmpi ne, %convert_element_type3A_265, %cond3A_266 : i32
    scf.if %cond3A_267 {
      %dma_start3A = arith.constant 99872 : i32
      %dma_start3A_1661 = arith.constant 0 : i32
      %dma_start3A_1662 = tpu.memref_slice %arg4[%dma_start3A, %dma_start3A_1661] : memref<100000x128xf32, #tpu.memory_space<hbm>> -> memref<128x128xf32, #tpu.memory_space<hbm>>
      %dma_start3A_1663 = arith.constant 99872 : i32
      %dma_start3A_1664 = arith.constant 0 : i32
      %dma_start3A_1665 = tpu.memref_slice %arg4[%dma_start3A_1663, %dma_start3A_1664] : memref<100000x128xf32, #tpu.memory_space<hbm>> -> memref<128x128xf32, #tpu.memory_space<hbm>>
      tpu.enqueue_dma source(%arg8 : memref<128x128xf32, #tpu.memory_space<vmem>>) target(%dma_start3A_1665 : memref<128x128xf32, #tpu.memory_space<hbm>>) target_semaphore(%arg22 : memref<!tpu.dma_semaphore, #tpu.memory_space<semaphore_mem>>)
    } else {
    }
    %add3A_268 = arith.constant 1024 : i32
    %add3A_269 = arith.addi %mul3A_2, %add3A_268 : i32
    %lt3A_270 = arith.constant 100000 : i32
    %lt3A_271 = arith.cmpi slt, %add3A_269, %lt3A_270 : i32
    %convert_element_type3A_272 = arith.extui %lt3A_271 : i1 to i32
    %cond3A_273 = arith.constant 0 : i32
    %cond3A_274 = arith.cmpi ne, %convert_element_type3A_272, %cond3A_273 : i32
    scf.if %cond3A_274 {
      %dma_wait3A = arith.constant 0 : i32
      %dma_wait3A_1661 = arith.constant 0 : i32
      %dma_wait3A_1662 = tpu.memref_slice %arg4[%dma_wait3A, %dma_wait3A_1661] : memref<100000x128xf32, #tpu.memory_space<hbm>> -> memref<128x128xf32, #tpu.memory_space<hbm>>
      %dma_wait3A_1663 = arith.constant 0 : i32
      %dma_wait3A_1664 = arith.constant 0 : i32
      %dma_wait3A_1665 = tpu.memref_slice %arg4[%dma_wait3A_1663, %dma_wait3A_1664] : memref<100000x128xf32, #tpu.memory_space<hbm>> -> memref<128x128xf32, #tpu.memory_space<hbm>>
      tpu.wait_dma2 semaphore(%arg21 : memref<!tpu.dma_semaphore, #tpu.memory_space<semaphore_mem>>) src(%arg7 : memref<128x128xf32, #tpu.memory_space<vmem>>) dst(%dma_wait3A_1665 : memref<128x128xf32, #tpu.memory_space<hbm>>)
    } else {
    }
    %add3A_275 = arith.constant 1152 : i32
    %add3A_276 = arith.addi %mul3A_2, %add3A_275 : i32
    %le3A_277 = arith.constant 100000 : i32
    %le3A_278 = arith.cmpi sle, %add3A_276, %le3A_277 : i32
    %convert_element_type3A_279 = arith.extui %le3A_278 : i1 to i32
    %cond3A_280 = arith.constant 0 : i32
    %cond3A_281 = arith.cmpi ne, %convert_element_type3A_279, %cond3A_280 : i32
    scf.if %cond3A_281 {
      %dma_start3A = arith.constant 1024 : i32
      %dma_start3A_1661 = tpu.memref_slice %arg5[%dma_start3A] : memref<3200xi32, #tpu.memory_space<vmem>> -> memref<128xi32, #tpu.memory_space<vmem>>
      %dma_start3A_1662 = arith.constant 0 : i32
      %dma_start3A_1663 = arith.constant 0 : i32
      %dma_start3A_1664 = tpu.memref_slice %arg2[%dma_start3A_1662, %dma_start3A_1663] : memref<50000x128xf32, #tpu.memory_space<hbm>> -> memref<50000x128xf32, #tpu.memory_space<hbm>>
      tpu.enqueue_indirect_dma source(%dma_start3A_1664 : memref<50000x128xf32, #tpu.memory_space<hbm>>) target(%arg7 : memref<128x128xf32, #tpu.memory_space<vmem>>) offsets(%dma_start3A_1661 : memref<128xi32, #tpu.memory_space<vmem>>) semaphore(%arg14 : memref<!tpu.dma_semaphore, #tpu.memory_space<semaphore_mem>>)
    } else {
    }
    %add3A_282 = arith.constant 1024 : i32
    %add3A_283 = arith.addi %mul3A_2, %add3A_282 : i32
    %lt3A_284 = arith.constant 100000 : i32
    %lt3A_285 = arith.cmpi slt, %add3A_283, %lt3A_284 : i32
    %add3A_286 = arith.constant 1152 : i32
    %add3A_287 = arith.addi %mul3A_2, %add3A_286 : i32
    %le3A_288 = arith.constant 100000 : i32
    %le3A_289 = arith.cmpi sle, %add3A_287, %le3A_288 : i32
    %not3A_290 = arith.constant true
    %not3A_291 = arith.xori %le3A_289, %not3A_290 : i1
    %and3A_292 = arith.andi %lt3A_285, %not3A_291 : i1
    %convert_element_type3A_293 = arith.extui %and3A_292 : i1 to i32
    %cond3A_294 = arith.constant 0 : i32
    %cond3A_295 = arith.cmpi ne, %convert_element_type3A_293, %cond3A_294 : i32
    scf.if %cond3A_295 {
      %sub3A = arith.constant 99872 : i32
      %sub3A_1661 = arith.subi %sub3A, %mul3A_2 : i32
      %dma_start3A = tpu.memref_slice %arg5[%sub3A_1661] : memref<3200xi32, #tpu.memory_space<vmem>> -> memref<128xi32, #tpu.memory_space<vmem>>
      %dma_start3A_1662 = arith.constant 0 : i32
      %dma_start3A_1663 = arith.constant 0 : i32
      %dma_start3A_1664 = tpu.memref_slice %arg2[%dma_start3A_1662, %dma_start3A_1663] : memref<50000x128xf32, #tpu.memory_space<hbm>> -> memref<50000x128xf32, #tpu.memory_space<hbm>>
      tpu.enqueue_indirect_dma source(%dma_start3A_1664 : memref<50000x128xf32, #tpu.memory_space<hbm>>) target(%arg7 : memref<128x128xf32, #tpu.memory_space<vmem>>) offsets(%dma_start3A : memref<128xi32, #tpu.memory_space<vmem>>) semaphore(%arg14 : memref<!tpu.dma_semaphore, #tpu.memory_space<semaphore_mem>>)
    } else {
    }
    %add3A_296 = arith.constant 384 : i32
    %add3A_297 = arith.addi %mul3A_2, %add3A_296 : i32
    %lt3A_298 = arith.constant 100000 : i32
    %lt3A_299 = arith.cmpi slt, %add3A_297, %lt3A_298 : i32
    %convert_element_type3A_300 = arith.extui %lt3A_299 : i1 to i32
    %cond3A_301 = arith.constant 0 : i32
    %cond3A_302 = arith.cmpi ne, %convert_element_type3A_300, %cond3A_301 : i32
    scf.if %cond3A_302 {
      %dma_wait3A = arith.constant 0 : i32
      %dma_wait3A_1661 = tpu.memref_slice %arg5[%dma_wait3A] : memref<3200xi32, #tpu.memory_space<vmem>> -> memref<128xi32, #tpu.memory_space<vmem>>
      %dma_wait3A_1662 = arith.constant 0 : i32
      %dma_wait3A_1663 = arith.constant 0 : i32
      %dma_wait3A_1664 = tpu.memref_slice %arg2[%dma_wait3A_1662, %dma_wait3A_1663] : memref<50000x128xf32, #tpu.memory_space<hbm>> -> memref<50000x128xf32, #tpu.memory_space<hbm>>
      tpu.wait_indirect_dma semaphore(%arg16 : memref<!tpu.dma_semaphore, #tpu.memory_space<semaphore_mem>>) src(%dma_wait3A_1664 : memref<50000x128xf32, #tpu.memory_space<hbm>>) dst(%arg9 : memref<128x128xf32, #tpu.memory_space<vmem>>)
    } else {
    }
    %add3A_303 = arith.constant 512 : i32
    %add3A_304 = arith.addi %mul3A_2, %add3A_303 : i32
    %le3A_305 = arith.constant 100000 : i32
    %le3A_306 = arith.cmpi sle, %add3A_304, %le3A_305 : i32
    %convert_element_type3A_307 = arith.extui %le3A_306 : i1 to i32
    %cond3A_308 = arith.constant 0 : i32
    %cond3A_309 = arith.cmpi ne, %convert_element_type3A_307, %cond3A_308 : i32
    scf.if %cond3A_309 {
      %add3A_1661 = arith.constant 384 : i32
      %add3A_1662 = arith.addi %mul3A_2, %add3A_1661 : i32
      %dma_start3A = arith.constant 0 : i32
      %dma_start3A_1663 = tpu.memref_slice %arg4[%add3A_1662, %dma_start3A] : memref<100000x128xf32, #tpu.memory_space<hbm>> -> memref<128x128xf32, #tpu.memory_space<hbm>>
      %dma_start3A_1664 = arith.constant 0 : i32
      %dma_start3A_1665 = tpu.memref_slice %arg4[%add3A_1662, %dma_start3A_1664] : memref<100000x128xf32, #tpu.memory_space<hbm>> -> memref<128x128xf32, #tpu.memory_space<hbm>>
      tpu.enqueue_dma source(%arg9 : memref<128x128xf32, #tpu.memory_space<vmem>>) target(%dma_start3A_1665 : memref<128x128xf32, #tpu.memory_space<hbm>>) target_semaphore(%arg23 : memref<!tpu.dma_semaphore, #tpu.memory_space<semaphore_mem>>)
    } else {
    }
    %add3A_310 = arith.constant 384 : i32
    %add3A_311 = arith.addi %mul3A_2, %add3A_310 : i32
    %lt3A_312 = arith.constant 100000 : i32
    %lt3A_313 = arith.cmpi slt, %add3A_311, %lt3A_312 : i32
    %add3A_314 = arith.constant 512 : i32
    %add3A_315 = arith.addi %mul3A_2, %add3A_314 : i32
    %le3A_316 = arith.constant 100000 : i32
    %le3A_317 = arith.cmpi sle, %add3A_315, %le3A_316 : i32
    %not3A_318 = arith.constant true
    %not3A_319 = arith.xori %le3A_317, %not3A_318 : i1
    %and3A_320 = arith.andi %lt3A_313, %not3A_319 : i1
    %convert_element_type3A_321 = arith.extui %and3A_320 : i1 to i32
    %cond3A_322 = arith.constant 0 : i32
    %cond3A_323 = arith.cmpi ne, %convert_element_type3A_321, %cond3A_322 : i32
    scf.if %cond3A_323 {
      %dma_start3A = arith.constant 99872 : i32
      %dma_start3A_1661 = arith.constant 0 : i32
      %dma_start3A_1662 = tpu.memref_slice %arg4[%dma_start3A, %dma_start3A_1661] : memref<100000x128xf32, #tpu.memory_space<hbm>> -> memref<128x128xf32, #tpu.memory_space<hbm>>
      %dma_start3A_1663 = arith.constant 99872 : i32
      %dma_start3A_1664 = arith.constant 0 : i32
      %dma_start3A_1665 = tpu.memref_slice %arg4[%dma_start3A_1663, %dma_start3A_1664] : memref<100000x128xf32, #tpu.memory_space<hbm>> -> memref<128x128xf32, #tpu.memory_space<hbm>>
      tpu.enqueue_dma source(%arg9 : memref<128x128xf32, #tpu.memory_space<vmem>>) target(%dma_start3A_1665 : memref<128x128xf32, #tpu.memory_space<hbm>>) target_semaphore(%arg23 : memref<!tpu.dma_semaphore, #tpu.memory_space<semaphore_mem>>)
    } else {
    }
    %add3A_324 = arith.constant 1152 : i32
    %add3A_325 = arith.addi %mul3A_2, %add3A_324 : i32
    %lt3A_326 = arith.constant 100000 : i32
    %lt3A_327 = arith.cmpi slt, %add3A_325, %lt3A_326 : i32
    %convert_element_type3A_328 = arith.extui %lt3A_327 : i1 to i32
    %cond3A_329 = arith.constant 0 : i32
    %cond3A_330 = arith.cmpi ne, %convert_element_type3A_328, %cond3A_329 : i32
    scf.if %cond3A_330 {
      %dma_wait3A = arith.constant 0 : i32
      %dma_wait3A_1661 = arith.constant 0 : i32
      %dma_wait3A_1662 = tpu.memref_slice %arg4[%dma_wait3A, %dma_wait3A_1661] : memref<100000x128xf32, #tpu.memory_space<hbm>> -> memref<128x128xf32, #tpu.memory_space<hbm>>
      %dma_wait3A_1663 = arith.constant 0 : i32
      %dma_wait3A_1664 = arith.constant 0 : i32
      %dma_wait3A_1665 = tpu.memref_slice %arg4[%dma_wait3A_1663, %dma_wait3A_1664] : memref<100000x128xf32, #tpu.memory_space<hbm>> -> memref<128x128xf32, #tpu.memory_space<hbm>>
      tpu.wait_dma2 semaphore(%arg22 : memref<!tpu.dma_semaphore, #tpu.memory_space<semaphore_mem>>) src(%arg8 : memref<128x128xf32, #tpu.memory_space<vmem>>) dst(%dma_wait3A_1665 : memref<128x128xf32, #tpu.memory_space<hbm>>)
    } else {
    }
    %add3A_331 = arith.constant 1280 : i32
    %add3A_332 = arith.addi %mul3A_2, %add3A_331 : i32
    %le3A_333 = arith.constant 100000 : i32
    %le3A_334 = arith.cmpi sle, %add3A_332, %le3A_333 : i32
    %convert_element_type3A_335 = arith.extui %le3A_334 : i1 to i32
    %cond3A_336 = arith.constant 0 : i32
    %cond3A_337 = arith.cmpi ne, %convert_element_type3A_335, %cond3A_336 : i32
    scf.if %cond3A_337 {
      %dma_start3A = arith.constant 1152 : i32
      %dma_start3A_1661 = tpu.memref_slice %arg5[%dma_start3A] : memref<3200xi32, #tpu.memory_space<vmem>> -> memref<128xi32, #tpu.memory_space<vmem>>
      %dma_start3A_1662 = arith.constant 0 : i32
      %dma_start3A_1663 = arith.constant 0 : i32
      %dma_start3A_1664 = tpu.memref_slice %arg2[%dma_start3A_1662, %dma_start3A_1663] : memref<50000x128xf32, #tpu.memory_space<hbm>> -> memref<50000x128xf32, #tpu.memory_space<hbm>>
      tpu.enqueue_indirect_dma source(%dma_start3A_1664 : memref<50000x128xf32, #tpu.memory_space<hbm>>) target(%arg8 : memref<128x128xf32, #tpu.memory_space<vmem>>) offsets(%dma_start3A_1661 : memref<128xi32, #tpu.memory_space<vmem>>) semaphore(%arg15 : memref<!tpu.dma_semaphore, #tpu.memory_space<semaphore_mem>>)
    } else {
    }
    %add3A_338 = arith.constant 1152 : i32
    %add3A_339 = arith.addi %mul3A_2, %add3A_338 : i32
    %lt3A_340 = arith.constant 100000 : i32
    %lt3A_341 = arith.cmpi slt, %add3A_339, %lt3A_340 : i32
    %add3A_342 = arith.constant 1280 : i32
    %add3A_343 = arith.addi %mul3A_2, %add3A_342 : i32
    %le3A_344 = arith.constant 100000 : i32
    %le3A_345 = arith.cmpi sle, %add3A_343, %le3A_344 : i32
    %not3A_346 = arith.constant true
    %not3A_347 = arith.xori %le3A_345, %not3A_346 : i1
    %and3A_348 = arith.andi %lt3A_341, %not3A_347 : i1
    %convert_element_type3A_349 = arith.extui %and3A_348 : i1 to i32
    %cond3A_350 = arith.constant 0 : i32
    %cond3A_351 = arith.cmpi ne, %convert_element_type3A_349, %cond3A_350 : i32
    scf.if %cond3A_351 {
      %sub3A = arith.constant 99872 : i32
      %sub3A_1661 = arith.subi %sub3A, %mul3A_2 : i32
      %dma_start3A = tpu.memref_slice %arg5[%sub3A_1661] : memref<3200xi32, #tpu.memory_space<vmem>> -> memref<128xi32, #tpu.memory_space<vmem>>
      %dma_start3A_1662 = arith.constant 0 : i32
      %dma_start3A_1663 = arith.constant 0 : i32
      %dma_start3A_1664 = tpu.memref_slice %arg2[%dma_start3A_1662, %dma_start3A_1663] : memref<50000x128xf32, #tpu.memory_space<hbm>> -> memref<50000x128xf32, #tpu.memory_space<hbm>>
      tpu.enqueue_indirect_dma source(%dma_start3A_1664 : memref<50000x128xf32, #tpu.memory_space<hbm>>) target(%arg8 : memref<128x128xf32, #tpu.memory_space<vmem>>) offsets(%dma_start3A : memref<128xi32, #tpu.memory_space<vmem>>) semaphore(%arg15 : memref<!tpu.dma_semaphore, #tpu.memory_space<semaphore_mem>>)
    } else {
    }
    %add3A_352 = arith.constant 512 : i32
    %add3A_353 = arith.addi %mul3A_2, %add3A_352 : i32
    %lt3A_354 = arith.constant 100000 : i32
    %lt3A_355 = arith.cmpi slt, %add3A_353, %lt3A_354 : i32
    %convert_element_type3A_356 = arith.extui %lt3A_355 : i1 to i32
    %cond3A_357 = arith.constant 0 : i32
    %cond3A_358 = arith.cmpi ne, %convert_element_type3A_356, %cond3A_357 : i32
    scf.if %cond3A_358 {
      %dma_wait3A = arith.constant 0 : i32
      %dma_wait3A_1661 = tpu.memref_slice %arg5[%dma_wait3A] : memref<3200xi32, #tpu.memory_space<vmem>> -> memref<128xi32, #tpu.memory_space<vmem>>
      %dma_wait3A_1662 = arith.constant 0 : i32
      %dma_wait3A_1663 = arith.constant 0 : i32
      %dma_wait3A_1664 = tpu.memref_slice %arg2[%dma_wait3A_1662, %dma_wait3A_1663] : memref<50000x128xf32, #tpu.memory_space<hbm>> -> memref<50000x128xf32, #tpu.memory_space<hbm>>
      tpu.wait_indirect_dma semaphore(%arg17 : memref<!tpu.dma_semaphore, #tpu.memory_space<semaphore_mem>>) src(%dma_wait3A_1664 : memref<50000x128xf32, #tpu.memory_space<hbm>>) dst(%arg10 : memref<128x128xf32, #tpu.memory_space<vmem>>)
    } else {
    }
    %add3A_359 = arith.constant 640 : i32
    %add3A_360 = arith.addi %mul3A_2, %add3A_359 : i32
    %le3A_361 = arith.constant 100000 : i32
    %le3A_362 = arith.cmpi sle, %add3A_360, %le3A_361 : i32
    %convert_element_type3A_363 = arith.extui %le3A_362 : i1 to i32
    %cond3A_364 = arith.constant 0 : i32
    %cond3A_365 = arith.cmpi ne, %convert_element_type3A_363, %cond3A_364 : i32
    scf.if %cond3A_365 {
      %add3A_1661 = arith.constant 512 : i32
      %add3A_1662 = arith.addi %mul3A_2, %add3A_1661 : i32
      %dma_start3A = arith.constant 0 : i32
      %dma_start3A_1663 = tpu.memref_slice %arg4[%add3A_1662, %dma_start3A] : memref<100000x128xf32, #tpu.memory_space<hbm>> -> memref<128x128xf32, #tpu.memory_space<hbm>>
      %dma_start3A_1664 = arith.constant 0 : i32
      %dma_start3A_1665 = tpu.memref_slice %arg4[%add3A_1662, %dma_start3A_1664] : memref<100000x128xf32, #tpu.memory_space<hbm>> -> memref<128x128xf32, #tpu.memory_space<hbm>>
      tpu.enqueue_dma source(%arg10 : memref<128x128xf32, #tpu.memory_space<vmem>>) target(%dma_start3A_1665 : memref<128x128xf32, #tpu.memory_space<hbm>>) target_semaphore(%arg24 : memref<!tpu.dma_semaphore, #tpu.memory_space<semaphore_mem>>)
    } else {
    }
    %add3A_366 = arith.constant 512 : i32
    %add3A_367 = arith.addi %mul3A_2, %add3A_366 : i32
    %lt3A_368 = arith.constant 100000 : i32
    %lt3A_369 = arith.cmpi slt, %add3A_367, %lt3A_368 : i32
    %add3A_370 = arith.constant 640 : i32
    %add3A_371 = arith.addi %mul3A_2, %add3A_370 : i32
    %le3A_372 = arith.constant 100000 : i32
    %le3A_373 = arith.cmpi sle, %add3A_371, %le3A_372 : i32
    %not3A_374 = arith.constant true
    %not3A_375 = arith.xori %le3A_373, %not3A_374 : i1
    %and3A_376 = arith.andi %lt3A_369, %not3A_375 : i1
    %convert_element_type3A_377 = arith.extui %and3A_376 : i1 to i32
    %cond3A_378 = arith.constant 0 : i32
    %cond3A_379 = arith.cmpi ne, %convert_element_type3A_377, %cond3A_378 : i32
    scf.if %cond3A_379 {
      %dma_start3A = arith.constant 99872 : i32
      %dma_start3A_1661 = arith.constant 0 : i32
      %dma_start3A_1662 = tpu.memref_slice %arg4[%dma_start3A, %dma_start3A_1661] : memref<100000x128xf32, #tpu.memory_space<hbm>> -> memref<128x128xf32, #tpu.memory_space<hbm>>
      %dma_start3A_1663 = arith.constant 99872 : i32
      %dma_start3A_1664 = arith.constant 0 : i32
      %dma_start3A_1665 = tpu.memref_slice %arg4[%dma_start3A_1663, %dma_start3A_1664] : memref<100000x128xf32, #tpu.memory_space<hbm>> -> memref<128x128xf32, #tpu.memory_space<hbm>>
      tpu.enqueue_dma source(%arg10 : memref<128x128xf32, #tpu.memory_space<vmem>>) target(%dma_start3A_1665 : memref<128x128xf32, #tpu.memory_space<hbm>>) target_semaphore(%arg24 : memref<!tpu.dma_semaphore, #tpu.memory_space<semaphore_mem>>)
    } else {
    }
    %add3A_380 = arith.constant 1280 : i32
    %add3A_381 = arith.addi %mul3A_2, %add3A_380 : i32
    %lt3A_382 = arith.constant 100000 : i32
    %lt3A_383 = arith.cmpi slt, %add3A_381, %lt3A_382 : i32
    %convert_element_type3A_384 = arith.extui %lt3A_383 : i1 to i32
    %cond3A_385 = arith.constant 0 : i32
    %cond3A_386 = arith.cmpi ne, %convert_element_type3A_384, %cond3A_385 : i32
    scf.if %cond3A_386 {
      %dma_wait3A = arith.constant 0 : i32
      %dma_wait3A_1661 = arith.constant 0 : i32
      %dma_wait3A_1662 = tpu.memref_slice %arg4[%dma_wait3A, %dma_wait3A_1661] : memref<100000x128xf32, #tpu.memory_space<hbm>> -> memref<128x128xf32, #tpu.memory_space<hbm>>
      %dma_wait3A_1663 = arith.constant 0 : i32
      %dma_wait3A_1664 = arith.constant 0 : i32
      %dma_wait3A_1665 = tpu.memref_slice %arg4[%dma_wait3A_1663, %dma_wait3A_1664] : memref<100000x128xf32, #tpu.memory_space<hbm>> -> memref<128x128xf32, #tpu.memory_space<hbm>>
      tpu.wait_dma2 semaphore(%arg23 : memref<!tpu.dma_semaphore, #tpu.memory_space<semaphore_mem>>) src(%arg9 : memref<128x128xf32, #tpu.memory_space<vmem>>) dst(%dma_wait3A_1665 : memref<128x128xf32, #tpu.memory_space<hbm>>)
    } else {
    }
    %add3A_387 = arith.constant 1408 : i32
    %add3A_388 = arith.addi %mul3A_2, %add3A_387 : i32
    %le3A_389 = arith.constant 100000 : i32
    %le3A_390 = arith.cmpi sle, %add3A_388, %le3A_389 : i32
    %convert_element_type3A_391 = arith.extui %le3A_390 : i1 to i32
    %cond3A_392 = arith.constant 0 : i32
    %cond3A_393 = arith.cmpi ne, %convert_element_type3A_391, %cond3A_392 : i32
    scf.if %cond3A_393 {
      %dma_start3A = arith.constant 1280 : i32
      %dma_start3A_1661 = tpu.memref_slice %arg5[%dma_start3A] : memref<3200xi32, #tpu.memory_space<vmem>> -> memref<128xi32, #tpu.memory_space<vmem>>
      %dma_start3A_1662 = arith.constant 0 : i32
      %dma_start3A_1663 = arith.constant 0 : i32
      %dma_start3A_1664 = tpu.memref_slice %arg2[%dma_start3A_1662, %dma_start3A_1663] : memref<50000x128xf32, #tpu.memory_space<hbm>> -> memref<50000x128xf32, #tpu.memory_space<hbm>>
      tpu.enqueue_indirect_dma source(%dma_start3A_1664 : memref<50000x128xf32, #tpu.memory_space<hbm>>) target(%arg9 : memref<128x128xf32, #tpu.memory_space<vmem>>) offsets(%dma_start3A_1661 : memref<128xi32, #tpu.memory_space<vmem>>) semaphore(%arg16 : memref<!tpu.dma_semaphore, #tpu.memory_space<semaphore_mem>>)
    } else {
    }
    %add3A_394 = arith.constant 1280 : i32
    %add3A_395 = arith.addi %mul3A_2, %add3A_394 : i32
    %lt3A_396 = arith.constant 100000 : i32
    %lt3A_397 = arith.cmpi slt, %add3A_395, %lt3A_396 : i32
    %add3A_398 = arith.constant 1408 : i32
    %add3A_399 = arith.addi %mul3A_2, %add3A_398 : i32
    %le3A_400 = arith.constant 100000 : i32
    %le3A_401 = arith.cmpi sle, %add3A_399, %le3A_400 : i32
    %not3A_402 = arith.constant true
    %not3A_403 = arith.xori %le3A_401, %not3A_402 : i1
    %and3A_404 = arith.andi %lt3A_397, %not3A_403 : i1
    %convert_element_type3A_405 = arith.extui %and3A_404 : i1 to i32
    %cond3A_406 = arith.constant 0 : i32
    %cond3A_407 = arith.cmpi ne, %convert_element_type3A_405, %cond3A_406 : i32
    scf.if %cond3A_407 {
      %sub3A = arith.constant 99872 : i32
      %sub3A_1661 = arith.subi %sub3A, %mul3A_2 : i32
      %dma_start3A = tpu.memref_slice %arg5[%sub3A_1661] : memref<3200xi32, #tpu.memory_space<vmem>> -> memref<128xi32, #tpu.memory_space<vmem>>
      %dma_start3A_1662 = arith.constant 0 : i32
      %dma_start3A_1663 = arith.constant 0 : i32
      %dma_start3A_1664 = tpu.memref_slice %arg2[%dma_start3A_1662, %dma_start3A_1663] : memref<50000x128xf32, #tpu.memory_space<hbm>> -> memref<50000x128xf32, #tpu.memory_space<hbm>>
      tpu.enqueue_indirect_dma source(%dma_start3A_1664 : memref<50000x128xf32, #tpu.memory_space<hbm>>) target(%arg9 : memref<128x128xf32, #tpu.memory_space<vmem>>) offsets(%dma_start3A : memref<128xi32, #tpu.memory_space<vmem>>) semaphore(%arg16 : memref<!tpu.dma_semaphore, #tpu.memory_space<semaphore_mem>>)
    } else {
    }
    %add3A_408 = arith.constant 640 : i32
    %add3A_409 = arith.addi %mul3A_2, %add3A_408 : i32
    %lt3A_410 = arith.constant 100000 : i32
    %lt3A_411 = arith.cmpi slt, %add3A_409, %lt3A_410 : i32
    %convert_element_type3A_412 = arith.extui %lt3A_411 : i1 to i32
    %cond3A_413 = arith.constant 0 : i32
    %cond3A_414 = arith.cmpi ne, %convert_element_type3A_412, %cond3A_413 : i32
    scf.if %cond3A_414 {
      %dma_wait3A = arith.constant 0 : i32
      %dma_wait3A_1661 = tpu.memref_slice %arg5[%dma_wait3A] : memref<3200xi32, #tpu.memory_space<vmem>> -> memref<128xi32, #tpu.memory_space<vmem>>
      %dma_wait3A_1662 = arith.constant 0 : i32
      %dma_wait3A_1663 = arith.constant 0 : i32
      %dma_wait3A_1664 = tpu.memref_slice %arg2[%dma_wait3A_1662, %dma_wait3A_1663] : memref<50000x128xf32, #tpu.memory_space<hbm>> -> memref<50000x128xf32, #tpu.memory_space<hbm>>
      tpu.wait_indirect_dma semaphore(%arg18 : memref<!tpu.dma_semaphore, #tpu.memory_space<semaphore_mem>>) src(%dma_wait3A_1664 : memref<50000x128xf32, #tpu.memory_space<hbm>>) dst(%arg11 : memref<128x128xf32, #tpu.memory_space<vmem>>)
    } else {
    }
    %add3A_415 = arith.constant 768 : i32
    %add3A_416 = arith.addi %mul3A_2, %add3A_415 : i32
    %le3A_417 = arith.constant 100000 : i32
    %le3A_418 = arith.cmpi sle, %add3A_416, %le3A_417 : i32
    %convert_element_type3A_419 = arith.extui %le3A_418 : i1 to i32
    %cond3A_420 = arith.constant 0 : i32
    %cond3A_421 = arith.cmpi ne, %convert_element_type3A_419, %cond3A_420 : i32
    scf.if %cond3A_421 {
      %add3A_1661 = arith.constant 640 : i32
      %add3A_1662 = arith.addi %mul3A_2, %add3A_1661 : i32
      %dma_start3A = arith.constant 0 : i32
      %dma_start3A_1663 = tpu.memref_slice %arg4[%add3A_1662, %dma_start3A] : memref<100000x128xf32, #tpu.memory_space<hbm>> -> memref<128x128xf32, #tpu.memory_space<hbm>>
      %dma_start3A_1664 = arith.constant 0 : i32
      %dma_start3A_1665 = tpu.memref_slice %arg4[%add3A_1662, %dma_start3A_1664] : memref<100000x128xf32, #tpu.memory_space<hbm>> -> memref<128x128xf32, #tpu.memory_space<hbm>>
      tpu.enqueue_dma source(%arg11 : memref<128x128xf32, #tpu.memory_space<vmem>>) target(%dma_start3A_1665 : memref<128x128xf32, #tpu.memory_space<hbm>>) target_semaphore(%arg25 : memref<!tpu.dma_semaphore, #tpu.memory_space<semaphore_mem>>)
    } else {
    }
    %add3A_422 = arith.constant 640 : i32
    %add3A_423 = arith.addi %mul3A_2, %add3A_422 : i32
    %lt3A_424 = arith.constant 100000 : i32
    %lt3A_425 = arith.cmpi slt, %add3A_423, %lt3A_424 : i32
    %add3A_426 = arith.constant 768 : i32
    %add3A_427 = arith.addi %mul3A_2, %add3A_426 : i32
    %le3A_428 = arith.constant 100000 : i32
    %le3A_429 = arith.cmpi sle, %add3A_427, %le3A_428 : i32
    %not3A_430 = arith.constant true
    %not3A_431 = arith.xori %le3A_429, %not3A_430 : i1
    %and3A_432 = arith.andi %lt3A_425, %not3A_431 : i1
    %convert_element_type3A_433 = arith.extui %and3A_432 : i1 to i32
    %cond3A_434 = arith.constant 0 : i32
    %cond3A_435 = arith.cmpi ne, %convert_element_type3A_433, %cond3A_434 : i32
    scf.if %cond3A_435 {
      %dma_start3A = arith.constant 99872 : i32
      %dma_start3A_1661 = arith.constant 0 : i32
      %dma_start3A_1662 = tpu.memref_slice %arg4[%dma_start3A, %dma_start3A_1661] : memref<100000x128xf32, #tpu.memory_space<hbm>> -> memref<128x128xf32, #tpu.memory_space<hbm>>
      %dma_start3A_1663 = arith.constant 99872 : i32
      %dma_start3A_1664 = arith.constant 0 : i32
      %dma_start3A_1665 = tpu.memref_slice %arg4[%dma_start3A_1663, %dma_start3A_1664] : memref<100000x128xf32, #tpu.memory_space<hbm>> -> memref<128x128xf32, #tpu.memory_space<hbm>>
      tpu.enqueue_dma source(%arg11 : memref<128x128xf32, #tpu.memory_space<vmem>>) target(%dma_start3A_1665 : memref<128x128xf32, #tpu.memory_space<hbm>>) target_semaphore(%arg25 : memref<!tpu.dma_semaphore, #tpu.memory_space<semaphore_mem>>)
    } else {
    }
    %add3A_436 = arith.constant 1408 : i32
    %add3A_437 = arith.addi %mul3A_2, %add3A_436 : i32
    %lt3A_438 = arith.constant 100000 : i32
    %lt3A_439 = arith.cmpi slt, %add3A_437, %lt3A_438 : i32
    %convert_element_type3A_440 = arith.extui %lt3A_439 : i1 to i32
    %cond3A_441 = arith.constant 0 : i32
    %cond3A_442 = arith.cmpi ne, %convert_element_type3A_440, %cond3A_441 : i32
    scf.if %cond3A_442 {
      %dma_wait3A = arith.constant 0 : i32
      %dma_wait3A_1661 = arith.constant 0 : i32
      %dma_wait3A_1662 = tpu.memref_slice %arg4[%dma_wait3A, %dma_wait3A_1661] : memref<100000x128xf32, #tpu.memory_space<hbm>> -> memref<128x128xf32, #tpu.memory_space<hbm>>
      %dma_wait3A_1663 = arith.constant 0 : i32
      %dma_wait3A_1664 = arith.constant 0 : i32
      %dma_wait3A_1665 = tpu.memref_slice %arg4[%dma_wait3A_1663, %dma_wait3A_1664] : memref<100000x128xf32, #tpu.memory_space<hbm>> -> memref<128x128xf32, #tpu.memory_space<hbm>>
      tpu.wait_dma2 semaphore(%arg24 : memref<!tpu.dma_semaphore, #tpu.memory_space<semaphore_mem>>) src(%arg10 : memref<128x128xf32, #tpu.memory_space<vmem>>) dst(%dma_wait3A_1665 : memref<128x128xf32, #tpu.memory_space<hbm>>)
    } else {
    }
    %add3A_443 = arith.constant 1536 : i32
    %add3A_444 = arith.addi %mul3A_2, %add3A_443 : i32
    %le3A_445 = arith.constant 100000 : i32
    %le3A_446 = arith.cmpi sle, %add3A_444, %le3A_445 : i32
    %convert_element_type3A_447 = arith.extui %le3A_446 : i1 to i32
    %cond3A_448 = arith.constant 0 : i32
    %cond3A_449 = arith.cmpi ne, %convert_element_type3A_447, %cond3A_448 : i32
    scf.if %cond3A_449 {
      %dma_start3A = arith.constant 1408 : i32
      %dma_start3A_1661 = tpu.memref_slice %arg5[%dma_start3A] : memref<3200xi32, #tpu.memory_space<vmem>> -> memref<128xi32, #tpu.memory_space<vmem>>
      %dma_start3A_1662 = arith.constant 0 : i32
      %dma_start3A_1663 = arith.constant 0 : i32
      %dma_start3A_1664 = tpu.memref_slice %arg2[%dma_start3A_1662, %dma_start3A_1663] : memref<50000x128xf32, #tpu.memory_space<hbm>> -> memref<50000x128xf32, #tpu.memory_space<hbm>>
      tpu.enqueue_indirect_dma source(%dma_start3A_1664 : memref<50000x128xf32, #tpu.memory_space<hbm>>) target(%arg10 : memref<128x128xf32, #tpu.memory_space<vmem>>) offsets(%dma_start3A_1661 : memref<128xi32, #tpu.memory_space<vmem>>) semaphore(%arg17 : memref<!tpu.dma_semaphore, #tpu.memory_space<semaphore_mem>>)
    } else {
    }
    %add3A_450 = arith.constant 1408 : i32
    %add3A_451 = arith.addi %mul3A_2, %add3A_450 : i32
    %lt3A_452 = arith.constant 100000 : i32
    %lt3A_453 = arith.cmpi slt, %add3A_451, %lt3A_452 : i32
    %add3A_454 = arith.constant 1536 : i32
    %add3A_455 = arith.addi %mul3A_2, %add3A_454 : i32
    %le3A_456 = arith.constant 100000 : i32
    %le3A_457 = arith.cmpi sle, %add3A_455, %le3A_456 : i32
    %not3A_458 = arith.constant true
    %not3A_459 = arith.xori %le3A_457, %not3A_458 : i1
    %and3A_460 = arith.andi %lt3A_453, %not3A_459 : i1
    %convert_element_type3A_461 = arith.extui %and3A_460 : i1 to i32
    %cond3A_462 = arith.constant 0 : i32
    %cond3A_463 = arith.cmpi ne, %convert_element_type3A_461, %cond3A_462 : i32
    scf.if %cond3A_463 {
      %sub3A = arith.constant 99872 : i32
      %sub3A_1661 = arith.subi %sub3A, %mul3A_2 : i32
      %dma_start3A = tpu.memref_slice %arg5[%sub3A_1661] : memref<3200xi32, #tpu.memory_space<vmem>> -> memref<128xi32, #tpu.memory_space<vmem>>
      %dma_start3A_1662 = arith.constant 0 : i32
      %dma_start3A_1663 = arith.constant 0 : i32
      %dma_start3A_1664 = tpu.memref_slice %arg2[%dma_start3A_1662, %dma_start3A_1663] : memref<50000x128xf32, #tpu.memory_space<hbm>> -> memref<50000x128xf32, #tpu.memory_space<hbm>>
      tpu.enqueue_indirect_dma source(%dma_start3A_1664 : memref<50000x128xf32, #tpu.memory_space<hbm>>) target(%arg10 : memref<128x128xf32, #tpu.memory_space<vmem>>) offsets(%dma_start3A : memref<128xi32, #tpu.memory_space<vmem>>) semaphore(%arg17 : memref<!tpu.dma_semaphore, #tpu.memory_space<semaphore_mem>>)
    } else {
    }
    %add3A_464 = arith.constant 768 : i32
    %add3A_465 = arith.addi %mul3A_2, %add3A_464 : i32
    %lt3A_466 = arith.constant 100000 : i32
    %lt3A_467 = arith.cmpi slt, %add3A_465, %lt3A_466 : i32
    %convert_element_type3A_468 = arith.extui %lt3A_467 : i1 to i32
    %cond3A_469 = arith.constant 0 : i32
    %cond3A_470 = arith.cmpi ne, %convert_element_type3A_468, %cond3A_469 : i32
    scf.if %cond3A_470 {
      %dma_wait3A = arith.constant 0 : i32
      %dma_wait3A_1661 = tpu.memref_slice %arg5[%dma_wait3A] : memref<3200xi32, #tpu.memory_space<vmem>> -> memref<128xi32, #tpu.memory_space<vmem>>
      %dma_wait3A_1662 = arith.constant 0 : i32
      %dma_wait3A_1663 = arith.constant 0 : i32
      %dma_wait3A_1664 = tpu.memref_slice %arg2[%dma_wait3A_1662, %dma_wait3A_1663] : memref<50000x128xf32, #tpu.memory_space<hbm>> -> memref<50000x128xf32, #tpu.memory_space<hbm>>
      tpu.wait_indirect_dma semaphore(%arg19 : memref<!tpu.dma_semaphore, #tpu.memory_space<semaphore_mem>>) src(%dma_wait3A_1664 : memref<50000x128xf32, #tpu.memory_space<hbm>>) dst(%arg12 : memref<128x128xf32, #tpu.memory_space<vmem>>)
    } else {
    }
    %add3A_471 = arith.constant 896 : i32
    %add3A_472 = arith.addi %mul3A_2, %add3A_471 : i32
    %le3A_473 = arith.constant 100000 : i32
    %le3A_474 = arith.cmpi sle, %add3A_472, %le3A_473 : i32
    %convert_element_type3A_475 = arith.extui %le3A_474 : i1 to i32
    %cond3A_476 = arith.constant 0 : i32
    %cond3A_477 = arith.cmpi ne, %convert_element_type3A_475, %cond3A_476 : i32
    scf.if %cond3A_477 {
      %add3A_1661 = arith.constant 768 : i32
      %add3A_1662 = arith.addi %mul3A_2, %add3A_1661 : i32
      %dma_start3A = arith.constant 0 : i32
      %dma_start3A_1663 = tpu.memref_slice %arg4[%add3A_1662, %dma_start3A] : memref<100000x128xf32, #tpu.memory_space<hbm>> -> memref<128x128xf32, #tpu.memory_space<hbm>>
      %dma_start3A_1664 = arith.constant 0 : i32
      %dma_start3A_1665 = tpu.memref_slice %arg4[%add3A_1662, %dma_start3A_1664] : memref<100000x128xf32, #tpu.memory_space<hbm>> -> memref<128x128xf32, #tpu.memory_space<hbm>>
      tpu.enqueue_dma source(%arg12 : memref<128x128xf32, #tpu.memory_space<vmem>>) target(%dma_start3A_1665 : memref<128x128xf32, #tpu.memory_space<hbm>>) target_semaphore(%arg26 : memref<!tpu.dma_semaphore, #tpu.memory_space<semaphore_mem>>)
    } else {
    }
    %add3A_478 = arith.constant 768 : i32
    %add3A_479 = arith.addi %mul3A_2, %add3A_478 : i32
    %lt3A_480 = arith.constant 100000 : i32
    %lt3A_481 = arith.cmpi slt, %add3A_479, %lt3A_480 : i32
    %add3A_482 = arith.constant 896 : i32
    %add3A_483 = arith.addi %mul3A_2, %add3A_482 : i32
    %le3A_484 = arith.constant 100000 : i32
    %le3A_485 = arith.cmpi sle, %add3A_483, %le3A_484 : i32
    %not3A_486 = arith.constant true
    %not3A_487 = arith.xori %le3A_485, %not3A_486 : i1
    %and3A_488 = arith.andi %lt3A_481, %not3A_487 : i1
    %convert_element_type3A_489 = arith.extui %and3A_488 : i1 to i32
    %cond3A_490 = arith.constant 0 : i32
    %cond3A_491 = arith.cmpi ne, %convert_element_type3A_489, %cond3A_490 : i32
    scf.if %cond3A_491 {
      %dma_start3A = arith.constant 99872 : i32
      %dma_start3A_1661 = arith.constant 0 : i32
      %dma_start3A_1662 = tpu.memref_slice %arg4[%dma_start3A, %dma_start3A_1661] : memref<100000x128xf32, #tpu.memory_space<hbm>> -> memref<128x128xf32, #tpu.memory_space<hbm>>
      %dma_start3A_1663 = arith.constant 99872 : i32
      %dma_start3A_1664 = arith.constant 0 : i32
      %dma_start3A_1665 = tpu.memref_slice %arg4[%dma_start3A_1663, %dma_start3A_1664] : memref<100000x128xf32, #tpu.memory_space<hbm>> -> memref<128x128xf32, #tpu.memory_space<hbm>>
      tpu.enqueue_dma source(%arg12 : memref<128x128xf32, #tpu.memory_space<vmem>>) target(%dma_start3A_1665 : memref<128x128xf32, #tpu.memory_space<hbm>>) target_semaphore(%arg26 : memref<!tpu.dma_semaphore, #tpu.memory_space<semaphore_mem>>)
    } else {
    }
    %add3A_492 = arith.constant 1536 : i32
    %add3A_493 = arith.addi %mul3A_2, %add3A_492 : i32
    %lt3A_494 = arith.constant 100000 : i32
    %lt3A_495 = arith.cmpi slt, %add3A_493, %lt3A_494 : i32
    %convert_element_type3A_496 = arith.extui %lt3A_495 : i1 to i32
    %cond3A_497 = arith.constant 0 : i32
    %cond3A_498 = arith.cmpi ne, %convert_element_type3A_496, %cond3A_497 : i32
    scf.if %cond3A_498 {
      %dma_wait3A = arith.constant 0 : i32
      %dma_wait3A_1661 = arith.constant 0 : i32
      %dma_wait3A_1662 = tpu.memref_slice %arg4[%dma_wait3A, %dma_wait3A_1661] : memref<100000x128xf32, #tpu.memory_space<hbm>> -> memref<128x128xf32, #tpu.memory_space<hbm>>
      %dma_wait3A_1663 = arith.constant 0 : i32
      %dma_wait3A_1664 = arith.constant 0 : i32
      %dma_wait3A_1665 = tpu.memref_slice %arg4[%dma_wait3A_1663, %dma_wait3A_1664] : memref<100000x128xf32, #tpu.memory_space<hbm>> -> memref<128x128xf32, #tpu.memory_space<hbm>>
      tpu.wait_dma2 semaphore(%arg25 : memref<!tpu.dma_semaphore, #tpu.memory_space<semaphore_mem>>) src(%arg11 : memref<128x128xf32, #tpu.memory_space<vmem>>) dst(%dma_wait3A_1665 : memref<128x128xf32, #tpu.memory_space<hbm>>)
    } else {
    }
    %add3A_499 = arith.constant 1664 : i32
    %add3A_500 = arith.addi %mul3A_2, %add3A_499 : i32
    %le3A_501 = arith.constant 100000 : i32
    %le3A_502 = arith.cmpi sle, %add3A_500, %le3A_501 : i32
    %convert_element_type3A_503 = arith.extui %le3A_502 : i1 to i32
    %cond3A_504 = arith.constant 0 : i32
    %cond3A_505 = arith.cmpi ne, %convert_element_type3A_503, %cond3A_504 : i32
    scf.if %cond3A_505 {
      %dma_start3A = arith.constant 1536 : i32
      %dma_start3A_1661 = tpu.memref_slice %arg5[%dma_start3A] : memref<3200xi32, #tpu.memory_space<vmem>> -> memref<128xi32, #tpu.memory_space<vmem>>
      %dma_start3A_1662 = arith.constant 0 : i32
      %dma_start3A_1663 = arith.constant 0 : i32
      %dma_start3A_1664 = tpu.memref_slice %arg2[%dma_start3A_1662, %dma_start3A_1663] : memref<50000x128xf32, #tpu.memory_space<hbm>> -> memref<50000x128xf32, #tpu.memory_space<hbm>>
      tpu.enqueue_indirect_dma source(%dma_start3A_1664 : memref<50000x128xf32, #tpu.memory_space<hbm>>) target(%arg11 : memref<128x128xf32, #tpu.memory_space<vmem>>) offsets(%dma_start3A_1661 : memref<128xi32, #tpu.memory_space<vmem>>) semaphore(%arg18 : memref<!tpu.dma_semaphore, #tpu.memory_space<semaphore_mem>>)
    } else {
    }
    %add3A_506 = arith.constant 1536 : i32
    %add3A_507 = arith.addi %mul3A_2, %add3A_506 : i32
    %lt3A_508 = arith.constant 100000 : i32
    %lt3A_509 = arith.cmpi slt, %add3A_507, %lt3A_508 : i32
    %add3A_510 = arith.constant 1664 : i32
    %add3A_511 = arith.addi %mul3A_2, %add3A_510 : i32
    %le3A_512 = arith.constant 100000 : i32
    %le3A_513 = arith.cmpi sle, %add3A_511, %le3A_512 : i32
    %not3A_514 = arith.constant true
    %not3A_515 = arith.xori %le3A_513, %not3A_514 : i1
    %and3A_516 = arith.andi %lt3A_509, %not3A_515 : i1
    %convert_element_type3A_517 = arith.extui %and3A_516 : i1 to i32
    %cond3A_518 = arith.constant 0 : i32
    %cond3A_519 = arith.cmpi ne, %convert_element_type3A_517, %cond3A_518 : i32
    scf.if %cond3A_519 {
      %sub3A = arith.constant 99872 : i32
      %sub3A_1661 = arith.subi %sub3A, %mul3A_2 : i32
      %dma_start3A = tpu.memref_slice %arg5[%sub3A_1661] : memref<3200xi32, #tpu.memory_space<vmem>> -> memref<128xi32, #tpu.memory_space<vmem>>
      %dma_start3A_1662 = arith.constant 0 : i32
      %dma_start3A_1663 = arith.constant 0 : i32
      %dma_start3A_1664 = tpu.memref_slice %arg2[%dma_start3A_1662, %dma_start3A_1663] : memref<50000x128xf32, #tpu.memory_space<hbm>> -> memref<50000x128xf32, #tpu.memory_space<hbm>>
      tpu.enqueue_indirect_dma source(%dma_start3A_1664 : memref<50000x128xf32, #tpu.memory_space<hbm>>) target(%arg11 : memref<128x128xf32, #tpu.memory_space<vmem>>) offsets(%dma_start3A : memref<128xi32, #tpu.memory_space<vmem>>) semaphore(%arg18 : memref<!tpu.dma_semaphore, #tpu.memory_space<semaphore_mem>>)
    } else {
    }
    %add3A_520 = arith.constant 896 : i32
    %add3A_521 = arith.addi %mul3A_2, %add3A_520 : i32
    %lt3A_522 = arith.constant 100000 : i32
    %lt3A_523 = arith.cmpi slt, %add3A_521, %lt3A_522 : i32
    %convert_element_type3A_524 = arith.extui %lt3A_523 : i1 to i32
    %cond3A_525 = arith.constant 0 : i32
    %cond3A_526 = arith.cmpi ne, %convert_element_type3A_524, %cond3A_525 : i32
    scf.if %cond3A_526 {
      %dma_wait3A = arith.constant 0 : i32
      %dma_wait3A_1661 = tpu.memref_slice %arg5[%dma_wait3A] : memref<3200xi32, #tpu.memory_space<vmem>> -> memref<128xi32, #tpu.memory_space<vmem>>
      %dma_wait3A_1662 = arith.constant 0 : i32
      %dma_wait3A_1663 = arith.constant 0 : i32
      %dma_wait3A_1664 = tpu.memref_slice %arg2[%dma_wait3A_1662, %dma_wait3A_1663] : memref<50000x128xf32, #tpu.memory_space<hbm>> -> memref<50000x128xf32, #tpu.memory_space<hbm>>
      tpu.wait_indirect_dma semaphore(%arg13 : memref<!tpu.dma_semaphore, #tpu.memory_space<semaphore_mem>>) src(%dma_wait3A_1664 : memref<50000x128xf32, #tpu.memory_space<hbm>>) dst(%arg6 : memref<128x128xf32, #tpu.memory_space<vmem>>)
    } else {
    }
    %add3A_527 = arith.constant 1024 : i32
    %add3A_528 = arith.addi %mul3A_2, %add3A_527 : i32
    %le3A_529 = arith.constant 100000 : i32
    %le3A_530 = arith.cmpi sle, %add3A_528, %le3A_529 : i32
    %convert_element_type3A_531 = arith.extui %le3A_530 : i1 to i32
    %cond3A_532 = arith.constant 0 : i32
    %cond3A_533 = arith.cmpi ne, %convert_element_type3A_531, %cond3A_532 : i32
    scf.if %cond3A_533 {
      %add3A_1661 = arith.constant 896 : i32
      %add3A_1662 = arith.addi %mul3A_2, %add3A_1661 : i32
      %dma_start3A = arith.constant 0 : i32
      %dma_start3A_1663 = tpu.memref_slice %arg4[%add3A_1662, %dma_start3A] : memref<100000x128xf32, #tpu.memory_space<hbm>> -> memref<128x128xf32, #tpu.memory_space<hbm>>
      %dma_start3A_1664 = arith.constant 0 : i32
      %dma_start3A_1665 = tpu.memref_slice %arg4[%add3A_1662, %dma_start3A_1664] : memref<100000x128xf32, #tpu.memory_space<hbm>> -> memref<128x128xf32, #tpu.memory_space<hbm>>
      tpu.enqueue_dma source(%arg6 : memref<128x128xf32, #tpu.memory_space<vmem>>) target(%dma_start3A_1665 : memref<128x128xf32, #tpu.memory_space<hbm>>) target_semaphore(%arg20 : memref<!tpu.dma_semaphore, #tpu.memory_space<semaphore_mem>>)
    } else {
    }
    %add3A_534 = arith.constant 896 : i32
    %add3A_535 = arith.addi %mul3A_2, %add3A_534 : i32
    %lt3A_536 = arith.constant 100000 : i32
    %lt3A_537 = arith.cmpi slt, %add3A_535, %lt3A_536 : i32
    %add3A_538 = arith.constant 1024 : i32
    %add3A_539 = arith.addi %mul3A_2, %add3A_538 : i32
    %le3A_540 = arith.constant 100000 : i32
    %le3A_541 = arith.cmpi sle, %add3A_539, %le3A_540 : i32
    %not3A_542 = arith.constant true
    %not3A_543 = arith.xori %le3A_541, %not3A_542 : i1
    %and3A_544 = arith.andi %lt3A_537, %not3A_543 : i1
    %convert_element_type3A_545 = arith.extui %and3A_544 : i1 to i32
    %cond3A_546 = arith.constant 0 : i32
    %cond3A_547 = arith.cmpi ne, %convert_element_type3A_545, %cond3A_546 : i32
    scf.if %cond3A_547 {
      %dma_start3A = arith.constant 99872 : i32
      %dma_start3A_1661 = arith.constant 0 : i32
      %dma_start3A_1662 = tpu.memref_slice %arg4[%dma_start3A, %dma_start3A_1661] : memref<100000x128xf32, #tpu.memory_space<hbm>> -> memref<128x128xf32, #tpu.memory_space<hbm>>
      %dma_start3A_1663 = arith.constant 99872 : i32
      %dma_start3A_1664 = arith.constant 0 : i32
      %dma_start3A_1665 = tpu.memref_slice %arg4[%dma_start3A_1663, %dma_start3A_1664] : memref<100000x128xf32, #tpu.memory_space<hbm>> -> memref<128x128xf32, #tpu.memory_space<hbm>>
      tpu.enqueue_dma source(%arg6 : memref<128x128xf32, #tpu.memory_space<vmem>>) target(%dma_start3A_1665 : memref<128x128xf32, #tpu.memory_space<hbm>>) target_semaphore(%arg20 : memref<!tpu.dma_semaphore, #tpu.memory_space<semaphore_mem>>)
    } else {
    }
    %add3A_548 = arith.constant 1664 : i32
    %add3A_549 = arith.addi %mul3A_2, %add3A_548 : i32
    %lt3A_550 = arith.constant 100000 : i32
    %lt3A_551 = arith.cmpi slt, %add3A_549, %lt3A_550 : i32
    %convert_element_type3A_552 = arith.extui %lt3A_551 : i1 to i32
    %cond3A_553 = arith.constant 0 : i32
    %cond3A_554 = arith.cmpi ne, %convert_element_type3A_552, %cond3A_553 : i32
    scf.if %cond3A_554 {
      %dma_wait3A = arith.constant 0 : i32
      %dma_wait3A_1661 = arith.constant 0 : i32
      %dma_wait3A_1662 = tpu.memref_slice %arg4[%dma_wait3A, %dma_wait3A_1661] : memref<100000x128xf32, #tpu.memory_space<hbm>> -> memref<128x128xf32, #tpu.memory_space<hbm>>
      %dma_wait3A_1663 = arith.constant 0 : i32
      %dma_wait3A_1664 = arith.constant 0 : i32
      %dma_wait3A_1665 = tpu.memref_slice %arg4[%dma_wait3A_1663, %dma_wait3A_1664] : memref<100000x128xf32, #tpu.memory_space<hbm>> -> memref<128x128xf32, #tpu.memory_space<hbm>>
      tpu.wait_dma2 semaphore(%arg26 : memref<!tpu.dma_semaphore, #tpu.memory_space<semaphore_mem>>) src(%arg12 : memref<128x128xf32, #tpu.memory_space<vmem>>) dst(%dma_wait3A_1665 : memref<128x128xf32, #tpu.memory_space<hbm>>)
    } else {
    }
    %add3A_555 = arith.constant 1792 : i32
    %add3A_556 = arith.addi %mul3A_2, %add3A_555 : i32
    %le3A_557 = arith.constant 100000 : i32
    %le3A_558 = arith.cmpi sle, %add3A_556, %le3A_557 : i32
    %convert_element_type3A_559 = arith.extui %le3A_558 : i1 to i32
    %cond3A_560 = arith.constant 0 : i32
    %cond3A_561 = arith.cmpi ne, %convert_element_type3A_559, %cond3A_560 : i32
    scf.if %cond3A_561 {
      %dma_start3A = arith.constant 1664 : i32
      %dma_start3A_1661 = tpu.memref_slice %arg5[%dma_start3A] : memref<3200xi32, #tpu.memory_space<vmem>> -> memref<128xi32, #tpu.memory_space<vmem>>
      %dma_start3A_1662 = arith.constant 0 : i32
      %dma_start3A_1663 = arith.constant 0 : i32
      %dma_start3A_1664 = tpu.memref_slice %arg2[%dma_start3A_1662, %dma_start3A_1663] : memref<50000x128xf32, #tpu.memory_space<hbm>> -> memref<50000x128xf32, #tpu.memory_space<hbm>>
      tpu.enqueue_indirect_dma source(%dma_start3A_1664 : memref<50000x128xf32, #tpu.memory_space<hbm>>) target(%arg12 : memref<128x128xf32, #tpu.memory_space<vmem>>) offsets(%dma_start3A_1661 : memref<128xi32, #tpu.memory_space<vmem>>) semaphore(%arg19 : memref<!tpu.dma_semaphore, #tpu.memory_space<semaphore_mem>>)
    } else {
    }
    %add3A_562 = arith.constant 1664 : i32
    %add3A_563 = arith.addi %mul3A_2, %add3A_562 : i32
    %lt3A_564 = arith.constant 100000 : i32
    %lt3A_565 = arith.cmpi slt, %add3A_563, %lt3A_564 : i32
    %add3A_566 = arith.constant 1792 : i32
    %add3A_567 = arith.addi %mul3A_2, %add3A_566 : i32
    %le3A_568 = arith.constant 100000 : i32
    %le3A_569 = arith.cmpi sle, %add3A_567, %le3A_568 : i32
    %not3A_570 = arith.constant true
    %not3A_571 = arith.xori %le3A_569, %not3A_570 : i1
    %and3A_572 = arith.andi %lt3A_565, %not3A_571 : i1
    %convert_element_type3A_573 = arith.extui %and3A_572 : i1 to i32
    %cond3A_574 = arith.constant 0 : i32
    %cond3A_575 = arith.cmpi ne, %convert_element_type3A_573, %cond3A_574 : i32
    scf.if %cond3A_575 {
      %sub3A = arith.constant 99872 : i32
      %sub3A_1661 = arith.subi %sub3A, %mul3A_2 : i32
      %dma_start3A = tpu.memref_slice %arg5[%sub3A_1661] : memref<3200xi32, #tpu.memory_space<vmem>> -> memref<128xi32, #tpu.memory_space<vmem>>
      %dma_start3A_1662 = arith.constant 0 : i32
      %dma_start3A_1663 = arith.constant 0 : i32
      %dma_start3A_1664 = tpu.memref_slice %arg2[%dma_start3A_1662, %dma_start3A_1663] : memref<50000x128xf32, #tpu.memory_space<hbm>> -> memref<50000x128xf32, #tpu.memory_space<hbm>>
      tpu.enqueue_indirect_dma source(%dma_start3A_1664 : memref<50000x128xf32, #tpu.memory_space<hbm>>) target(%arg12 : memref<128x128xf32, #tpu.memory_space<vmem>>) offsets(%dma_start3A : memref<128xi32, #tpu.memory_space<vmem>>) semaphore(%arg19 : memref<!tpu.dma_semaphore, #tpu.memory_space<semaphore_mem>>)
    } else {
    }
    %add3A_576 = arith.constant 1024 : i32
    %add3A_577 = arith.addi %mul3A_2, %add3A_576 : i32
    %lt3A_578 = arith.constant 100000 : i32
    %lt3A_579 = arith.cmpi slt, %add3A_577, %lt3A_578 : i32
    %convert_element_type3A_580 = arith.extui %lt3A_579 : i1 to i32
    %cond3A_581 = arith.constant 0 : i32
    %cond3A_582 = arith.cmpi ne, %convert_element_type3A_580, %cond3A_581 : i32
    scf.if %cond3A_582 {
      %dma_wait3A = arith.constant 0 : i32
      %dma_wait3A_1661 = tpu.memref_slice %arg5[%dma_wait3A] : memref<3200xi32, #tpu.memory_space<vmem>> -> memref<128xi32, #tpu.memory_space<vmem>>
      %dma_wait3A_1662 = arith.constant 0 : i32
      %dma_wait3A_1663 = arith.constant 0 : i32
      %dma_wait3A_1664 = tpu.memref_slice %arg2[%dma_wait3A_1662, %dma_wait3A_1663] : memref<50000x128xf32, #tpu.memory_space<hbm>> -> memref<50000x128xf32, #tpu.memory_space<hbm>>
      tpu.wait_indirect_dma semaphore(%arg14 : memref<!tpu.dma_semaphore, #tpu.memory_space<semaphore_mem>>) src(%dma_wait3A_1664 : memref<50000x128xf32, #tpu.memory_space<hbm>>) dst(%arg7 : memref<128x128xf32, #tpu.memory_space<vmem>>)
    } else {
    }
    %add3A_583 = arith.constant 1152 : i32
    %add3A_584 = arith.addi %mul3A_2, %add3A_583 : i32
    %le3A_585 = arith.constant 100000 : i32
    %le3A_586 = arith.cmpi sle, %add3A_584, %le3A_585 : i32
    %convert_element_type3A_587 = arith.extui %le3A_586 : i1 to i32
    %cond3A_588 = arith.constant 0 : i32
    %cond3A_589 = arith.cmpi ne, %convert_element_type3A_587, %cond3A_588 : i32
    scf.if %cond3A_589 {
      %add3A_1661 = arith.constant 1024 : i32
      %add3A_1662 = arith.addi %mul3A_2, %add3A_1661 : i32
      %dma_start3A = arith.constant 0 : i32
      %dma_start3A_1663 = tpu.memref_slice %arg4[%add3A_1662, %dma_start3A] : memref<100000x128xf32, #tpu.memory_space<hbm>> -> memref<128x128xf32, #tpu.memory_space<hbm>>
      %dma_start3A_1664 = arith.constant 0 : i32
      %dma_start3A_1665 = tpu.memref_slice %arg4[%add3A_1662, %dma_start3A_1664] : memref<100000x128xf32, #tpu.memory_space<hbm>> -> memref<128x128xf32, #tpu.memory_space<hbm>>
      tpu.enqueue_dma source(%arg7 : memref<128x128xf32, #tpu.memory_space<vmem>>) target(%dma_start3A_1665 : memref<128x128xf32, #tpu.memory_space<hbm>>) target_semaphore(%arg21 : memref<!tpu.dma_semaphore, #tpu.memory_space<semaphore_mem>>)
    } else {
    }
    %add3A_590 = arith.constant 1024 : i32
    %add3A_591 = arith.addi %mul3A_2, %add3A_590 : i32
    %lt3A_592 = arith.constant 100000 : i32
    %lt3A_593 = arith.cmpi slt, %add3A_591, %lt3A_592 : i32
    %add3A_594 = arith.constant 1152 : i32
    %add3A_595 = arith.addi %mul3A_2, %add3A_594 : i32
    %le3A_596 = arith.constant 100000 : i32
    %le3A_597 = arith.cmpi sle, %add3A_595, %le3A_596 : i32
    %not3A_598 = arith.constant true
    %not3A_599 = arith.xori %le3A_597, %not3A_598 : i1
    %and3A_600 = arith.andi %lt3A_593, %not3A_599 : i1
    %convert_element_type3A_601 = arith.extui %and3A_600 : i1 to i32
    %cond3A_602 = arith.constant 0 : i32
    %cond3A_603 = arith.cmpi ne, %convert_element_type3A_601, %cond3A_602 : i32
    scf.if %cond3A_603 {
      %dma_start3A = arith.constant 99872 : i32
      %dma_start3A_1661 = arith.constant 0 : i32
      %dma_start3A_1662 = tpu.memref_slice %arg4[%dma_start3A, %dma_start3A_1661] : memref<100000x128xf32, #tpu.memory_space<hbm>> -> memref<128x128xf32, #tpu.memory_space<hbm>>
      %dma_start3A_1663 = arith.constant 99872 : i32
      %dma_start3A_1664 = arith.constant 0 : i32
      %dma_start3A_1665 = tpu.memref_slice %arg4[%dma_start3A_1663, %dma_start3A_1664] : memref<100000x128xf32, #tpu.memory_space<hbm>> -> memref<128x128xf32, #tpu.memory_space<hbm>>
      tpu.enqueue_dma source(%arg7 : memref<128x128xf32, #tpu.memory_space<vmem>>) target(%dma_start3A_1665 : memref<128x128xf32, #tpu.memory_space<hbm>>) target_semaphore(%arg21 : memref<!tpu.dma_semaphore, #tpu.memory_space<semaphore_mem>>)
    } else {
    }
    %add3A_604 = arith.constant 1792 : i32
    %add3A_605 = arith.addi %mul3A_2, %add3A_604 : i32
    %lt3A_606 = arith.constant 100000 : i32
    %lt3A_607 = arith.cmpi slt, %add3A_605, %lt3A_606 : i32
    %convert_element_type3A_608 = arith.extui %lt3A_607 : i1 to i32
    %cond3A_609 = arith.constant 0 : i32
    %cond3A_610 = arith.cmpi ne, %convert_element_type3A_608, %cond3A_609 : i32
    scf.if %cond3A_610 {
      %dma_wait3A = arith.constant 0 : i32
      %dma_wait3A_1661 = arith.constant 0 : i32
      %dma_wait3A_1662 = tpu.memref_slice %arg4[%dma_wait3A, %dma_wait3A_1661] : memref<100000x128xf32, #tpu.memory_space<hbm>> -> memref<128x128xf32, #tpu.memory_space<hbm>>
      %dma_wait3A_1663 = arith.constant 0 : i32
      %dma_wait3A_1664 = arith.constant 0 : i32
      %dma_wait3A_1665 = tpu.memref_slice %arg4[%dma_wait3A_1663, %dma_wait3A_1664] : memref<100000x128xf32, #tpu.memory_space<hbm>> -> memref<128x128xf32, #tpu.memory_space<hbm>>
      tpu.wait_dma2 semaphore(%arg20 : memref<!tpu.dma_semaphore, #tpu.memory_space<semaphore_mem>>) src(%arg6 : memref<128x128xf32, #tpu.memory_space<vmem>>) dst(%dma_wait3A_1665 : memref<128x128xf32, #tpu.memory_space<hbm>>)
    } else {
    }
    %add3A_611 = arith.constant 1920 : i32
    %add3A_612 = arith.addi %mul3A_2, %add3A_611 : i32
    %le3A_613 = arith.constant 100000 : i32
    %le3A_614 = arith.cmpi sle, %add3A_612, %le3A_613 : i32
    %convert_element_type3A_615 = arith.extui %le3A_614 : i1 to i32
    %cond3A_616 = arith.constant 0 : i32
    %cond3A_617 = arith.cmpi ne, %convert_element_type3A_615, %cond3A_616 : i32
    scf.if %cond3A_617 {
      %dma_start3A = arith.constant 1792 : i32
      %dma_start3A_1661 = tpu.memref_slice %arg5[%dma_start3A] : memref<3200xi32, #tpu.memory_space<vmem>> -> memref<128xi32, #tpu.memory_space<vmem>>
      %dma_start3A_1662 = arith.constant 0 : i32
      %dma_start3A_1663 = arith.constant 0 : i32
      %dma_start3A_1664 = tpu.memref_slice %arg2[%dma_start3A_1662, %dma_start3A_1663] : memref<50000x128xf32, #tpu.memory_space<hbm>> -> memref<50000x128xf32, #tpu.memory_space<hbm>>
      tpu.enqueue_indirect_dma source(%dma_start3A_1664 : memref<50000x128xf32, #tpu.memory_space<hbm>>) target(%arg6 : memref<128x128xf32, #tpu.memory_space<vmem>>) offsets(%dma_start3A_1661 : memref<128xi32, #tpu.memory_space<vmem>>) semaphore(%arg13 : memref<!tpu.dma_semaphore, #tpu.memory_space<semaphore_mem>>)
    } else {
    }
    %add3A_618 = arith.constant 1792 : i32
    %add3A_619 = arith.addi %mul3A_2, %add3A_618 : i32
    %lt3A_620 = arith.constant 100000 : i32
    %lt3A_621 = arith.cmpi slt, %add3A_619, %lt3A_620 : i32
    %add3A_622 = arith.constant 1920 : i32
    %add3A_623 = arith.addi %mul3A_2, %add3A_622 : i32
    %le3A_624 = arith.constant 100000 : i32
    %le3A_625 = arith.cmpi sle, %add3A_623, %le3A_624 : i32
    %not3A_626 = arith.constant true
    %not3A_627 = arith.xori %le3A_625, %not3A_626 : i1
    %and3A_628 = arith.andi %lt3A_621, %not3A_627 : i1
    %convert_element_type3A_629 = arith.extui %and3A_628 : i1 to i32
    %cond3A_630 = arith.constant 0 : i32
    %cond3A_631 = arith.cmpi ne, %convert_element_type3A_629, %cond3A_630 : i32
    scf.if %cond3A_631 {
      %sub3A = arith.constant 99872 : i32
      %sub3A_1661 = arith.subi %sub3A, %mul3A_2 : i32
      %dma_start3A = tpu.memref_slice %arg5[%sub3A_1661] : memref<3200xi32, #tpu.memory_space<vmem>> -> memref<128xi32, #tpu.memory_space<vmem>>
      %dma_start3A_1662 = arith.constant 0 : i32
      %dma_start3A_1663 = arith.constant 0 : i32
      %dma_start3A_1664 = tpu.memref_slice %arg2[%dma_start3A_1662, %dma_start3A_1663] : memref<50000x128xf32, #tpu.memory_space<hbm>> -> memref<50000x128xf32, #tpu.memory_space<hbm>>
      tpu.enqueue_indirect_dma source(%dma_start3A_1664 : memref<50000x128xf32, #tpu.memory_space<hbm>>) target(%arg6 : memref<128x128xf32, #tpu.memory_space<vmem>>) offsets(%dma_start3A : memref<128xi32, #tpu.memory_space<vmem>>) semaphore(%arg13 : memref<!tpu.dma_semaphore, #tpu.memory_space<semaphore_mem>>)
    } else {
    }
    %add3A_632 = arith.constant 1152 : i32
    %add3A_633 = arith.addi %mul3A_2, %add3A_632 : i32
    %lt3A_634 = arith.constant 100000 : i32
    %lt3A_635 = arith.cmpi slt, %add3A_633, %lt3A_634 : i32
    %convert_element_type3A_636 = arith.extui %lt3A_635 : i1 to i32
    %cond3A_637 = arith.constant 0 : i32
    %cond3A_638 = arith.cmpi ne, %convert_element_type3A_636, %cond3A_637 : i32
    scf.if %cond3A_638 {
      %dma_wait3A = arith.constant 0 : i32
      %dma_wait3A_1661 = tpu.memref_slice %arg5[%dma_wait3A] : memref<3200xi32, #tpu.memory_space<vmem>> -> memref<128xi32, #tpu.memory_space<vmem>>
      %dma_wait3A_1662 = arith.constant 0 : i32
      %dma_wait3A_1663 = arith.constant 0 : i32
      %dma_wait3A_1664 = tpu.memref_slice %arg2[%dma_wait3A_1662, %dma_wait3A_1663] : memref<50000x128xf32, #tpu.memory_space<hbm>> -> memref<50000x128xf32, #tpu.memory_space<hbm>>
      tpu.wait_indirect_dma semaphore(%arg15 : memref<!tpu.dma_semaphore, #tpu.memory_space<semaphore_mem>>) src(%dma_wait3A_1664 : memref<50000x128xf32, #tpu.memory_space<hbm>>) dst(%arg8 : memref<128x128xf32, #tpu.memory_space<vmem>>)
    } else {
    }
    %add3A_639 = arith.constant 1280 : i32
    %add3A_640 = arith.addi %mul3A_2, %add3A_639 : i32
    %le3A_641 = arith.constant 100000 : i32
    %le3A_642 = arith.cmpi sle, %add3A_640, %le3A_641 : i32
    %convert_element_type3A_643 = arith.extui %le3A_642 : i1 to i32
    %cond3A_644 = arith.constant 0 : i32
    %cond3A_645 = arith.cmpi ne, %convert_element_type3A_643, %cond3A_644 : i32
    scf.if %cond3A_645 {
      %add3A_1661 = arith.constant 1152 : i32
      %add3A_1662 = arith.addi %mul3A_2, %add3A_1661 : i32
      %dma_start3A = arith.constant 0 : i32
      %dma_start3A_1663 = tpu.memref_slice %arg4[%add3A_1662, %dma_start3A] : memref<100000x128xf32, #tpu.memory_space<hbm>> -> memref<128x128xf32, #tpu.memory_space<hbm>>
      %dma_start3A_1664 = arith.constant 0 : i32
      %dma_start3A_1665 = tpu.memref_slice %arg4[%add3A_1662, %dma_start3A_1664] : memref<100000x128xf32, #tpu.memory_space<hbm>> -> memref<128x128xf32, #tpu.memory_space<hbm>>
      tpu.enqueue_dma source(%arg8 : memref<128x128xf32, #tpu.memory_space<vmem>>) target(%dma_start3A_1665 : memref<128x128xf32, #tpu.memory_space<hbm>>) target_semaphore(%arg22 : memref<!tpu.dma_semaphore, #tpu.memory_space<semaphore_mem>>)
    } else {
    }
    %add3A_646 = arith.constant 1152 : i32
    %add3A_647 = arith.addi %mul3A_2, %add3A_646 : i32
    %lt3A_648 = arith.constant 100000 : i32
    %lt3A_649 = arith.cmpi slt, %add3A_647, %lt3A_648 : i32
    %add3A_650 = arith.constant 1280 : i32
    %add3A_651 = arith.addi %mul3A_2, %add3A_650 : i32
    %le3A_652 = arith.constant 100000 : i32
    %le3A_653 = arith.cmpi sle, %add3A_651, %le3A_652 : i32
    %not3A_654 = arith.constant true
    %not3A_655 = arith.xori %le3A_653, %not3A_654 : i1
    %and3A_656 = arith.andi %lt3A_649, %not3A_655 : i1
    %convert_element_type3A_657 = arith.extui %and3A_656 : i1 to i32
    %cond3A_658 = arith.constant 0 : i32
    %cond3A_659 = arith.cmpi ne, %convert_element_type3A_657, %cond3A_658 : i32
    scf.if %cond3A_659 {
      %dma_start3A = arith.constant 99872 : i32
      %dma_start3A_1661 = arith.constant 0 : i32
      %dma_start3A_1662 = tpu.memref_slice %arg4[%dma_start3A, %dma_start3A_1661] : memref<100000x128xf32, #tpu.memory_space<hbm>> -> memref<128x128xf32, #tpu.memory_space<hbm>>
      %dma_start3A_1663 = arith.constant 99872 : i32
      %dma_start3A_1664 = arith.constant 0 : i32
      %dma_start3A_1665 = tpu.memref_slice %arg4[%dma_start3A_1663, %dma_start3A_1664] : memref<100000x128xf32, #tpu.memory_space<hbm>> -> memref<128x128xf32, #tpu.memory_space<hbm>>
      tpu.enqueue_dma source(%arg8 : memref<128x128xf32, #tpu.memory_space<vmem>>) target(%dma_start3A_1665 : memref<128x128xf32, #tpu.memory_space<hbm>>) target_semaphore(%arg22 : memref<!tpu.dma_semaphore, #tpu.memory_space<semaphore_mem>>)
    } else {
    }
    %add3A_660 = arith.constant 1920 : i32
    %add3A_661 = arith.addi %mul3A_2, %add3A_660 : i32
    %lt3A_662 = arith.constant 100000 : i32
    %lt3A_663 = arith.cmpi slt, %add3A_661, %lt3A_662 : i32
    %convert_element_type3A_664 = arith.extui %lt3A_663 : i1 to i32
    %cond3A_665 = arith.constant 0 : i32
    %cond3A_666 = arith.cmpi ne, %convert_element_type3A_664, %cond3A_665 : i32
    scf.if %cond3A_666 {
      %dma_wait3A = arith.constant 0 : i32
      %dma_wait3A_1661 = arith.constant 0 : i32
      %dma_wait3A_1662 = tpu.memref_slice %arg4[%dma_wait3A, %dma_wait3A_1661] : memref<100000x128xf32, #tpu.memory_space<hbm>> -> memref<128x128xf32, #tpu.memory_space<hbm>>
      %dma_wait3A_1663 = arith.constant 0 : i32
      %dma_wait3A_1664 = arith.constant 0 : i32
      %dma_wait3A_1665 = tpu.memref_slice %arg4[%dma_wait3A_1663, %dma_wait3A_1664] : memref<100000x128xf32, #tpu.memory_space<hbm>> -> memref<128x128xf32, #tpu.memory_space<hbm>>
      tpu.wait_dma2 semaphore(%arg21 : memref<!tpu.dma_semaphore, #tpu.memory_space<semaphore_mem>>) src(%arg7 : memref<128x128xf32, #tpu.memory_space<vmem>>) dst(%dma_wait3A_1665 : memref<128x128xf32, #tpu.memory_space<hbm>>)
    } else {
    }
    %add3A_667 = arith.constant 2048 : i32
    %add3A_668 = arith.addi %mul3A_2, %add3A_667 : i32
    %le3A_669 = arith.constant 100000 : i32
    %le3A_670 = arith.cmpi sle, %add3A_668, %le3A_669 : i32
    %convert_element_type3A_671 = arith.extui %le3A_670 : i1 to i32
    %cond3A_672 = arith.constant 0 : i32
    %cond3A_673 = arith.cmpi ne, %convert_element_type3A_671, %cond3A_672 : i32
    scf.if %cond3A_673 {
      %dma_start3A = arith.constant 1920 : i32
      %dma_start3A_1661 = tpu.memref_slice %arg5[%dma_start3A] : memref<3200xi32, #tpu.memory_space<vmem>> -> memref<128xi32, #tpu.memory_space<vmem>>
      %dma_start3A_1662 = arith.constant 0 : i32
      %dma_start3A_1663 = arith.constant 0 : i32
      %dma_start3A_1664 = tpu.memref_slice %arg2[%dma_start3A_1662, %dma_start3A_1663] : memref<50000x128xf32, #tpu.memory_space<hbm>> -> memref<50000x128xf32, #tpu.memory_space<hbm>>
      tpu.enqueue_indirect_dma source(%dma_start3A_1664 : memref<50000x128xf32, #tpu.memory_space<hbm>>) target(%arg7 : memref<128x128xf32, #tpu.memory_space<vmem>>) offsets(%dma_start3A_1661 : memref<128xi32, #tpu.memory_space<vmem>>) semaphore(%arg14 : memref<!tpu.dma_semaphore, #tpu.memory_space<semaphore_mem>>)
    } else {
    }
    %add3A_674 = arith.constant 1920 : i32
    %add3A_675 = arith.addi %mul3A_2, %add3A_674 : i32
    %lt3A_676 = arith.constant 100000 : i32
    %lt3A_677 = arith.cmpi slt, %add3A_675, %lt3A_676 : i32
    %add3A_678 = arith.constant 2048 : i32
    %add3A_679 = arith.addi %mul3A_2, %add3A_678 : i32
    %le3A_680 = arith.constant 100000 : i32
    %le3A_681 = arith.cmpi sle, %add3A_679, %le3A_680 : i32
    %not3A_682 = arith.constant true
    %not3A_683 = arith.xori %le3A_681, %not3A_682 : i1
    %and3A_684 = arith.andi %lt3A_677, %not3A_683 : i1
    %convert_element_type3A_685 = arith.extui %and3A_684 : i1 to i32
    %cond3A_686 = arith.constant 0 : i32
    %cond3A_687 = arith.cmpi ne, %convert_element_type3A_685, %cond3A_686 : i32
    scf.if %cond3A_687 {
      %sub3A = arith.constant 99872 : i32
      %sub3A_1661 = arith.subi %sub3A, %mul3A_2 : i32
      %dma_start3A = tpu.memref_slice %arg5[%sub3A_1661] : memref<3200xi32, #tpu.memory_space<vmem>> -> memref<128xi32, #tpu.memory_space<vmem>>
      %dma_start3A_1662 = arith.constant 0 : i32
      %dma_start3A_1663 = arith.constant 0 : i32
      %dma_start3A_1664 = tpu.memref_slice %arg2[%dma_start3A_1662, %dma_start3A_1663] : memref<50000x128xf32, #tpu.memory_space<hbm>> -> memref<50000x128xf32, #tpu.memory_space<hbm>>
      tpu.enqueue_indirect_dma source(%dma_start3A_1664 : memref<50000x128xf32, #tpu.memory_space<hbm>>) target(%arg7 : memref<128x128xf32, #tpu.memory_space<vmem>>) offsets(%dma_start3A : memref<128xi32, #tpu.memory_space<vmem>>) semaphore(%arg14 : memref<!tpu.dma_semaphore, #tpu.memory_space<semaphore_mem>>)
    } else {
    }
    %add3A_688 = arith.constant 1280 : i32
    %add3A_689 = arith.addi %mul3A_2, %add3A_688 : i32
    %lt3A_690 = arith.constant 100000 : i32
    %lt3A_691 = arith.cmpi slt, %add3A_689, %lt3A_690 : i32
    %convert_element_type3A_692 = arith.extui %lt3A_691 : i1 to i32
    %cond3A_693 = arith.constant 0 : i32
    %cond3A_694 = arith.cmpi ne, %convert_element_type3A_692, %cond3A_693 : i32
    scf.if %cond3A_694 {
      %dma_wait3A = arith.constant 0 : i32
      %dma_wait3A_1661 = tpu.memref_slice %arg5[%dma_wait3A] : memref<3200xi32, #tpu.memory_space<vmem>> -> memref<128xi32, #tpu.memory_space<vmem>>
      %dma_wait3A_1662 = arith.constant 0 : i32
      %dma_wait3A_1663 = arith.constant 0 : i32
      %dma_wait3A_1664 = tpu.memref_slice %arg2[%dma_wait3A_1662, %dma_wait3A_1663] : memref<50000x128xf32, #tpu.memory_space<hbm>> -> memref<50000x128xf32, #tpu.memory_space<hbm>>
      tpu.wait_indirect_dma semaphore(%arg16 : memref<!tpu.dma_semaphore, #tpu.memory_space<semaphore_mem>>) src(%dma_wait3A_1664 : memref<50000x128xf32, #tpu.memory_space<hbm>>) dst(%arg9 : memref<128x128xf32, #tpu.memory_space<vmem>>)
    } else {
    }
    %add3A_695 = arith.constant 1408 : i32
    %add3A_696 = arith.addi %mul3A_2, %add3A_695 : i32
    %le3A_697 = arith.constant 100000 : i32
    %le3A_698 = arith.cmpi sle, %add3A_696, %le3A_697 : i32
    %convert_element_type3A_699 = arith.extui %le3A_698 : i1 to i32
    %cond3A_700 = arith.constant 0 : i32
    %cond3A_701 = arith.cmpi ne, %convert_element_type3A_699, %cond3A_700 : i32
    scf.if %cond3A_701 {
      %add3A_1661 = arith.constant 1280 : i32
      %add3A_1662 = arith.addi %mul3A_2, %add3A_1661 : i32
      %dma_start3A = arith.constant 0 : i32
      %dma_start3A_1663 = tpu.memref_slice %arg4[%add3A_1662, %dma_start3A] : memref<100000x128xf32, #tpu.memory_space<hbm>> -> memref<128x128xf32, #tpu.memory_space<hbm>>
      %dma_start3A_1664 = arith.constant 0 : i32
      %dma_start3A_1665 = tpu.memref_slice %arg4[%add3A_1662, %dma_start3A_1664] : memref<100000x128xf32, #tpu.memory_space<hbm>> -> memref<128x128xf32, #tpu.memory_space<hbm>>
      tpu.enqueue_dma source(%arg9 : memref<128x128xf32, #tpu.memory_space<vmem>>) target(%dma_start3A_1665 : memref<128x128xf32, #tpu.memory_space<hbm>>) target_semaphore(%arg23 : memref<!tpu.dma_semaphore, #tpu.memory_space<semaphore_mem>>)
    } else {
    }
    %add3A_702 = arith.constant 1280 : i32
    %add3A_703 = arith.addi %mul3A_2, %add3A_702 : i32
    %lt3A_704 = arith.constant 100000 : i32
    %lt3A_705 = arith.cmpi slt, %add3A_703, %lt3A_704 : i32
    %add3A_706 = arith.constant 1408 : i32
    %add3A_707 = arith.addi %mul3A_2, %add3A_706 : i32
    %le3A_708 = arith.constant 100000 : i32
    %le3A_709 = arith.cmpi sle, %add3A_707, %le3A_708 : i32
    %not3A_710 = arith.constant true
    %not3A_711 = arith.xori %le3A_709, %not3A_710 : i1
    %and3A_712 = arith.andi %lt3A_705, %not3A_711 : i1
    %convert_element_type3A_713 = arith.extui %and3A_712 : i1 to i32
    %cond3A_714 = arith.constant 0 : i32
    %cond3A_715 = arith.cmpi ne, %convert_element_type3A_713, %cond3A_714 : i32
    scf.if %cond3A_715 {
      %dma_start3A = arith.constant 99872 : i32
      %dma_start3A_1661 = arith.constant 0 : i32
      %dma_start3A_1662 = tpu.memref_slice %arg4[%dma_start3A, %dma_start3A_1661] : memref<100000x128xf32, #tpu.memory_space<hbm>> -> memref<128x128xf32, #tpu.memory_space<hbm>>
      %dma_start3A_1663 = arith.constant 99872 : i32
      %dma_start3A_1664 = arith.constant 0 : i32
      %dma_start3A_1665 = tpu.memref_slice %arg4[%dma_start3A_1663, %dma_start3A_1664] : memref<100000x128xf32, #tpu.memory_space<hbm>> -> memref<128x128xf32, #tpu.memory_space<hbm>>
      tpu.enqueue_dma source(%arg9 : memref<128x128xf32, #tpu.memory_space<vmem>>) target(%dma_start3A_1665 : memref<128x128xf32, #tpu.memory_space<hbm>>) target_semaphore(%arg23 : memref<!tpu.dma_semaphore, #tpu.memory_space<semaphore_mem>>)
    } else {
    }
    %add3A_716 = arith.constant 2048 : i32
    %add3A_717 = arith.addi %mul3A_2, %add3A_716 : i32
    %lt3A_718 = arith.constant 100000 : i32
    %lt3A_719 = arith.cmpi slt, %add3A_717, %lt3A_718 : i32
    %convert_element_type3A_720 = arith.extui %lt3A_719 : i1 to i32
    %cond3A_721 = arith.constant 0 : i32
    %cond3A_722 = arith.cmpi ne, %convert_element_type3A_720, %cond3A_721 : i32
    scf.if %cond3A_722 {
      %dma_wait3A = arith.constant 0 : i32
      %dma_wait3A_1661 = arith.constant 0 : i32
      %dma_wait3A_1662 = tpu.memref_slice %arg4[%dma_wait3A, %dma_wait3A_1661] : memref<100000x128xf32, #tpu.memory_space<hbm>> -> memref<128x128xf32, #tpu.memory_space<hbm>>
      %dma_wait3A_1663 = arith.constant 0 : i32
      %dma_wait3A_1664 = arith.constant 0 : i32
      %dma_wait3A_1665 = tpu.memref_slice %arg4[%dma_wait3A_1663, %dma_wait3A_1664] : memref<100000x128xf32, #tpu.memory_space<hbm>> -> memref<128x128xf32, #tpu.memory_space<hbm>>
      tpu.wait_dma2 semaphore(%arg22 : memref<!tpu.dma_semaphore, #tpu.memory_space<semaphore_mem>>) src(%arg8 : memref<128x128xf32, #tpu.memory_space<vmem>>) dst(%dma_wait3A_1665 : memref<128x128xf32, #tpu.memory_space<hbm>>)
    } else {
    }
    %add3A_723 = arith.constant 2176 : i32
    %add3A_724 = arith.addi %mul3A_2, %add3A_723 : i32
    %le3A_725 = arith.constant 100000 : i32
    %le3A_726 = arith.cmpi sle, %add3A_724, %le3A_725 : i32
    %convert_element_type3A_727 = arith.extui %le3A_726 : i1 to i32
    %cond3A_728 = arith.constant 0 : i32
    %cond3A_729 = arith.cmpi ne, %convert_element_type3A_727, %cond3A_728 : i32
    scf.if %cond3A_729 {
      %dma_start3A = arith.constant 2048 : i32
      %dma_start3A_1661 = tpu.memref_slice %arg5[%dma_start3A] : memref<3200xi32, #tpu.memory_space<vmem>> -> memref<128xi32, #tpu.memory_space<vmem>>
      %dma_start3A_1662 = arith.constant 0 : i32
      %dma_start3A_1663 = arith.constant 0 : i32
      %dma_start3A_1664 = tpu.memref_slice %arg2[%dma_start3A_1662, %dma_start3A_1663] : memref<50000x128xf32, #tpu.memory_space<hbm>> -> memref<50000x128xf32, #tpu.memory_space<hbm>>
      tpu.enqueue_indirect_dma source(%dma_start3A_1664 : memref<50000x128xf32, #tpu.memory_space<hbm>>) target(%arg8 : memref<128x128xf32, #tpu.memory_space<vmem>>) offsets(%dma_start3A_1661 : memref<128xi32, #tpu.memory_space<vmem>>) semaphore(%arg15 : memref<!tpu.dma_semaphore, #tpu.memory_space<semaphore_mem>>)
    } else {
    }
    %add3A_730 = arith.constant 2048 : i32
    %add3A_731 = arith.addi %mul3A_2, %add3A_730 : i32
    %lt3A_732 = arith.constant 100000 : i32
    %lt3A_733 = arith.cmpi slt, %add3A_731, %lt3A_732 : i32
    %add3A_734 = arith.constant 2176 : i32
    %add3A_735 = arith.addi %mul3A_2, %add3A_734 : i32
    %le3A_736 = arith.constant 100000 : i32
    %le3A_737 = arith.cmpi sle, %add3A_735, %le3A_736 : i32
    %not3A_738 = arith.constant true
    %not3A_739 = arith.xori %le3A_737, %not3A_738 : i1
    %and3A_740 = arith.andi %lt3A_733, %not3A_739 : i1
    %convert_element_type3A_741 = arith.extui %and3A_740 : i1 to i32
    %cond3A_742 = arith.constant 0 : i32
    %cond3A_743 = arith.cmpi ne, %convert_element_type3A_741, %cond3A_742 : i32
    scf.if %cond3A_743 {
      %sub3A = arith.constant 99872 : i32
      %sub3A_1661 = arith.subi %sub3A, %mul3A_2 : i32
      %dma_start3A = tpu.memref_slice %arg5[%sub3A_1661] : memref<3200xi32, #tpu.memory_space<vmem>> -> memref<128xi32, #tpu.memory_space<vmem>>
      %dma_start3A_1662 = arith.constant 0 : i32
      %dma_start3A_1663 = arith.constant 0 : i32
      %dma_start3A_1664 = tpu.memref_slice %arg2[%dma_start3A_1662, %dma_start3A_1663] : memref<50000x128xf32, #tpu.memory_space<hbm>> -> memref<50000x128xf32, #tpu.memory_space<hbm>>
      tpu.enqueue_indirect_dma source(%dma_start3A_1664 : memref<50000x128xf32, #tpu.memory_space<hbm>>) target(%arg8 : memref<128x128xf32, #tpu.memory_space<vmem>>) offsets(%dma_start3A : memref<128xi32, #tpu.memory_space<vmem>>) semaphore(%arg15 : memref<!tpu.dma_semaphore, #tpu.memory_space<semaphore_mem>>)
    } else {
    }
    %add3A_744 = arith.constant 1408 : i32
    %add3A_745 = arith.addi %mul3A_2, %add3A_744 : i32
    %lt3A_746 = arith.constant 100000 : i32
    %lt3A_747 = arith.cmpi slt, %add3A_745, %lt3A_746 : i32
    %convert_element_type3A_748 = arith.extui %lt3A_747 : i1 to i32
    %cond3A_749 = arith.constant 0 : i32
    %cond3A_750 = arith.cmpi ne, %convert_element_type3A_748, %cond3A_749 : i32
    scf.if %cond3A_750 {
      %dma_wait3A = arith.constant 0 : i32
      %dma_wait3A_1661 = tpu.memref_slice %arg5[%dma_wait3A] : memref<3200xi32, #tpu.memory_space<vmem>> -> memref<128xi32, #tpu.memory_space<vmem>>
      %dma_wait3A_1662 = arith.constant 0 : i32
      %dma_wait3A_1663 = arith.constant 0 : i32
      %dma_wait3A_1664 = tpu.memref_slice %arg2[%dma_wait3A_1662, %dma_wait3A_1663] : memref<50000x128xf32, #tpu.memory_space<hbm>> -> memref<50000x128xf32, #tpu.memory_space<hbm>>
      tpu.wait_indirect_dma semaphore(%arg17 : memref<!tpu.dma_semaphore, #tpu.memory_space<semaphore_mem>>) src(%dma_wait3A_1664 : memref<50000x128xf32, #tpu.memory_space<hbm>>) dst(%arg10 : memref<128x128xf32, #tpu.memory_space<vmem>>)
    } else {
    }
    %add3A_751 = arith.constant 1536 : i32
    %add3A_752 = arith.addi %mul3A_2, %add3A_751 : i32
    %le3A_753 = arith.constant 100000 : i32
    %le3A_754 = arith.cmpi sle, %add3A_752, %le3A_753 : i32
    %convert_element_type3A_755 = arith.extui %le3A_754 : i1 to i32
    %cond3A_756 = arith.constant 0 : i32
    %cond3A_757 = arith.cmpi ne, %convert_element_type3A_755, %cond3A_756 : i32
    scf.if %cond3A_757 {
      %add3A_1661 = arith.constant 1408 : i32
      %add3A_1662 = arith.addi %mul3A_2, %add3A_1661 : i32
      %dma_start3A = arith.constant 0 : i32
      %dma_start3A_1663 = tpu.memref_slice %arg4[%add3A_1662, %dma_start3A] : memref<100000x128xf32, #tpu.memory_space<hbm>> -> memref<128x128xf32, #tpu.memory_space<hbm>>
      %dma_start3A_1664 = arith.constant 0 : i32
      %dma_start3A_1665 = tpu.memref_slice %arg4[%add3A_1662, %dma_start3A_1664] : memref<100000x128xf32, #tpu.memory_space<hbm>> -> memref<128x128xf32, #tpu.memory_space<hbm>>
      tpu.enqueue_dma source(%arg10 : memref<128x128xf32, #tpu.memory_space<vmem>>) target(%dma_start3A_1665 : memref<128x128xf32, #tpu.memory_space<hbm>>) target_semaphore(%arg24 : memref<!tpu.dma_semaphore, #tpu.memory_space<semaphore_mem>>)
    } else {
    }
    %add3A_758 = arith.constant 1408 : i32
    %add3A_759 = arith.addi %mul3A_2, %add3A_758 : i32
    %lt3A_760 = arith.constant 100000 : i32
    %lt3A_761 = arith.cmpi slt, %add3A_759, %lt3A_760 : i32
    %add3A_762 = arith.constant 1536 : i32
    %add3A_763 = arith.addi %mul3A_2, %add3A_762 : i32
    %le3A_764 = arith.constant 100000 : i32
    %le3A_765 = arith.cmpi sle, %add3A_763, %le3A_764 : i32
    %not3A_766 = arith.constant true
    %not3A_767 = arith.xori %le3A_765, %not3A_766 : i1
    %and3A_768 = arith.andi %lt3A_761, %not3A_767 : i1
    %convert_element_type3A_769 = arith.extui %and3A_768 : i1 to i32
    %cond3A_770 = arith.constant 0 : i32
    %cond3A_771 = arith.cmpi ne, %convert_element_type3A_769, %cond3A_770 : i32
    scf.if %cond3A_771 {
      %dma_start3A = arith.constant 99872 : i32
      %dma_start3A_1661 = arith.constant 0 : i32
      %dma_start3A_1662 = tpu.memref_slice %arg4[%dma_start3A, %dma_start3A_1661] : memref<100000x128xf32, #tpu.memory_space<hbm>> -> memref<128x128xf32, #tpu.memory_space<hbm>>
      %dma_start3A_1663 = arith.constant 99872 : i32
      %dma_start3A_1664 = arith.constant 0 : i32
      %dma_start3A_1665 = tpu.memref_slice %arg4[%dma_start3A_1663, %dma_start3A_1664] : memref<100000x128xf32, #tpu.memory_space<hbm>> -> memref<128x128xf32, #tpu.memory_space<hbm>>
      tpu.enqueue_dma source(%arg10 : memref<128x128xf32, #tpu.memory_space<vmem>>) target(%dma_start3A_1665 : memref<128x128xf32, #tpu.memory_space<hbm>>) target_semaphore(%arg24 : memref<!tpu.dma_semaphore, #tpu.memory_space<semaphore_mem>>)
    } else {
    }
    %add3A_772 = arith.constant 2176 : i32
    %add3A_773 = arith.addi %mul3A_2, %add3A_772 : i32
    %lt3A_774 = arith.constant 100000 : i32
    %lt3A_775 = arith.cmpi slt, %add3A_773, %lt3A_774 : i32
    %convert_element_type3A_776 = arith.extui %lt3A_775 : i1 to i32
    %cond3A_777 = arith.constant 0 : i32
    %cond3A_778 = arith.cmpi ne, %convert_element_type3A_776, %cond3A_777 : i32
    scf.if %cond3A_778 {
      %dma_wait3A = arith.constant 0 : i32
      %dma_wait3A_1661 = arith.constant 0 : i32
      %dma_wait3A_1662 = tpu.memref_slice %arg4[%dma_wait3A, %dma_wait3A_1661] : memref<100000x128xf32, #tpu.memory_space<hbm>> -> memref<128x128xf32, #tpu.memory_space<hbm>>
      %dma_wait3A_1663 = arith.constant 0 : i32
      %dma_wait3A_1664 = arith.constant 0 : i32
      %dma_wait3A_1665 = tpu.memref_slice %arg4[%dma_wait3A_1663, %dma_wait3A_1664] : memref<100000x128xf32, #tpu.memory_space<hbm>> -> memref<128x128xf32, #tpu.memory_space<hbm>>
      tpu.wait_dma2 semaphore(%arg23 : memref<!tpu.dma_semaphore, #tpu.memory_space<semaphore_mem>>) src(%arg9 : memref<128x128xf32, #tpu.memory_space<vmem>>) dst(%dma_wait3A_1665 : memref<128x128xf32, #tpu.memory_space<hbm>>)
    } else {
    }
    %add3A_779 = arith.constant 2304 : i32
    %add3A_780 = arith.addi %mul3A_2, %add3A_779 : i32
    %le3A_781 = arith.constant 100000 : i32
    %le3A_782 = arith.cmpi sle, %add3A_780, %le3A_781 : i32
    %convert_element_type3A_783 = arith.extui %le3A_782 : i1 to i32
    %cond3A_784 = arith.constant 0 : i32
    %cond3A_785 = arith.cmpi ne, %convert_element_type3A_783, %cond3A_784 : i32
    scf.if %cond3A_785 {
      %dma_start3A = arith.constant 2176 : i32
      %dma_start3A_1661 = tpu.memref_slice %arg5[%dma_start3A] : memref<3200xi32, #tpu.memory_space<vmem>> -> memref<128xi32, #tpu.memory_space<vmem>>
      %dma_start3A_1662 = arith.constant 0 : i32
      %dma_start3A_1663 = arith.constant 0 : i32
      %dma_start3A_1664 = tpu.memref_slice %arg2[%dma_start3A_1662, %dma_start3A_1663] : memref<50000x128xf32, #tpu.memory_space<hbm>> -> memref<50000x128xf32, #tpu.memory_space<hbm>>
      tpu.enqueue_indirect_dma source(%dma_start3A_1664 : memref<50000x128xf32, #tpu.memory_space<hbm>>) target(%arg9 : memref<128x128xf32, #tpu.memory_space<vmem>>) offsets(%dma_start3A_1661 : memref<128xi32, #tpu.memory_space<vmem>>) semaphore(%arg16 : memref<!tpu.dma_semaphore, #tpu.memory_space<semaphore_mem>>)
    } else {
    }
    %add3A_786 = arith.constant 2176 : i32
    %add3A_787 = arith.addi %mul3A_2, %add3A_786 : i32
    %lt3A_788 = arith.constant 100000 : i32
    %lt3A_789 = arith.cmpi slt, %add3A_787, %lt3A_788 : i32
    %add3A_790 = arith.constant 2304 : i32
    %add3A_791 = arith.addi %mul3A_2, %add3A_790 : i32
    %le3A_792 = arith.constant 100000 : i32
    %le3A_793 = arith.cmpi sle, %add3A_791, %le3A_792 : i32
    %not3A_794 = arith.constant true
    %not3A_795 = arith.xori %le3A_793, %not3A_794 : i1
    %and3A_796 = arith.andi %lt3A_789, %not3A_795 : i1
    %convert_element_type3A_797 = arith.extui %and3A_796 : i1 to i32
    %cond3A_798 = arith.constant 0 : i32
    %cond3A_799 = arith.cmpi ne, %convert_element_type3A_797, %cond3A_798 : i32
    scf.if %cond3A_799 {
      %sub3A = arith.constant 99872 : i32
      %sub3A_1661 = arith.subi %sub3A, %mul3A_2 : i32
      %dma_start3A = tpu.memref_slice %arg5[%sub3A_1661] : memref<3200xi32, #tpu.memory_space<vmem>> -> memref<128xi32, #tpu.memory_space<vmem>>
      %dma_start3A_1662 = arith.constant 0 : i32
      %dma_start3A_1663 = arith.constant 0 : i32
      %dma_start3A_1664 = tpu.memref_slice %arg2[%dma_start3A_1662, %dma_start3A_1663] : memref<50000x128xf32, #tpu.memory_space<hbm>> -> memref<50000x128xf32, #tpu.memory_space<hbm>>
      tpu.enqueue_indirect_dma source(%dma_start3A_1664 : memref<50000x128xf32, #tpu.memory_space<hbm>>) target(%arg9 : memref<128x128xf32, #tpu.memory_space<vmem>>) offsets(%dma_start3A : memref<128xi32, #tpu.memory_space<vmem>>) semaphore(%arg16 : memref<!tpu.dma_semaphore, #tpu.memory_space<semaphore_mem>>)
    } else {
    }
    %add3A_800 = arith.constant 1536 : i32
    %add3A_801 = arith.addi %mul3A_2, %add3A_800 : i32
    %lt3A_802 = arith.constant 100000 : i32
    %lt3A_803 = arith.cmpi slt, %add3A_801, %lt3A_802 : i32
    %convert_element_type3A_804 = arith.extui %lt3A_803 : i1 to i32
    %cond3A_805 = arith.constant 0 : i32
    %cond3A_806 = arith.cmpi ne, %convert_element_type3A_804, %cond3A_805 : i32
    scf.if %cond3A_806 {
      %dma_wait3A = arith.constant 0 : i32
      %dma_wait3A_1661 = tpu.memref_slice %arg5[%dma_wait3A] : memref<3200xi32, #tpu.memory_space<vmem>> -> memref<128xi32, #tpu.memory_space<vmem>>
      %dma_wait3A_1662 = arith.constant 0 : i32
      %dma_wait3A_1663 = arith.constant 0 : i32
      %dma_wait3A_1664 = tpu.memref_slice %arg2[%dma_wait3A_1662, %dma_wait3A_1663] : memref<50000x128xf32, #tpu.memory_space<hbm>> -> memref<50000x128xf32, #tpu.memory_space<hbm>>
      tpu.wait_indirect_dma semaphore(%arg18 : memref<!tpu.dma_semaphore, #tpu.memory_space<semaphore_mem>>) src(%dma_wait3A_1664 : memref<50000x128xf32, #tpu.memory_space<hbm>>) dst(%arg11 : memref<128x128xf32, #tpu.memory_space<vmem>>)
    } else {
    }
    %add3A_807 = arith.constant 1664 : i32
    %add3A_808 = arith.addi %mul3A_2, %add3A_807 : i32
    %le3A_809 = arith.constant 100000 : i32
    %le3A_810 = arith.cmpi sle, %add3A_808, %le3A_809 : i32
    %convert_element_type3A_811 = arith.extui %le3A_810 : i1 to i32
    %cond3A_812 = arith.constant 0 : i32
    %cond3A_813 = arith.cmpi ne, %convert_element_type3A_811, %cond3A_812 : i32
    scf.if %cond3A_813 {
      %add3A_1661 = arith.constant 1536 : i32
      %add3A_1662 = arith.addi %mul3A_2, %add3A_1661 : i32
      %dma_start3A = arith.constant 0 : i32
      %dma_start3A_1663 = tpu.memref_slice %arg4[%add3A_1662, %dma_start3A] : memref<100000x128xf32, #tpu.memory_space<hbm>> -> memref<128x128xf32, #tpu.memory_space<hbm>>
      %dma_start3A_1664 = arith.constant 0 : i32
      %dma_start3A_1665 = tpu.memref_slice %arg4[%add3A_1662, %dma_start3A_1664] : memref<100000x128xf32, #tpu.memory_space<hbm>> -> memref<128x128xf32, #tpu.memory_space<hbm>>
      tpu.enqueue_dma source(%arg11 : memref<128x128xf32, #tpu.memory_space<vmem>>) target(%dma_start3A_1665 : memref<128x128xf32, #tpu.memory_space<hbm>>) target_semaphore(%arg25 : memref<!tpu.dma_semaphore, #tpu.memory_space<semaphore_mem>>)
    } else {
    }
    %add3A_814 = arith.constant 1536 : i32
    %add3A_815 = arith.addi %mul3A_2, %add3A_814 : i32
    %lt3A_816 = arith.constant 100000 : i32
    %lt3A_817 = arith.cmpi slt, %add3A_815, %lt3A_816 : i32
    %add3A_818 = arith.constant 1664 : i32
    %add3A_819 = arith.addi %mul3A_2, %add3A_818 : i32
    %le3A_820 = arith.constant 100000 : i32
    %le3A_821 = arith.cmpi sle, %add3A_819, %le3A_820 : i32
    %not3A_822 = arith.constant true
    %not3A_823 = arith.xori %le3A_821, %not3A_822 : i1
    %and3A_824 = arith.andi %lt3A_817, %not3A_823 : i1
    %convert_element_type3A_825 = arith.extui %and3A_824 : i1 to i32
    %cond3A_826 = arith.constant 0 : i32
    %cond3A_827 = arith.cmpi ne, %convert_element_type3A_825, %cond3A_826 : i32
    scf.if %cond3A_827 {
      %dma_start3A = arith.constant 99872 : i32
      %dma_start3A_1661 = arith.constant 0 : i32
      %dma_start3A_1662 = tpu.memref_slice %arg4[%dma_start3A, %dma_start3A_1661] : memref<100000x128xf32, #tpu.memory_space<hbm>> -> memref<128x128xf32, #tpu.memory_space<hbm>>
      %dma_start3A_1663 = arith.constant 99872 : i32
      %dma_start3A_1664 = arith.constant 0 : i32
      %dma_start3A_1665 = tpu.memref_slice %arg4[%dma_start3A_1663, %dma_start3A_1664] : memref<100000x128xf32, #tpu.memory_space<hbm>> -> memref<128x128xf32, #tpu.memory_space<hbm>>
      tpu.enqueue_dma source(%arg11 : memref<128x128xf32, #tpu.memory_space<vmem>>) target(%dma_start3A_1665 : memref<128x128xf32, #tpu.memory_space<hbm>>) target_semaphore(%arg25 : memref<!tpu.dma_semaphore, #tpu.memory_space<semaphore_mem>>)
    } else {
    }
    %add3A_828 = arith.constant 2304 : i32
    %add3A_829 = arith.addi %mul3A_2, %add3A_828 : i32
    %lt3A_830 = arith.constant 100000 : i32
    %lt3A_831 = arith.cmpi slt, %add3A_829, %lt3A_830 : i32
    %convert_element_type3A_832 = arith.extui %lt3A_831 : i1 to i32
    %cond3A_833 = arith.constant 0 : i32
    %cond3A_834 = arith.cmpi ne, %convert_element_type3A_832, %cond3A_833 : i32
    scf.if %cond3A_834 {
      %dma_wait3A = arith.constant 0 : i32
      %dma_wait3A_1661 = arith.constant 0 : i32
      %dma_wait3A_1662 = tpu.memref_slice %arg4[%dma_wait3A, %dma_wait3A_1661] : memref<100000x128xf32, #tpu.memory_space<hbm>> -> memref<128x128xf32, #tpu.memory_space<hbm>>
      %dma_wait3A_1663 = arith.constant 0 : i32
      %dma_wait3A_1664 = arith.constant 0 : i32
      %dma_wait3A_1665 = tpu.memref_slice %arg4[%dma_wait3A_1663, %dma_wait3A_1664] : memref<100000x128xf32, #tpu.memory_space<hbm>> -> memref<128x128xf32, #tpu.memory_space<hbm>>
      tpu.wait_dma2 semaphore(%arg24 : memref<!tpu.dma_semaphore, #tpu.memory_space<semaphore_mem>>) src(%arg10 : memref<128x128xf32, #tpu.memory_space<vmem>>) dst(%dma_wait3A_1665 : memref<128x128xf32, #tpu.memory_space<hbm>>)
    } else {
    }
    %add3A_835 = arith.constant 2432 : i32
    %add3A_836 = arith.addi %mul3A_2, %add3A_835 : i32
    %le3A_837 = arith.constant 100000 : i32
    %le3A_838 = arith.cmpi sle, %add3A_836, %le3A_837 : i32
    %convert_element_type3A_839 = arith.extui %le3A_838 : i1 to i32
    %cond3A_840 = arith.constant 0 : i32
    %cond3A_841 = arith.cmpi ne, %convert_element_type3A_839, %cond3A_840 : i32
    scf.if %cond3A_841 {
      %dma_start3A = arith.constant 2304 : i32
      %dma_start3A_1661 = tpu.memref_slice %arg5[%dma_start3A] : memref<3200xi32, #tpu.memory_space<vmem>> -> memref<128xi32, #tpu.memory_space<vmem>>
      %dma_start3A_1662 = arith.constant 0 : i32
      %dma_start3A_1663 = arith.constant 0 : i32
      %dma_start3A_1664 = tpu.memref_slice %arg2[%dma_start3A_1662, %dma_start3A_1663] : memref<50000x128xf32, #tpu.memory_space<hbm>> -> memref<50000x128xf32, #tpu.memory_space<hbm>>
      tpu.enqueue_indirect_dma source(%dma_start3A_1664 : memref<50000x128xf32, #tpu.memory_space<hbm>>) target(%arg10 : memref<128x128xf32, #tpu.memory_space<vmem>>) offsets(%dma_start3A_1661 : memref<128xi32, #tpu.memory_space<vmem>>) semaphore(%arg17 : memref<!tpu.dma_semaphore, #tpu.memory_space<semaphore_mem>>)
    } else {
    }
    %add3A_842 = arith.constant 2304 : i32
    %add3A_843 = arith.addi %mul3A_2, %add3A_842 : i32
    %lt3A_844 = arith.constant 100000 : i32
    %lt3A_845 = arith.cmpi slt, %add3A_843, %lt3A_844 : i32
    %add3A_846 = arith.constant 2432 : i32
    %add3A_847 = arith.addi %mul3A_2, %add3A_846 : i32
    %le3A_848 = arith.constant 100000 : i32
    %le3A_849 = arith.cmpi sle, %add3A_847, %le3A_848 : i32
    %not3A_850 = arith.constant true
    %not3A_851 = arith.xori %le3A_849, %not3A_850 : i1
    %and3A_852 = arith.andi %lt3A_845, %not3A_851 : i1
    %convert_element_type3A_853 = arith.extui %and3A_852 : i1 to i32
    %cond3A_854 = arith.constant 0 : i32
    %cond3A_855 = arith.cmpi ne, %convert_element_type3A_853, %cond3A_854 : i32
    scf.if %cond3A_855 {
      %sub3A = arith.constant 99872 : i32
      %sub3A_1661 = arith.subi %sub3A, %mul3A_2 : i32
      %dma_start3A = tpu.memref_slice %arg5[%sub3A_1661] : memref<3200xi32, #tpu.memory_space<vmem>> -> memref<128xi32, #tpu.memory_space<vmem>>
      %dma_start3A_1662 = arith.constant 0 : i32
      %dma_start3A_1663 = arith.constant 0 : i32
      %dma_start3A_1664 = tpu.memref_slice %arg2[%dma_start3A_1662, %dma_start3A_1663] : memref<50000x128xf32, #tpu.memory_space<hbm>> -> memref<50000x128xf32, #tpu.memory_space<hbm>>
      tpu.enqueue_indirect_dma source(%dma_start3A_1664 : memref<50000x128xf32, #tpu.memory_space<hbm>>) target(%arg10 : memref<128x128xf32, #tpu.memory_space<vmem>>) offsets(%dma_start3A : memref<128xi32, #tpu.memory_space<vmem>>) semaphore(%arg17 : memref<!tpu.dma_semaphore, #tpu.memory_space<semaphore_mem>>)
    } else {
    }
    %add3A_856 = arith.constant 1664 : i32
    %add3A_857 = arith.addi %mul3A_2, %add3A_856 : i32
    %lt3A_858 = arith.constant 100000 : i32
    %lt3A_859 = arith.cmpi slt, %add3A_857, %lt3A_858 : i32
    %convert_element_type3A_860 = arith.extui %lt3A_859 : i1 to i32
    %cond3A_861 = arith.constant 0 : i32
    %cond3A_862 = arith.cmpi ne, %convert_element_type3A_860, %cond3A_861 : i32
    scf.if %cond3A_862 {
      %dma_wait3A = arith.constant 0 : i32
      %dma_wait3A_1661 = tpu.memref_slice %arg5[%dma_wait3A] : memref<3200xi32, #tpu.memory_space<vmem>> -> memref<128xi32, #tpu.memory_space<vmem>>
      %dma_wait3A_1662 = arith.constant 0 : i32
      %dma_wait3A_1663 = arith.constant 0 : i32
      %dma_wait3A_1664 = tpu.memref_slice %arg2[%dma_wait3A_1662, %dma_wait3A_1663] : memref<50000x128xf32, #tpu.memory_space<hbm>> -> memref<50000x128xf32, #tpu.memory_space<hbm>>
      tpu.wait_indirect_dma semaphore(%arg19 : memref<!tpu.dma_semaphore, #tpu.memory_space<semaphore_mem>>) src(%dma_wait3A_1664 : memref<50000x128xf32, #tpu.memory_space<hbm>>) dst(%arg12 : memref<128x128xf32, #tpu.memory_space<vmem>>)
    } else {
    }
    %add3A_863 = arith.constant 1792 : i32
    %add3A_864 = arith.addi %mul3A_2, %add3A_863 : i32
    %le3A_865 = arith.constant 100000 : i32
    %le3A_866 = arith.cmpi sle, %add3A_864, %le3A_865 : i32
    %convert_element_type3A_867 = arith.extui %le3A_866 : i1 to i32
    %cond3A_868 = arith.constant 0 : i32
    %cond3A_869 = arith.cmpi ne, %convert_element_type3A_867, %cond3A_868 : i32
    scf.if %cond3A_869 {
      %add3A_1661 = arith.constant 1664 : i32
      %add3A_1662 = arith.addi %mul3A_2, %add3A_1661 : i32
      %dma_start3A = arith.constant 0 : i32
      %dma_start3A_1663 = tpu.memref_slice %arg4[%add3A_1662, %dma_start3A] : memref<100000x128xf32, #tpu.memory_space<hbm>> -> memref<128x128xf32, #tpu.memory_space<hbm>>
      %dma_start3A_1664 = arith.constant 0 : i32
      %dma_start3A_1665 = tpu.memref_slice %arg4[%add3A_1662, %dma_start3A_1664] : memref<100000x128xf32, #tpu.memory_space<hbm>> -> memref<128x128xf32, #tpu.memory_space<hbm>>
      tpu.enqueue_dma source(%arg12 : memref<128x128xf32, #tpu.memory_space<vmem>>) target(%dma_start3A_1665 : memref<128x128xf32, #tpu.memory_space<hbm>>) target_semaphore(%arg26 : memref<!tpu.dma_semaphore, #tpu.memory_space<semaphore_mem>>)
    } else {
    }
    %add3A_870 = arith.constant 1664 : i32
    %add3A_871 = arith.addi %mul3A_2, %add3A_870 : i32
    %lt3A_872 = arith.constant 100000 : i32
    %lt3A_873 = arith.cmpi slt, %add3A_871, %lt3A_872 : i32
    %add3A_874 = arith.constant 1792 : i32
    %add3A_875 = arith.addi %mul3A_2, %add3A_874 : i32
    %le3A_876 = arith.constant 100000 : i32
    %le3A_877 = arith.cmpi sle, %add3A_875, %le3A_876 : i32
    %not3A_878 = arith.constant true
    %not3A_879 = arith.xori %le3A_877, %not3A_878 : i1
    %and3A_880 = arith.andi %lt3A_873, %not3A_879 : i1
    %convert_element_type3A_881 = arith.extui %and3A_880 : i1 to i32
    %cond3A_882 = arith.constant 0 : i32
    %cond3A_883 = arith.cmpi ne, %convert_element_type3A_881, %cond3A_882 : i32
    scf.if %cond3A_883 {
      %dma_start3A = arith.constant 99872 : i32
      %dma_start3A_1661 = arith.constant 0 : i32
      %dma_start3A_1662 = tpu.memref_slice %arg4[%dma_start3A, %dma_start3A_1661] : memref<100000x128xf32, #tpu.memory_space<hbm>> -> memref<128x128xf32, #tpu.memory_space<hbm>>
      %dma_start3A_1663 = arith.constant 99872 : i32
      %dma_start3A_1664 = arith.constant 0 : i32
      %dma_start3A_1665 = tpu.memref_slice %arg4[%dma_start3A_1663, %dma_start3A_1664] : memref<100000x128xf32, #tpu.memory_space<hbm>> -> memref<128x128xf32, #tpu.memory_space<hbm>>
      tpu.enqueue_dma source(%arg12 : memref<128x128xf32, #tpu.memory_space<vmem>>) target(%dma_start3A_1665 : memref<128x128xf32, #tpu.memory_space<hbm>>) target_semaphore(%arg26 : memref<!tpu.dma_semaphore, #tpu.memory_space<semaphore_mem>>)
    } else {
    }
    %add3A_884 = arith.constant 2432 : i32
    %add3A_885 = arith.addi %mul3A_2, %add3A_884 : i32
    %lt3A_886 = arith.constant 100000 : i32
    %lt3A_887 = arith.cmpi slt, %add3A_885, %lt3A_886 : i32
    %convert_element_type3A_888 = arith.extui %lt3A_887 : i1 to i32
    %cond3A_889 = arith.constant 0 : i32
    %cond3A_890 = arith.cmpi ne, %convert_element_type3A_888, %cond3A_889 : i32
    scf.if %cond3A_890 {
      %dma_wait3A = arith.constant 0 : i32
      %dma_wait3A_1661 = arith.constant 0 : i32
      %dma_wait3A_1662 = tpu.memref_slice %arg4[%dma_wait3A, %dma_wait3A_1661] : memref<100000x128xf32, #tpu.memory_space<hbm>> -> memref<128x128xf32, #tpu.memory_space<hbm>>
      %dma_wait3A_1663 = arith.constant 0 : i32
      %dma_wait3A_1664 = arith.constant 0 : i32
      %dma_wait3A_1665 = tpu.memref_slice %arg4[%dma_wait3A_1663, %dma_wait3A_1664] : memref<100000x128xf32, #tpu.memory_space<hbm>> -> memref<128x128xf32, #tpu.memory_space<hbm>>
      tpu.wait_dma2 semaphore(%arg25 : memref<!tpu.dma_semaphore, #tpu.memory_space<semaphore_mem>>) src(%arg11 : memref<128x128xf32, #tpu.memory_space<vmem>>) dst(%dma_wait3A_1665 : memref<128x128xf32, #tpu.memory_space<hbm>>)
    } else {
    }
    %add3A_891 = arith.constant 2560 : i32
    %add3A_892 = arith.addi %mul3A_2, %add3A_891 : i32
    %le3A_893 = arith.constant 100000 : i32
    %le3A_894 = arith.cmpi sle, %add3A_892, %le3A_893 : i32
    %convert_element_type3A_895 = arith.extui %le3A_894 : i1 to i32
    %cond3A_896 = arith.constant 0 : i32
    %cond3A_897 = arith.cmpi ne, %convert_element_type3A_895, %cond3A_896 : i32
    scf.if %cond3A_897 {
      %dma_start3A = arith.constant 2432 : i32
      %dma_start3A_1661 = tpu.memref_slice %arg5[%dma_start3A] : memref<3200xi32, #tpu.memory_space<vmem>> -> memref<128xi32, #tpu.memory_space<vmem>>
      %dma_start3A_1662 = arith.constant 0 : i32
      %dma_start3A_1663 = arith.constant 0 : i32
      %dma_start3A_1664 = tpu.memref_slice %arg2[%dma_start3A_1662, %dma_start3A_1663] : memref<50000x128xf32, #tpu.memory_space<hbm>> -> memref<50000x128xf32, #tpu.memory_space<hbm>>
      tpu.enqueue_indirect_dma source(%dma_start3A_1664 : memref<50000x128xf32, #tpu.memory_space<hbm>>) target(%arg11 : memref<128x128xf32, #tpu.memory_space<vmem>>) offsets(%dma_start3A_1661 : memref<128xi32, #tpu.memory_space<vmem>>) semaphore(%arg18 : memref<!tpu.dma_semaphore, #tpu.memory_space<semaphore_mem>>)
    } else {
    }
    %add3A_898 = arith.constant 2432 : i32
    %add3A_899 = arith.addi %mul3A_2, %add3A_898 : i32
    %lt3A_900 = arith.constant 100000 : i32
    %lt3A_901 = arith.cmpi slt, %add3A_899, %lt3A_900 : i32
    %add3A_902 = arith.constant 2560 : i32
    %add3A_903 = arith.addi %mul3A_2, %add3A_902 : i32
    %le3A_904 = arith.constant 100000 : i32
    %le3A_905 = arith.cmpi sle, %add3A_903, %le3A_904 : i32
    %not3A_906 = arith.constant true
    %not3A_907 = arith.xori %le3A_905, %not3A_906 : i1
    %and3A_908 = arith.andi %lt3A_901, %not3A_907 : i1
    %convert_element_type3A_909 = arith.extui %and3A_908 : i1 to i32
    %cond3A_910 = arith.constant 0 : i32
    %cond3A_911 = arith.cmpi ne, %convert_element_type3A_909, %cond3A_910 : i32
    scf.if %cond3A_911 {
      %sub3A = arith.constant 99872 : i32
      %sub3A_1661 = arith.subi %sub3A, %mul3A_2 : i32
      %dma_start3A = tpu.memref_slice %arg5[%sub3A_1661] : memref<3200xi32, #tpu.memory_space<vmem>> -> memref<128xi32, #tpu.memory_space<vmem>>
      %dma_start3A_1662 = arith.constant 0 : i32
      %dma_start3A_1663 = arith.constant 0 : i32
      %dma_start3A_1664 = tpu.memref_slice %arg2[%dma_start3A_1662, %dma_start3A_1663] : memref<50000x128xf32, #tpu.memory_space<hbm>> -> memref<50000x128xf32, #tpu.memory_space<hbm>>
      tpu.enqueue_indirect_dma source(%dma_start3A_1664 : memref<50000x128xf32, #tpu.memory_space<hbm>>) target(%arg11 : memref<128x128xf32, #tpu.memory_space<vmem>>) offsets(%dma_start3A : memref<128xi32, #tpu.memory_space<vmem>>) semaphore(%arg18 : memref<!tpu.dma_semaphore, #tpu.memory_space<semaphore_mem>>)
    } else {
    }
    %add3A_912 = arith.constant 1792 : i32
    %add3A_913 = arith.addi %mul3A_2, %add3A_912 : i32
    %lt3A_914 = arith.constant 100000 : i32
    %lt3A_915 = arith.cmpi slt, %add3A_913, %lt3A_914 : i32
    %convert_element_type3A_916 = arith.extui %lt3A_915 : i1 to i32
    %cond3A_917 = arith.constant 0 : i32
    %cond3A_918 = arith.cmpi ne, %convert_element_type3A_916, %cond3A_917 : i32
    scf.if %cond3A_918 {
      %dma_wait3A = arith.constant 0 : i32
      %dma_wait3A_1661 = tpu.memref_slice %arg5[%dma_wait3A] : memref<3200xi32, #tpu.memory_space<vmem>> -> memref<128xi32, #tpu.memory_space<vmem>>
      %dma_wait3A_1662 = arith.constant 0 : i32
      %dma_wait3A_1663 = arith.constant 0 : i32
      %dma_wait3A_1664 = tpu.memref_slice %arg2[%dma_wait3A_1662, %dma_wait3A_1663] : memref<50000x128xf32, #tpu.memory_space<hbm>> -> memref<50000x128xf32, #tpu.memory_space<hbm>>
      tpu.wait_indirect_dma semaphore(%arg13 : memref<!tpu.dma_semaphore, #tpu.memory_space<semaphore_mem>>) src(%dma_wait3A_1664 : memref<50000x128xf32, #tpu.memory_space<hbm>>) dst(%arg6 : memref<128x128xf32, #tpu.memory_space<vmem>>)
    } else {
    }
    %add3A_919 = arith.constant 1920 : i32
    %add3A_920 = arith.addi %mul3A_2, %add3A_919 : i32
    %le3A_921 = arith.constant 100000 : i32
    %le3A_922 = arith.cmpi sle, %add3A_920, %le3A_921 : i32
    %convert_element_type3A_923 = arith.extui %le3A_922 : i1 to i32
    %cond3A_924 = arith.constant 0 : i32
    %cond3A_925 = arith.cmpi ne, %convert_element_type3A_923, %cond3A_924 : i32
    scf.if %cond3A_925 {
      %add3A_1661 = arith.constant 1792 : i32
      %add3A_1662 = arith.addi %mul3A_2, %add3A_1661 : i32
      %dma_start3A = arith.constant 0 : i32
      %dma_start3A_1663 = tpu.memref_slice %arg4[%add3A_1662, %dma_start3A] : memref<100000x128xf32, #tpu.memory_space<hbm>> -> memref<128x128xf32, #tpu.memory_space<hbm>>
      %dma_start3A_1664 = arith.constant 0 : i32
      %dma_start3A_1665 = tpu.memref_slice %arg4[%add3A_1662, %dma_start3A_1664] : memref<100000x128xf32, #tpu.memory_space<hbm>> -> memref<128x128xf32, #tpu.memory_space<hbm>>
      tpu.enqueue_dma source(%arg6 : memref<128x128xf32, #tpu.memory_space<vmem>>) target(%dma_start3A_1665 : memref<128x128xf32, #tpu.memory_space<hbm>>) target_semaphore(%arg20 : memref<!tpu.dma_semaphore, #tpu.memory_space<semaphore_mem>>)
    } else {
    }
    %add3A_926 = arith.constant 1792 : i32
    %add3A_927 = arith.addi %mul3A_2, %add3A_926 : i32
    %lt3A_928 = arith.constant 100000 : i32
    %lt3A_929 = arith.cmpi slt, %add3A_927, %lt3A_928 : i32
    %add3A_930 = arith.constant 1920 : i32
    %add3A_931 = arith.addi %mul3A_2, %add3A_930 : i32
    %le3A_932 = arith.constant 100000 : i32
    %le3A_933 = arith.cmpi sle, %add3A_931, %le3A_932 : i32
    %not3A_934 = arith.constant true
    %not3A_935 = arith.xori %le3A_933, %not3A_934 : i1
    %and3A_936 = arith.andi %lt3A_929, %not3A_935 : i1
    %convert_element_type3A_937 = arith.extui %and3A_936 : i1 to i32
    %cond3A_938 = arith.constant 0 : i32
    %cond3A_939 = arith.cmpi ne, %convert_element_type3A_937, %cond3A_938 : i32
    scf.if %cond3A_939 {
      %dma_start3A = arith.constant 99872 : i32
      %dma_start3A_1661 = arith.constant 0 : i32
      %dma_start3A_1662 = tpu.memref_slice %arg4[%dma_start3A, %dma_start3A_1661] : memref<100000x128xf32, #tpu.memory_space<hbm>> -> memref<128x128xf32, #tpu.memory_space<hbm>>
      %dma_start3A_1663 = arith.constant 99872 : i32
      %dma_start3A_1664 = arith.constant 0 : i32
      %dma_start3A_1665 = tpu.memref_slice %arg4[%dma_start3A_1663, %dma_start3A_1664] : memref<100000x128xf32, #tpu.memory_space<hbm>> -> memref<128x128xf32, #tpu.memory_space<hbm>>
      tpu.enqueue_dma source(%arg6 : memref<128x128xf32, #tpu.memory_space<vmem>>) target(%dma_start3A_1665 : memref<128x128xf32, #tpu.memory_space<hbm>>) target_semaphore(%arg20 : memref<!tpu.dma_semaphore, #tpu.memory_space<semaphore_mem>>)
    } else {
    }
    %add3A_940 = arith.constant 2560 : i32
    %add3A_941 = arith.addi %mul3A_2, %add3A_940 : i32
    %lt3A_942 = arith.constant 100000 : i32
    %lt3A_943 = arith.cmpi slt, %add3A_941, %lt3A_942 : i32
    %convert_element_type3A_944 = arith.extui %lt3A_943 : i1 to i32
    %cond3A_945 = arith.constant 0 : i32
    %cond3A_946 = arith.cmpi ne, %convert_element_type3A_944, %cond3A_945 : i32
    scf.if %cond3A_946 {
      %dma_wait3A = arith.constant 0 : i32
      %dma_wait3A_1661 = arith.constant 0 : i32
      %dma_wait3A_1662 = tpu.memref_slice %arg4[%dma_wait3A, %dma_wait3A_1661] : memref<100000x128xf32, #tpu.memory_space<hbm>> -> memref<128x128xf32, #tpu.memory_space<hbm>>
      %dma_wait3A_1663 = arith.constant 0 : i32
      %dma_wait3A_1664 = arith.constant 0 : i32
      %dma_wait3A_1665 = tpu.memref_slice %arg4[%dma_wait3A_1663, %dma_wait3A_1664] : memref<100000x128xf32, #tpu.memory_space<hbm>> -> memref<128x128xf32, #tpu.memory_space<hbm>>
      tpu.wait_dma2 semaphore(%arg26 : memref<!tpu.dma_semaphore, #tpu.memory_space<semaphore_mem>>) src(%arg12 : memref<128x128xf32, #tpu.memory_space<vmem>>) dst(%dma_wait3A_1665 : memref<128x128xf32, #tpu.memory_space<hbm>>)
    } else {
    }
    %add3A_947 = arith.constant 2688 : i32
    %add3A_948 = arith.addi %mul3A_2, %add3A_947 : i32
    %le3A_949 = arith.constant 100000 : i32
    %le3A_950 = arith.cmpi sle, %add3A_948, %le3A_949 : i32
    %convert_element_type3A_951 = arith.extui %le3A_950 : i1 to i32
    %cond3A_952 = arith.constant 0 : i32
    %cond3A_953 = arith.cmpi ne, %convert_element_type3A_951, %cond3A_952 : i32
    scf.if %cond3A_953 {
      %dma_start3A = arith.constant 2560 : i32
      %dma_start3A_1661 = tpu.memref_slice %arg5[%dma_start3A] : memref<3200xi32, #tpu.memory_space<vmem>> -> memref<128xi32, #tpu.memory_space<vmem>>
      %dma_start3A_1662 = arith.constant 0 : i32
      %dma_start3A_1663 = arith.constant 0 : i32
      %dma_start3A_1664 = tpu.memref_slice %arg2[%dma_start3A_1662, %dma_start3A_1663] : memref<50000x128xf32, #tpu.memory_space<hbm>> -> memref<50000x128xf32, #tpu.memory_space<hbm>>
      tpu.enqueue_indirect_dma source(%dma_start3A_1664 : memref<50000x128xf32, #tpu.memory_space<hbm>>) target(%arg12 : memref<128x128xf32, #tpu.memory_space<vmem>>) offsets(%dma_start3A_1661 : memref<128xi32, #tpu.memory_space<vmem>>) semaphore(%arg19 : memref<!tpu.dma_semaphore, #tpu.memory_space<semaphore_mem>>)
    } else {
    }
    %add3A_954 = arith.constant 2560 : i32
    %add3A_955 = arith.addi %mul3A_2, %add3A_954 : i32
    %lt3A_956 = arith.constant 100000 : i32
    %lt3A_957 = arith.cmpi slt, %add3A_955, %lt3A_956 : i32
    %add3A_958 = arith.constant 2688 : i32
    %add3A_959 = arith.addi %mul3A_2, %add3A_958 : i32
    %le3A_960 = arith.constant 100000 : i32
    %le3A_961 = arith.cmpi sle, %add3A_959, %le3A_960 : i32
    %not3A_962 = arith.constant true
    %not3A_963 = arith.xori %le3A_961, %not3A_962 : i1
    %and3A_964 = arith.andi %lt3A_957, %not3A_963 : i1
    %convert_element_type3A_965 = arith.extui %and3A_964 : i1 to i32
    %cond3A_966 = arith.constant 0 : i32
    %cond3A_967 = arith.cmpi ne, %convert_element_type3A_965, %cond3A_966 : i32
    scf.if %cond3A_967 {
      %sub3A = arith.constant 99872 : i32
      %sub3A_1661 = arith.subi %sub3A, %mul3A_2 : i32
      %dma_start3A = tpu.memref_slice %arg5[%sub3A_1661] : memref<3200xi32, #tpu.memory_space<vmem>> -> memref<128xi32, #tpu.memory_space<vmem>>
      %dma_start3A_1662 = arith.constant 0 : i32
      %dma_start3A_1663 = arith.constant 0 : i32
      %dma_start3A_1664 = tpu.memref_slice %arg2[%dma_start3A_1662, %dma_start3A_1663] : memref<50000x128xf32, #tpu.memory_space<hbm>> -> memref<50000x128xf32, #tpu.memory_space<hbm>>
      tpu.enqueue_indirect_dma source(%dma_start3A_1664 : memref<50000x128xf32, #tpu.memory_space<hbm>>) target(%arg12 : memref<128x128xf32, #tpu.memory_space<vmem>>) offsets(%dma_start3A : memref<128xi32, #tpu.memory_space<vmem>>) semaphore(%arg19 : memref<!tpu.dma_semaphore, #tpu.memory_space<semaphore_mem>>)
    } else {
    }
    %add3A_968 = arith.constant 1920 : i32
    %add3A_969 = arith.addi %mul3A_2, %add3A_968 : i32
    %lt3A_970 = arith.constant 100000 : i32
    %lt3A_971 = arith.cmpi slt, %add3A_969, %lt3A_970 : i32
    %convert_element_type3A_972 = arith.extui %lt3A_971 : i1 to i32
    %cond3A_973 = arith.constant 0 : i32
    %cond3A_974 = arith.cmpi ne, %convert_element_type3A_972, %cond3A_973 : i32
    scf.if %cond3A_974 {
      %dma_wait3A = arith.constant 0 : i32
      %dma_wait3A_1661 = tpu.memref_slice %arg5[%dma_wait3A] : memref<3200xi32, #tpu.memory_space<vmem>> -> memref<128xi32, #tpu.memory_space<vmem>>
      %dma_wait3A_1662 = arith.constant 0 : i32
      %dma_wait3A_1663 = arith.constant 0 : i32
      %dma_wait3A_1664 = tpu.memref_slice %arg2[%dma_wait3A_1662, %dma_wait3A_1663] : memref<50000x128xf32, #tpu.memory_space<hbm>> -> memref<50000x128xf32, #tpu.memory_space<hbm>>
      tpu.wait_indirect_dma semaphore(%arg14 : memref<!tpu.dma_semaphore, #tpu.memory_space<semaphore_mem>>) src(%dma_wait3A_1664 : memref<50000x128xf32, #tpu.memory_space<hbm>>) dst(%arg7 : memref<128x128xf32, #tpu.memory_space<vmem>>)
    } else {
    }
    %add3A_975 = arith.constant 2048 : i32
    %add3A_976 = arith.addi %mul3A_2, %add3A_975 : i32
    %le3A_977 = arith.constant 100000 : i32
    %le3A_978 = arith.cmpi sle, %add3A_976, %le3A_977 : i32
    %convert_element_type3A_979 = arith.extui %le3A_978 : i1 to i32
    %cond3A_980 = arith.constant 0 : i32
    %cond3A_981 = arith.cmpi ne, %convert_element_type3A_979, %cond3A_980 : i32
    scf.if %cond3A_981 {
      %add3A_1661 = arith.constant 1920 : i32
      %add3A_1662 = arith.addi %mul3A_2, %add3A_1661 : i32
      %dma_start3A = arith.constant 0 : i32
      %dma_start3A_1663 = tpu.memref_slice %arg4[%add3A_1662, %dma_start3A] : memref<100000x128xf32, #tpu.memory_space<hbm>> -> memref<128x128xf32, #tpu.memory_space<hbm>>
      %dma_start3A_1664 = arith.constant 0 : i32
      %dma_start3A_1665 = tpu.memref_slice %arg4[%add3A_1662, %dma_start3A_1664] : memref<100000x128xf32, #tpu.memory_space<hbm>> -> memref<128x128xf32, #tpu.memory_space<hbm>>
      tpu.enqueue_dma source(%arg7 : memref<128x128xf32, #tpu.memory_space<vmem>>) target(%dma_start3A_1665 : memref<128x128xf32, #tpu.memory_space<hbm>>) target_semaphore(%arg21 : memref<!tpu.dma_semaphore, #tpu.memory_space<semaphore_mem>>)
    } else {
    }
    %add3A_982 = arith.constant 1920 : i32
    %add3A_983 = arith.addi %mul3A_2, %add3A_982 : i32
    %lt3A_984 = arith.constant 100000 : i32
    %lt3A_985 = arith.cmpi slt, %add3A_983, %lt3A_984 : i32
    %add3A_986 = arith.constant 2048 : i32
    %add3A_987 = arith.addi %mul3A_2, %add3A_986 : i32
    %le3A_988 = arith.constant 100000 : i32
    %le3A_989 = arith.cmpi sle, %add3A_987, %le3A_988 : i32
    %not3A_990 = arith.constant true
    %not3A_991 = arith.xori %le3A_989, %not3A_990 : i1
    %and3A_992 = arith.andi %lt3A_985, %not3A_991 : i1
    %convert_element_type3A_993 = arith.extui %and3A_992 : i1 to i32
    %cond3A_994 = arith.constant 0 : i32
    %cond3A_995 = arith.cmpi ne, %convert_element_type3A_993, %cond3A_994 : i32
    scf.if %cond3A_995 {
      %dma_start3A = arith.constant 99872 : i32
      %dma_start3A_1661 = arith.constant 0 : i32
      %dma_start3A_1662 = tpu.memref_slice %arg4[%dma_start3A, %dma_start3A_1661] : memref<100000x128xf32, #tpu.memory_space<hbm>> -> memref<128x128xf32, #tpu.memory_space<hbm>>
      %dma_start3A_1663 = arith.constant 99872 : i32
      %dma_start3A_1664 = arith.constant 0 : i32
      %dma_start3A_1665 = tpu.memref_slice %arg4[%dma_start3A_1663, %dma_start3A_1664] : memref<100000x128xf32, #tpu.memory_space<hbm>> -> memref<128x128xf32, #tpu.memory_space<hbm>>
      tpu.enqueue_dma source(%arg7 : memref<128x128xf32, #tpu.memory_space<vmem>>) target(%dma_start3A_1665 : memref<128x128xf32, #tpu.memory_space<hbm>>) target_semaphore(%arg21 : memref<!tpu.dma_semaphore, #tpu.memory_space<semaphore_mem>>)
    } else {
    }
    %add3A_996 = arith.constant 2688 : i32
    %add3A_997 = arith.addi %mul3A_2, %add3A_996 : i32
    %lt3A_998 = arith.constant 100000 : i32
    %lt3A_999 = arith.cmpi slt, %add3A_997, %lt3A_998 : i32
    %convert_element_type3A_1000 = arith.extui %lt3A_999 : i1 to i32
    %cond3A_1001 = arith.constant 0 : i32
    %cond3A_1002 = arith.cmpi ne, %convert_element_type3A_1000, %cond3A_1001 : i32
    scf.if %cond3A_1002 {
      %dma_wait3A = arith.constant 0 : i32
      %dma_wait3A_1661 = arith.constant 0 : i32
      %dma_wait3A_1662 = tpu.memref_slice %arg4[%dma_wait3A, %dma_wait3A_1661] : memref<100000x128xf32, #tpu.memory_space<hbm>> -> memref<128x128xf32, #tpu.memory_space<hbm>>
      %dma_wait3A_1663 = arith.constant 0 : i32
      %dma_wait3A_1664 = arith.constant 0 : i32
      %dma_wait3A_1665 = tpu.memref_slice %arg4[%dma_wait3A_1663, %dma_wait3A_1664] : memref<100000x128xf32, #tpu.memory_space<hbm>> -> memref<128x128xf32, #tpu.memory_space<hbm>>
      tpu.wait_dma2 semaphore(%arg20 : memref<!tpu.dma_semaphore, #tpu.memory_space<semaphore_mem>>) src(%arg6 : memref<128x128xf32, #tpu.memory_space<vmem>>) dst(%dma_wait3A_1665 : memref<128x128xf32, #tpu.memory_space<hbm>>)
    } else {
    }
    %add3A_1003 = arith.constant 2816 : i32
    %add3A_1004 = arith.addi %mul3A_2, %add3A_1003 : i32
    %le3A_1005 = arith.constant 100000 : i32
    %le3A_1006 = arith.cmpi sle, %add3A_1004, %le3A_1005 : i32
    %convert_element_type3A_1007 = arith.extui %le3A_1006 : i1 to i32
    %cond3A_1008 = arith.constant 0 : i32
    %cond3A_1009 = arith.cmpi ne, %convert_element_type3A_1007, %cond3A_1008 : i32
    scf.if %cond3A_1009 {
      %dma_start3A = arith.constant 2688 : i32
      %dma_start3A_1661 = tpu.memref_slice %arg5[%dma_start3A] : memref<3200xi32, #tpu.memory_space<vmem>> -> memref<128xi32, #tpu.memory_space<vmem>>
      %dma_start3A_1662 = arith.constant 0 : i32
      %dma_start3A_1663 = arith.constant 0 : i32
      %dma_start3A_1664 = tpu.memref_slice %arg2[%dma_start3A_1662, %dma_start3A_1663] : memref<50000x128xf32, #tpu.memory_space<hbm>> -> memref<50000x128xf32, #tpu.memory_space<hbm>>
      tpu.enqueue_indirect_dma source(%dma_start3A_1664 : memref<50000x128xf32, #tpu.memory_space<hbm>>) target(%arg6 : memref<128x128xf32, #tpu.memory_space<vmem>>) offsets(%dma_start3A_1661 : memref<128xi32, #tpu.memory_space<vmem>>) semaphore(%arg13 : memref<!tpu.dma_semaphore, #tpu.memory_space<semaphore_mem>>)
    } else {
    }
    %add3A_1010 = arith.constant 2688 : i32
    %add3A_1011 = arith.addi %mul3A_2, %add3A_1010 : i32
    %lt3A_1012 = arith.constant 100000 : i32
    %lt3A_1013 = arith.cmpi slt, %add3A_1011, %lt3A_1012 : i32
    %add3A_1014 = arith.constant 2816 : i32
    %add3A_1015 = arith.addi %mul3A_2, %add3A_1014 : i32
    %le3A_1016 = arith.constant 100000 : i32
    %le3A_1017 = arith.cmpi sle, %add3A_1015, %le3A_1016 : i32
    %not3A_1018 = arith.constant true
    %not3A_1019 = arith.xori %le3A_1017, %not3A_1018 : i1
    %and3A_1020 = arith.andi %lt3A_1013, %not3A_1019 : i1
    %convert_element_type3A_1021 = arith.extui %and3A_1020 : i1 to i32
    %cond3A_1022 = arith.constant 0 : i32
    %cond3A_1023 = arith.cmpi ne, %convert_element_type3A_1021, %cond3A_1022 : i32
    scf.if %cond3A_1023 {
      %sub3A = arith.constant 99872 : i32
      %sub3A_1661 = arith.subi %sub3A, %mul3A_2 : i32
      %dma_start3A = tpu.memref_slice %arg5[%sub3A_1661] : memref<3200xi32, #tpu.memory_space<vmem>> -> memref<128xi32, #tpu.memory_space<vmem>>
      %dma_start3A_1662 = arith.constant 0 : i32
      %dma_start3A_1663 = arith.constant 0 : i32
      %dma_start3A_1664 = tpu.memref_slice %arg2[%dma_start3A_1662, %dma_start3A_1663] : memref<50000x128xf32, #tpu.memory_space<hbm>> -> memref<50000x128xf32, #tpu.memory_space<hbm>>
      tpu.enqueue_indirect_dma source(%dma_start3A_1664 : memref<50000x128xf32, #tpu.memory_space<hbm>>) target(%arg6 : memref<128x128xf32, #tpu.memory_space<vmem>>) offsets(%dma_start3A : memref<128xi32, #tpu.memory_space<vmem>>) semaphore(%arg13 : memref<!tpu.dma_semaphore, #tpu.memory_space<semaphore_mem>>)
    } else {
    }
    %add3A_1024 = arith.constant 2048 : i32
    %add3A_1025 = arith.addi %mul3A_2, %add3A_1024 : i32
    %lt3A_1026 = arith.constant 100000 : i32
    %lt3A_1027 = arith.cmpi slt, %add3A_1025, %lt3A_1026 : i32
    %convert_element_type3A_1028 = arith.extui %lt3A_1027 : i1 to i32
    %cond3A_1029 = arith.constant 0 : i32
    %cond3A_1030 = arith.cmpi ne, %convert_element_type3A_1028, %cond3A_1029 : i32
    scf.if %cond3A_1030 {
      %dma_wait3A = arith.constant 0 : i32
      %dma_wait3A_1661 = tpu.memref_slice %arg5[%dma_wait3A] : memref<3200xi32, #tpu.memory_space<vmem>> -> memref<128xi32, #tpu.memory_space<vmem>>
      %dma_wait3A_1662 = arith.constant 0 : i32
      %dma_wait3A_1663 = arith.constant 0 : i32
      %dma_wait3A_1664 = tpu.memref_slice %arg2[%dma_wait3A_1662, %dma_wait3A_1663] : memref<50000x128xf32, #tpu.memory_space<hbm>> -> memref<50000x128xf32, #tpu.memory_space<hbm>>
      tpu.wait_indirect_dma semaphore(%arg15 : memref<!tpu.dma_semaphore, #tpu.memory_space<semaphore_mem>>) src(%dma_wait3A_1664 : memref<50000x128xf32, #tpu.memory_space<hbm>>) dst(%arg8 : memref<128x128xf32, #tpu.memory_space<vmem>>)
    } else {
    }
    %add3A_1031 = arith.constant 2176 : i32
    %add3A_1032 = arith.addi %mul3A_2, %add3A_1031 : i32
    %le3A_1033 = arith.constant 100000 : i32
    %le3A_1034 = arith.cmpi sle, %add3A_1032, %le3A_1033 : i32
    %convert_element_type3A_1035 = arith.extui %le3A_1034 : i1 to i32
    %cond3A_1036 = arith.constant 0 : i32
    %cond3A_1037 = arith.cmpi ne, %convert_element_type3A_1035, %cond3A_1036 : i32
    scf.if %cond3A_1037 {
      %add3A_1661 = arith.constant 2048 : i32
      %add3A_1662 = arith.addi %mul3A_2, %add3A_1661 : i32
      %dma_start3A = arith.constant 0 : i32
      %dma_start3A_1663 = tpu.memref_slice %arg4[%add3A_1662, %dma_start3A] : memref<100000x128xf32, #tpu.memory_space<hbm>> -> memref<128x128xf32, #tpu.memory_space<hbm>>
      %dma_start3A_1664 = arith.constant 0 : i32
      %dma_start3A_1665 = tpu.memref_slice %arg4[%add3A_1662, %dma_start3A_1664] : memref<100000x128xf32, #tpu.memory_space<hbm>> -> memref<128x128xf32, #tpu.memory_space<hbm>>
      tpu.enqueue_dma source(%arg8 : memref<128x128xf32, #tpu.memory_space<vmem>>) target(%dma_start3A_1665 : memref<128x128xf32, #tpu.memory_space<hbm>>) target_semaphore(%arg22 : memref<!tpu.dma_semaphore, #tpu.memory_space<semaphore_mem>>)
    } else {
    }
    %add3A_1038 = arith.constant 2048 : i32
    %add3A_1039 = arith.addi %mul3A_2, %add3A_1038 : i32
    %lt3A_1040 = arith.constant 100000 : i32
    %lt3A_1041 = arith.cmpi slt, %add3A_1039, %lt3A_1040 : i32
    %add3A_1042 = arith.constant 2176 : i32
    %add3A_1043 = arith.addi %mul3A_2, %add3A_1042 : i32
    %le3A_1044 = arith.constant 100000 : i32
    %le3A_1045 = arith.cmpi sle, %add3A_1043, %le3A_1044 : i32
    %not3A_1046 = arith.constant true
    %not3A_1047 = arith.xori %le3A_1045, %not3A_1046 : i1
    %and3A_1048 = arith.andi %lt3A_1041, %not3A_1047 : i1
    %convert_element_type3A_1049 = arith.extui %and3A_1048 : i1 to i32
    %cond3A_1050 = arith.constant 0 : i32
    %cond3A_1051 = arith.cmpi ne, %convert_element_type3A_1049, %cond3A_1050 : i32
    scf.if %cond3A_1051 {
      %dma_start3A = arith.constant 99872 : i32
      %dma_start3A_1661 = arith.constant 0 : i32
      %dma_start3A_1662 = tpu.memref_slice %arg4[%dma_start3A, %dma_start3A_1661] : memref<100000x128xf32, #tpu.memory_space<hbm>> -> memref<128x128xf32, #tpu.memory_space<hbm>>
      %dma_start3A_1663 = arith.constant 99872 : i32
      %dma_start3A_1664 = arith.constant 0 : i32
      %dma_start3A_1665 = tpu.memref_slice %arg4[%dma_start3A_1663, %dma_start3A_1664] : memref<100000x128xf32, #tpu.memory_space<hbm>> -> memref<128x128xf32, #tpu.memory_space<hbm>>
      tpu.enqueue_dma source(%arg8 : memref<128x128xf32, #tpu.memory_space<vmem>>) target(%dma_start3A_1665 : memref<128x128xf32, #tpu.memory_space<hbm>>) target_semaphore(%arg22 : memref<!tpu.dma_semaphore, #tpu.memory_space<semaphore_mem>>)
    } else {
    }
    %add3A_1052 = arith.constant 2816 : i32
    %add3A_1053 = arith.addi %mul3A_2, %add3A_1052 : i32
    %lt3A_1054 = arith.constant 100000 : i32
    %lt3A_1055 = arith.cmpi slt, %add3A_1053, %lt3A_1054 : i32
    %convert_element_type3A_1056 = arith.extui %lt3A_1055 : i1 to i32
    %cond3A_1057 = arith.constant 0 : i32
    %cond3A_1058 = arith.cmpi ne, %convert_element_type3A_1056, %cond3A_1057 : i32
    scf.if %cond3A_1058 {
      %dma_wait3A = arith.constant 0 : i32
      %dma_wait3A_1661 = arith.constant 0 : i32
      %dma_wait3A_1662 = tpu.memref_slice %arg4[%dma_wait3A, %dma_wait3A_1661] : memref<100000x128xf32, #tpu.memory_space<hbm>> -> memref<128x128xf32, #tpu.memory_space<hbm>>
      %dma_wait3A_1663 = arith.constant 0 : i32
      %dma_wait3A_1664 = arith.constant 0 : i32
      %dma_wait3A_1665 = tpu.memref_slice %arg4[%dma_wait3A_1663, %dma_wait3A_1664] : memref<100000x128xf32, #tpu.memory_space<hbm>> -> memref<128x128xf32, #tpu.memory_space<hbm>>
      tpu.wait_dma2 semaphore(%arg21 : memref<!tpu.dma_semaphore, #tpu.memory_space<semaphore_mem>>) src(%arg7 : memref<128x128xf32, #tpu.memory_space<vmem>>) dst(%dma_wait3A_1665 : memref<128x128xf32, #tpu.memory_space<hbm>>)
    } else {
    }
    %add3A_1059 = arith.constant 2944 : i32
    %add3A_1060 = arith.addi %mul3A_2, %add3A_1059 : i32
    %le3A_1061 = arith.constant 100000 : i32
    %le3A_1062 = arith.cmpi sle, %add3A_1060, %le3A_1061 : i32
    %convert_element_type3A_1063 = arith.extui %le3A_1062 : i1 to i32
    %cond3A_1064 = arith.constant 0 : i32
    %cond3A_1065 = arith.cmpi ne, %convert_element_type3A_1063, %cond3A_1064 : i32
    scf.if %cond3A_1065 {
      %dma_start3A = arith.constant 2816 : i32
      %dma_start3A_1661 = tpu.memref_slice %arg5[%dma_start3A] : memref<3200xi32, #tpu.memory_space<vmem>> -> memref<128xi32, #tpu.memory_space<vmem>>
      %dma_start3A_1662 = arith.constant 0 : i32
      %dma_start3A_1663 = arith.constant 0 : i32
      %dma_start3A_1664 = tpu.memref_slice %arg2[%dma_start3A_1662, %dma_start3A_1663] : memref<50000x128xf32, #tpu.memory_space<hbm>> -> memref<50000x128xf32, #tpu.memory_space<hbm>>
      tpu.enqueue_indirect_dma source(%dma_start3A_1664 : memref<50000x128xf32, #tpu.memory_space<hbm>>) target(%arg7 : memref<128x128xf32, #tpu.memory_space<vmem>>) offsets(%dma_start3A_1661 : memref<128xi32, #tpu.memory_space<vmem>>) semaphore(%arg14 : memref<!tpu.dma_semaphore, #tpu.memory_space<semaphore_mem>>)
    } else {
    }
    %add3A_1066 = arith.constant 2816 : i32
    %add3A_1067 = arith.addi %mul3A_2, %add3A_1066 : i32
    %lt3A_1068 = arith.constant 100000 : i32
    %lt3A_1069 = arith.cmpi slt, %add3A_1067, %lt3A_1068 : i32
    %add3A_1070 = arith.constant 2944 : i32
    %add3A_1071 = arith.addi %mul3A_2, %add3A_1070 : i32
    %le3A_1072 = arith.constant 100000 : i32
    %le3A_1073 = arith.cmpi sle, %add3A_1071, %le3A_1072 : i32
    %not3A_1074 = arith.constant true
    %not3A_1075 = arith.xori %le3A_1073, %not3A_1074 : i1
    %and3A_1076 = arith.andi %lt3A_1069, %not3A_1075 : i1
    %convert_element_type3A_1077 = arith.extui %and3A_1076 : i1 to i32
    %cond3A_1078 = arith.constant 0 : i32
    %cond3A_1079 = arith.cmpi ne, %convert_element_type3A_1077, %cond3A_1078 : i32
    scf.if %cond3A_1079 {
      %sub3A = arith.constant 99872 : i32
      %sub3A_1661 = arith.subi %sub3A, %mul3A_2 : i32
      %dma_start3A = tpu.memref_slice %arg5[%sub3A_1661] : memref<3200xi32, #tpu.memory_space<vmem>> -> memref<128xi32, #tpu.memory_space<vmem>>
      %dma_start3A_1662 = arith.constant 0 : i32
      %dma_start3A_1663 = arith.constant 0 : i32
      %dma_start3A_1664 = tpu.memref_slice %arg2[%dma_start3A_1662, %dma_start3A_1663] : memref<50000x128xf32, #tpu.memory_space<hbm>> -> memref<50000x128xf32, #tpu.memory_space<hbm>>
      tpu.enqueue_indirect_dma source(%dma_start3A_1664 : memref<50000x128xf32, #tpu.memory_space<hbm>>) target(%arg7 : memref<128x128xf32, #tpu.memory_space<vmem>>) offsets(%dma_start3A : memref<128xi32, #tpu.memory_space<vmem>>) semaphore(%arg14 : memref<!tpu.dma_semaphore, #tpu.memory_space<semaphore_mem>>)
    } else {
    }
    %add3A_1080 = arith.constant 2176 : i32
    %add3A_1081 = arith.addi %mul3A_2, %add3A_1080 : i32
    %lt3A_1082 = arith.constant 100000 : i32
    %lt3A_1083 = arith.cmpi slt, %add3A_1081, %lt3A_1082 : i32
    %convert_element_type3A_1084 = arith.extui %lt3A_1083 : i1 to i32
    %cond3A_1085 = arith.constant 0 : i32
    %cond3A_1086 = arith.cmpi ne, %convert_element_type3A_1084, %cond3A_1085 : i32
    scf.if %cond3A_1086 {
      %dma_wait3A = arith.constant 0 : i32
      %dma_wait3A_1661 = tpu.memref_slice %arg5[%dma_wait3A] : memref<3200xi32, #tpu.memory_space<vmem>> -> memref<128xi32, #tpu.memory_space<vmem>>
      %dma_wait3A_1662 = arith.constant 0 : i32
      %dma_wait3A_1663 = arith.constant 0 : i32
      %dma_wait3A_1664 = tpu.memref_slice %arg2[%dma_wait3A_1662, %dma_wait3A_1663] : memref<50000x128xf32, #tpu.memory_space<hbm>> -> memref<50000x128xf32, #tpu.memory_space<hbm>>
      tpu.wait_indirect_dma semaphore(%arg16 : memref<!tpu.dma_semaphore, #tpu.memory_space<semaphore_mem>>) src(%dma_wait3A_1664 : memref<50000x128xf32, #tpu.memory_space<hbm>>) dst(%arg9 : memref<128x128xf32, #tpu.memory_space<vmem>>)
    } else {
    }
    %add3A_1087 = arith.constant 2304 : i32
    %add3A_1088 = arith.addi %mul3A_2, %add3A_1087 : i32
    %le3A_1089 = arith.constant 100000 : i32
    %le3A_1090 = arith.cmpi sle, %add3A_1088, %le3A_1089 : i32
    %convert_element_type3A_1091 = arith.extui %le3A_1090 : i1 to i32
    %cond3A_1092 = arith.constant 0 : i32
    %cond3A_1093 = arith.cmpi ne, %convert_element_type3A_1091, %cond3A_1092 : i32
    scf.if %cond3A_1093 {
      %add3A_1661 = arith.constant 2176 : i32
      %add3A_1662 = arith.addi %mul3A_2, %add3A_1661 : i32
      %dma_start3A = arith.constant 0 : i32
      %dma_start3A_1663 = tpu.memref_slice %arg4[%add3A_1662, %dma_start3A] : memref<100000x128xf32, #tpu.memory_space<hbm>> -> memref<128x128xf32, #tpu.memory_space<hbm>>
      %dma_start3A_1664 = arith.constant 0 : i32
      %dma_start3A_1665 = tpu.memref_slice %arg4[%add3A_1662, %dma_start3A_1664] : memref<100000x128xf32, #tpu.memory_space<hbm>> -> memref<128x128xf32, #tpu.memory_space<hbm>>
      tpu.enqueue_dma source(%arg9 : memref<128x128xf32, #tpu.memory_space<vmem>>) target(%dma_start3A_1665 : memref<128x128xf32, #tpu.memory_space<hbm>>) target_semaphore(%arg23 : memref<!tpu.dma_semaphore, #tpu.memory_space<semaphore_mem>>)
    } else {
    }
    %add3A_1094 = arith.constant 2176 : i32
    %add3A_1095 = arith.addi %mul3A_2, %add3A_1094 : i32
    %lt3A_1096 = arith.constant 100000 : i32
    %lt3A_1097 = arith.cmpi slt, %add3A_1095, %lt3A_1096 : i32
    %add3A_1098 = arith.constant 2304 : i32
    %add3A_1099 = arith.addi %mul3A_2, %add3A_1098 : i32
    %le3A_1100 = arith.constant 100000 : i32
    %le3A_1101 = arith.cmpi sle, %add3A_1099, %le3A_1100 : i32
    %not3A_1102 = arith.constant true
    %not3A_1103 = arith.xori %le3A_1101, %not3A_1102 : i1
    %and3A_1104 = arith.andi %lt3A_1097, %not3A_1103 : i1
    %convert_element_type3A_1105 = arith.extui %and3A_1104 : i1 to i32
    %cond3A_1106 = arith.constant 0 : i32
    %cond3A_1107 = arith.cmpi ne, %convert_element_type3A_1105, %cond3A_1106 : i32
    scf.if %cond3A_1107 {
      %dma_start3A = arith.constant 99872 : i32
      %dma_start3A_1661 = arith.constant 0 : i32
      %dma_start3A_1662 = tpu.memref_slice %arg4[%dma_start3A, %dma_start3A_1661] : memref<100000x128xf32, #tpu.memory_space<hbm>> -> memref<128x128xf32, #tpu.memory_space<hbm>>
      %dma_start3A_1663 = arith.constant 99872 : i32
      %dma_start3A_1664 = arith.constant 0 : i32
      %dma_start3A_1665 = tpu.memref_slice %arg4[%dma_start3A_1663, %dma_start3A_1664] : memref<100000x128xf32, #tpu.memory_space<hbm>> -> memref<128x128xf32, #tpu.memory_space<hbm>>
      tpu.enqueue_dma source(%arg9 : memref<128x128xf32, #tpu.memory_space<vmem>>) target(%dma_start3A_1665 : memref<128x128xf32, #tpu.memory_space<hbm>>) target_semaphore(%arg23 : memref<!tpu.dma_semaphore, #tpu.memory_space<semaphore_mem>>)
    } else {
    }
    %add3A_1108 = arith.constant 2944 : i32
    %add3A_1109 = arith.addi %mul3A_2, %add3A_1108 : i32
    %lt3A_1110 = arith.constant 100000 : i32
    %lt3A_1111 = arith.cmpi slt, %add3A_1109, %lt3A_1110 : i32
    %convert_element_type3A_1112 = arith.extui %lt3A_1111 : i1 to i32
    %cond3A_1113 = arith.constant 0 : i32
    %cond3A_1114 = arith.cmpi ne, %convert_element_type3A_1112, %cond3A_1113 : i32
    scf.if %cond3A_1114 {
      %dma_wait3A = arith.constant 0 : i32
      %dma_wait3A_1661 = arith.constant 0 : i32
      %dma_wait3A_1662 = tpu.memref_slice %arg4[%dma_wait3A, %dma_wait3A_1661] : memref<100000x128xf32, #tpu.memory_space<hbm>> -> memref<128x128xf32, #tpu.memory_space<hbm>>
      %dma_wait3A_1663 = arith.constant 0 : i32
      %dma_wait3A_1664 = arith.constant 0 : i32
      %dma_wait3A_1665 = tpu.memref_slice %arg4[%dma_wait3A_1663, %dma_wait3A_1664] : memref<100000x128xf32, #tpu.memory_space<hbm>> -> memref<128x128xf32, #tpu.memory_space<hbm>>
      tpu.wait_dma2 semaphore(%arg22 : memref<!tpu.dma_semaphore, #tpu.memory_space<semaphore_mem>>) src(%arg8 : memref<128x128xf32, #tpu.memory_space<vmem>>) dst(%dma_wait3A_1665 : memref<128x128xf32, #tpu.memory_space<hbm>>)
    } else {
    }
    %add3A_1115 = arith.constant 3072 : i32
    %add3A_1116 = arith.addi %mul3A_2, %add3A_1115 : i32
    %le3A_1117 = arith.constant 100000 : i32
    %le3A_1118 = arith.cmpi sle, %add3A_1116, %le3A_1117 : i32
    %convert_element_type3A_1119 = arith.extui %le3A_1118 : i1 to i32
    %cond3A_1120 = arith.constant 0 : i32
    %cond3A_1121 = arith.cmpi ne, %convert_element_type3A_1119, %cond3A_1120 : i32
    scf.if %cond3A_1121 {
      %dma_start3A = arith.constant 2944 : i32
      %dma_start3A_1661 = tpu.memref_slice %arg5[%dma_start3A] : memref<3200xi32, #tpu.memory_space<vmem>> -> memref<128xi32, #tpu.memory_space<vmem>>
      %dma_start3A_1662 = arith.constant 0 : i32
      %dma_start3A_1663 = arith.constant 0 : i32
      %dma_start3A_1664 = tpu.memref_slice %arg2[%dma_start3A_1662, %dma_start3A_1663] : memref<50000x128xf32, #tpu.memory_space<hbm>> -> memref<50000x128xf32, #tpu.memory_space<hbm>>
      tpu.enqueue_indirect_dma source(%dma_start3A_1664 : memref<50000x128xf32, #tpu.memory_space<hbm>>) target(%arg8 : memref<128x128xf32, #tpu.memory_space<vmem>>) offsets(%dma_start3A_1661 : memref<128xi32, #tpu.memory_space<vmem>>) semaphore(%arg15 : memref<!tpu.dma_semaphore, #tpu.memory_space<semaphore_mem>>)
    } else {
    }
    %add3A_1122 = arith.constant 2944 : i32
    %add3A_1123 = arith.addi %mul3A_2, %add3A_1122 : i32
    %lt3A_1124 = arith.constant 100000 : i32
    %lt3A_1125 = arith.cmpi slt, %add3A_1123, %lt3A_1124 : i32
    %add3A_1126 = arith.constant 3072 : i32
    %add3A_1127 = arith.addi %mul3A_2, %add3A_1126 : i32
    %le3A_1128 = arith.constant 100000 : i32
    %le3A_1129 = arith.cmpi sle, %add3A_1127, %le3A_1128 : i32
    %not3A_1130 = arith.constant true
    %not3A_1131 = arith.xori %le3A_1129, %not3A_1130 : i1
    %and3A_1132 = arith.andi %lt3A_1125, %not3A_1131 : i1
    %convert_element_type3A_1133 = arith.extui %and3A_1132 : i1 to i32
    %cond3A_1134 = arith.constant 0 : i32
    %cond3A_1135 = arith.cmpi ne, %convert_element_type3A_1133, %cond3A_1134 : i32
    scf.if %cond3A_1135 {
      %sub3A = arith.constant 99872 : i32
      %sub3A_1661 = arith.subi %sub3A, %mul3A_2 : i32
      %dma_start3A = tpu.memref_slice %arg5[%sub3A_1661] : memref<3200xi32, #tpu.memory_space<vmem>> -> memref<128xi32, #tpu.memory_space<vmem>>
      %dma_start3A_1662 = arith.constant 0 : i32
      %dma_start3A_1663 = arith.constant 0 : i32
      %dma_start3A_1664 = tpu.memref_slice %arg2[%dma_start3A_1662, %dma_start3A_1663] : memref<50000x128xf32, #tpu.memory_space<hbm>> -> memref<50000x128xf32, #tpu.memory_space<hbm>>
      tpu.enqueue_indirect_dma source(%dma_start3A_1664 : memref<50000x128xf32, #tpu.memory_space<hbm>>) target(%arg8 : memref<128x128xf32, #tpu.memory_space<vmem>>) offsets(%dma_start3A : memref<128xi32, #tpu.memory_space<vmem>>) semaphore(%arg15 : memref<!tpu.dma_semaphore, #tpu.memory_space<semaphore_mem>>)
    } else {
    }
    %add3A_1136 = arith.constant 2304 : i32
    %add3A_1137 = arith.addi %mul3A_2, %add3A_1136 : i32
    %lt3A_1138 = arith.constant 100000 : i32
    %lt3A_1139 = arith.cmpi slt, %add3A_1137, %lt3A_1138 : i32
    %convert_element_type3A_1140 = arith.extui %lt3A_1139 : i1 to i32
    %cond3A_1141 = arith.constant 0 : i32
    %cond3A_1142 = arith.cmpi ne, %convert_element_type3A_1140, %cond3A_1141 : i32
    scf.if %cond3A_1142 {
      %dma_wait3A = arith.constant 0 : i32
      %dma_wait3A_1661 = tpu.memref_slice %arg5[%dma_wait3A] : memref<3200xi32, #tpu.memory_space<vmem>> -> memref<128xi32, #tpu.memory_space<vmem>>
      %dma_wait3A_1662 = arith.constant 0 : i32
      %dma_wait3A_1663 = arith.constant 0 : i32
      %dma_wait3A_1664 = tpu.memref_slice %arg2[%dma_wait3A_1662, %dma_wait3A_1663] : memref<50000x128xf32, #tpu.memory_space<hbm>> -> memref<50000x128xf32, #tpu.memory_space<hbm>>
      tpu.wait_indirect_dma semaphore(%arg17 : memref<!tpu.dma_semaphore, #tpu.memory_space<semaphore_mem>>) src(%dma_wait3A_1664 : memref<50000x128xf32, #tpu.memory_space<hbm>>) dst(%arg10 : memref<128x128xf32, #tpu.memory_space<vmem>>)
    } else {
    }
    %add3A_1143 = arith.constant 2432 : i32
    %add3A_1144 = arith.addi %mul3A_2, %add3A_1143 : i32
    %le3A_1145 = arith.constant 100000 : i32
    %le3A_1146 = arith.cmpi sle, %add3A_1144, %le3A_1145 : i32
    %convert_element_type3A_1147 = arith.extui %le3A_1146 : i1 to i32
    %cond3A_1148 = arith.constant 0 : i32
    %cond3A_1149 = arith.cmpi ne, %convert_element_type3A_1147, %cond3A_1148 : i32
    scf.if %cond3A_1149 {
      %add3A_1661 = arith.constant 2304 : i32
      %add3A_1662 = arith.addi %mul3A_2, %add3A_1661 : i32
      %dma_start3A = arith.constant 0 : i32
      %dma_start3A_1663 = tpu.memref_slice %arg4[%add3A_1662, %dma_start3A] : memref<100000x128xf32, #tpu.memory_space<hbm>> -> memref<128x128xf32, #tpu.memory_space<hbm>>
      %dma_start3A_1664 = arith.constant 0 : i32
      %dma_start3A_1665 = tpu.memref_slice %arg4[%add3A_1662, %dma_start3A_1664] : memref<100000x128xf32, #tpu.memory_space<hbm>> -> memref<128x128xf32, #tpu.memory_space<hbm>>
      tpu.enqueue_dma source(%arg10 : memref<128x128xf32, #tpu.memory_space<vmem>>) target(%dma_start3A_1665 : memref<128x128xf32, #tpu.memory_space<hbm>>) target_semaphore(%arg24 : memref<!tpu.dma_semaphore, #tpu.memory_space<semaphore_mem>>)
    } else {
    }
    %add3A_1150 = arith.constant 2304 : i32
    %add3A_1151 = arith.addi %mul3A_2, %add3A_1150 : i32
    %lt3A_1152 = arith.constant 100000 : i32
    %lt3A_1153 = arith.cmpi slt, %add3A_1151, %lt3A_1152 : i32
    %add3A_1154 = arith.constant 2432 : i32
    %add3A_1155 = arith.addi %mul3A_2, %add3A_1154 : i32
    %le3A_1156 = arith.constant 100000 : i32
    %le3A_1157 = arith.cmpi sle, %add3A_1155, %le3A_1156 : i32
    %not3A_1158 = arith.constant true
    %not3A_1159 = arith.xori %le3A_1157, %not3A_1158 : i1
    %and3A_1160 = arith.andi %lt3A_1153, %not3A_1159 : i1
    %convert_element_type3A_1161 = arith.extui %and3A_1160 : i1 to i32
    %cond3A_1162 = arith.constant 0 : i32
    %cond3A_1163 = arith.cmpi ne, %convert_element_type3A_1161, %cond3A_1162 : i32
    scf.if %cond3A_1163 {
      %dma_start3A = arith.constant 99872 : i32
      %dma_start3A_1661 = arith.constant 0 : i32
      %dma_start3A_1662 = tpu.memref_slice %arg4[%dma_start3A, %dma_start3A_1661] : memref<100000x128xf32, #tpu.memory_space<hbm>> -> memref<128x128xf32, #tpu.memory_space<hbm>>
      %dma_start3A_1663 = arith.constant 99872 : i32
      %dma_start3A_1664 = arith.constant 0 : i32
      %dma_start3A_1665 = tpu.memref_slice %arg4[%dma_start3A_1663, %dma_start3A_1664] : memref<100000x128xf32, #tpu.memory_space<hbm>> -> memref<128x128xf32, #tpu.memory_space<hbm>>
      tpu.enqueue_dma source(%arg10 : memref<128x128xf32, #tpu.memory_space<vmem>>) target(%dma_start3A_1665 : memref<128x128xf32, #tpu.memory_space<hbm>>) target_semaphore(%arg24 : memref<!tpu.dma_semaphore, #tpu.memory_space<semaphore_mem>>)
    } else {
    }
    %add3A_1164 = arith.constant 3072 : i32
    %add3A_1165 = arith.addi %mul3A_2, %add3A_1164 : i32
    %lt3A_1166 = arith.constant 100000 : i32
    %lt3A_1167 = arith.cmpi slt, %add3A_1165, %lt3A_1166 : i32
    %convert_element_type3A_1168 = arith.extui %lt3A_1167 : i1 to i32
    %cond3A_1169 = arith.constant 0 : i32
    %cond3A_1170 = arith.cmpi ne, %convert_element_type3A_1168, %cond3A_1169 : i32
    scf.if %cond3A_1170 {
      %dma_wait3A = arith.constant 0 : i32
      %dma_wait3A_1661 = arith.constant 0 : i32
      %dma_wait3A_1662 = tpu.memref_slice %arg4[%dma_wait3A, %dma_wait3A_1661] : memref<100000x128xf32, #tpu.memory_space<hbm>> -> memref<128x128xf32, #tpu.memory_space<hbm>>
      %dma_wait3A_1663 = arith.constant 0 : i32
      %dma_wait3A_1664 = arith.constant 0 : i32
      %dma_wait3A_1665 = tpu.memref_slice %arg4[%dma_wait3A_1663, %dma_wait3A_1664] : memref<100000x128xf32, #tpu.memory_space<hbm>> -> memref<128x128xf32, #tpu.memory_space<hbm>>
      tpu.wait_dma2 semaphore(%arg23 : memref<!tpu.dma_semaphore, #tpu.memory_space<semaphore_mem>>) src(%arg9 : memref<128x128xf32, #tpu.memory_space<vmem>>) dst(%dma_wait3A_1665 : memref<128x128xf32, #tpu.memory_space<hbm>>)
    } else {
    }
    %add3A_1171 = arith.constant 3200 : i32
    %add3A_1172 = arith.addi %mul3A_2, %add3A_1171 : i32
    %le3A_1173 = arith.constant 100000 : i32
    %le3A_1174 = arith.cmpi sle, %add3A_1172, %le3A_1173 : i32
    %convert_element_type3A_1175 = arith.extui %le3A_1174 : i1 to i32
    %cond3A_1176 = arith.constant 0 : i32
    %cond3A_1177 = arith.cmpi ne, %convert_element_type3A_1175, %cond3A_1176 : i32
    scf.if %cond3A_1177 {
      %dma_start3A = arith.constant 3072 : i32
      %dma_start3A_1661 = tpu.memref_slice %arg5[%dma_start3A] : memref<3200xi32, #tpu.memory_space<vmem>> -> memref<128xi32, #tpu.memory_space<vmem>>
      %dma_start3A_1662 = arith.constant 0 : i32
      %dma_start3A_1663 = arith.constant 0 : i32
      %dma_start3A_1664 = tpu.memref_slice %arg2[%dma_start3A_1662, %dma_start3A_1663] : memref<50000x128xf32, #tpu.memory_space<hbm>> -> memref<50000x128xf32, #tpu.memory_space<hbm>>
      tpu.enqueue_indirect_dma source(%dma_start3A_1664 : memref<50000x128xf32, #tpu.memory_space<hbm>>) target(%arg9 : memref<128x128xf32, #tpu.memory_space<vmem>>) offsets(%dma_start3A_1661 : memref<128xi32, #tpu.memory_space<vmem>>) semaphore(%arg16 : memref<!tpu.dma_semaphore, #tpu.memory_space<semaphore_mem>>)
    } else {
    }
    %add3A_1178 = arith.constant 3072 : i32
    %add3A_1179 = arith.addi %mul3A_2, %add3A_1178 : i32
    %lt3A_1180 = arith.constant 100000 : i32
    %lt3A_1181 = arith.cmpi slt, %add3A_1179, %lt3A_1180 : i32
    %add3A_1182 = arith.constant 3200 : i32
    %add3A_1183 = arith.addi %mul3A_2, %add3A_1182 : i32
    %le3A_1184 = arith.constant 100000 : i32
    %le3A_1185 = arith.cmpi sle, %add3A_1183, %le3A_1184 : i32
    %not3A_1186 = arith.constant true
    %not3A_1187 = arith.xori %le3A_1185, %not3A_1186 : i1
    %and3A_1188 = arith.andi %lt3A_1181, %not3A_1187 : i1
    %convert_element_type3A_1189 = arith.extui %and3A_1188 : i1 to i32
    %cond3A_1190 = arith.constant 0 : i32
    %cond3A_1191 = arith.cmpi ne, %convert_element_type3A_1189, %cond3A_1190 : i32
    scf.if %cond3A_1191 {
      %sub3A = arith.constant 99872 : i32
      %sub3A_1661 = arith.subi %sub3A, %mul3A_2 : i32
      %dma_start3A = tpu.memref_slice %arg5[%sub3A_1661] : memref<3200xi32, #tpu.memory_space<vmem>> -> memref<128xi32, #tpu.memory_space<vmem>>
      %dma_start3A_1662 = arith.constant 0 : i32
      %dma_start3A_1663 = arith.constant 0 : i32
      %dma_start3A_1664 = tpu.memref_slice %arg2[%dma_start3A_1662, %dma_start3A_1663] : memref<50000x128xf32, #tpu.memory_space<hbm>> -> memref<50000x128xf32, #tpu.memory_space<hbm>>
      tpu.enqueue_indirect_dma source(%dma_start3A_1664 : memref<50000x128xf32, #tpu.memory_space<hbm>>) target(%arg9 : memref<128x128xf32, #tpu.memory_space<vmem>>) offsets(%dma_start3A : memref<128xi32, #tpu.memory_space<vmem>>) semaphore(%arg16 : memref<!tpu.dma_semaphore, #tpu.memory_space<semaphore_mem>>)
    } else {
    }
    %add3A_1192 = arith.constant 2432 : i32
    %add3A_1193 = arith.addi %mul3A_2, %add3A_1192 : i32
    %lt3A_1194 = arith.constant 100000 : i32
    %lt3A_1195 = arith.cmpi slt, %add3A_1193, %lt3A_1194 : i32
    %convert_element_type3A_1196 = arith.extui %lt3A_1195 : i1 to i32
    %cond3A_1197 = arith.constant 0 : i32
    %cond3A_1198 = arith.cmpi ne, %convert_element_type3A_1196, %cond3A_1197 : i32
    scf.if %cond3A_1198 {
      %dma_wait3A = arith.constant 0 : i32
      %dma_wait3A_1661 = tpu.memref_slice %arg5[%dma_wait3A] : memref<3200xi32, #tpu.memory_space<vmem>> -> memref<128xi32, #tpu.memory_space<vmem>>
      %dma_wait3A_1662 = arith.constant 0 : i32
      %dma_wait3A_1663 = arith.constant 0 : i32
      %dma_wait3A_1664 = tpu.memref_slice %arg2[%dma_wait3A_1662, %dma_wait3A_1663] : memref<50000x128xf32, #tpu.memory_space<hbm>> -> memref<50000x128xf32, #tpu.memory_space<hbm>>
      tpu.wait_indirect_dma semaphore(%arg18 : memref<!tpu.dma_semaphore, #tpu.memory_space<semaphore_mem>>) src(%dma_wait3A_1664 : memref<50000x128xf32, #tpu.memory_space<hbm>>) dst(%arg11 : memref<128x128xf32, #tpu.memory_space<vmem>>)
    } else {
    }
    %add3A_1199 = arith.constant 2560 : i32
    %add3A_1200 = arith.addi %mul3A_2, %add3A_1199 : i32
    %le3A_1201 = arith.constant 100000 : i32
    %le3A_1202 = arith.cmpi sle, %add3A_1200, %le3A_1201 : i32
    %convert_element_type3A_1203 = arith.extui %le3A_1202 : i1 to i32
    %cond3A_1204 = arith.constant 0 : i32
    %cond3A_1205 = arith.cmpi ne, %convert_element_type3A_1203, %cond3A_1204 : i32
    scf.if %cond3A_1205 {
      %add3A_1661 = arith.constant 2432 : i32
      %add3A_1662 = arith.addi %mul3A_2, %add3A_1661 : i32
      %dma_start3A = arith.constant 0 : i32
      %dma_start3A_1663 = tpu.memref_slice %arg4[%add3A_1662, %dma_start3A] : memref<100000x128xf32, #tpu.memory_space<hbm>> -> memref<128x128xf32, #tpu.memory_space<hbm>>
      %dma_start3A_1664 = arith.constant 0 : i32
      %dma_start3A_1665 = tpu.memref_slice %arg4[%add3A_1662, %dma_start3A_1664] : memref<100000x128xf32, #tpu.memory_space<hbm>> -> memref<128x128xf32, #tpu.memory_space<hbm>>
      tpu.enqueue_dma source(%arg11 : memref<128x128xf32, #tpu.memory_space<vmem>>) target(%dma_start3A_1665 : memref<128x128xf32, #tpu.memory_space<hbm>>) target_semaphore(%arg25 : memref<!tpu.dma_semaphore, #tpu.memory_space<semaphore_mem>>)
    } else {
    }
    %add3A_1206 = arith.constant 2432 : i32
    %add3A_1207 = arith.addi %mul3A_2, %add3A_1206 : i32
    %lt3A_1208 = arith.constant 100000 : i32
    %lt3A_1209 = arith.cmpi slt, %add3A_1207, %lt3A_1208 : i32
    %add3A_1210 = arith.constant 2560 : i32
    %add3A_1211 = arith.addi %mul3A_2, %add3A_1210 : i32
    %le3A_1212 = arith.constant 100000 : i32
    %le3A_1213 = arith.cmpi sle, %add3A_1211, %le3A_1212 : i32
    %not3A_1214 = arith.constant true
    %not3A_1215 = arith.xori %le3A_1213, %not3A_1214 : i1
    %and3A_1216 = arith.andi %lt3A_1209, %not3A_1215 : i1
    %convert_element_type3A_1217 = arith.extui %and3A_1216 : i1 to i32
    %cond3A_1218 = arith.constant 0 : i32
    %cond3A_1219 = arith.cmpi ne, %convert_element_type3A_1217, %cond3A_1218 : i32
    scf.if %cond3A_1219 {
      %dma_start3A = arith.constant 99872 : i32
      %dma_start3A_1661 = arith.constant 0 : i32
      %dma_start3A_1662 = tpu.memref_slice %arg4[%dma_start3A, %dma_start3A_1661] : memref<100000x128xf32, #tpu.memory_space<hbm>> -> memref<128x128xf32, #tpu.memory_space<hbm>>
      %dma_start3A_1663 = arith.constant 99872 : i32
      %dma_start3A_1664 = arith.constant 0 : i32
      %dma_start3A_1665 = tpu.memref_slice %arg4[%dma_start3A_1663, %dma_start3A_1664] : memref<100000x128xf32, #tpu.memory_space<hbm>> -> memref<128x128xf32, #tpu.memory_space<hbm>>
      tpu.enqueue_dma source(%arg11 : memref<128x128xf32, #tpu.memory_space<vmem>>) target(%dma_start3A_1665 : memref<128x128xf32, #tpu.memory_space<hbm>>) target_semaphore(%arg25 : memref<!tpu.dma_semaphore, #tpu.memory_space<semaphore_mem>>)
    } else {
    }
    %add3A_1220 = arith.constant 2560 : i32
    %add3A_1221 = arith.addi %mul3A_2, %add3A_1220 : i32
    %lt3A_1222 = arith.constant 100000 : i32
    %lt3A_1223 = arith.cmpi slt, %add3A_1221, %lt3A_1222 : i32
    %convert_element_type3A_1224 = arith.extui %lt3A_1223 : i1 to i32
    %cond3A_1225 = arith.constant 0 : i32
    %cond3A_1226 = arith.cmpi ne, %convert_element_type3A_1224, %cond3A_1225 : i32
    scf.if %cond3A_1226 {
      %dma_wait3A = arith.constant 0 : i32
      %dma_wait3A_1661 = tpu.memref_slice %arg5[%dma_wait3A] : memref<3200xi32, #tpu.memory_space<vmem>> -> memref<128xi32, #tpu.memory_space<vmem>>
      %dma_wait3A_1662 = arith.constant 0 : i32
      %dma_wait3A_1663 = arith.constant 0 : i32
      %dma_wait3A_1664 = tpu.memref_slice %arg2[%dma_wait3A_1662, %dma_wait3A_1663] : memref<50000x128xf32, #tpu.memory_space<hbm>> -> memref<50000x128xf32, #tpu.memory_space<hbm>>
      tpu.wait_indirect_dma semaphore(%arg19 : memref<!tpu.dma_semaphore, #tpu.memory_space<semaphore_mem>>) src(%dma_wait3A_1664 : memref<50000x128xf32, #tpu.memory_space<hbm>>) dst(%arg12 : memref<128x128xf32, #tpu.memory_space<vmem>>)
    } else {
    }
    %add3A_1227 = arith.constant 2688 : i32
    %add3A_1228 = arith.addi %mul3A_2, %add3A_1227 : i32
    %le3A_1229 = arith.constant 100000 : i32
    %le3A_1230 = arith.cmpi sle, %add3A_1228, %le3A_1229 : i32
    %convert_element_type3A_1231 = arith.extui %le3A_1230 : i1 to i32
    %cond3A_1232 = arith.constant 0 : i32
    %cond3A_1233 = arith.cmpi ne, %convert_element_type3A_1231, %cond3A_1232 : i32
    scf.if %cond3A_1233 {
      %add3A_1661 = arith.constant 2560 : i32
      %add3A_1662 = arith.addi %mul3A_2, %add3A_1661 : i32
      %dma_start3A = arith.constant 0 : i32
      %dma_start3A_1663 = tpu.memref_slice %arg4[%add3A_1662, %dma_start3A] : memref<100000x128xf32, #tpu.memory_space<hbm>> -> memref<128x128xf32, #tpu.memory_space<hbm>>
      %dma_start3A_1664 = arith.constant 0 : i32
      %dma_start3A_1665 = tpu.memref_slice %arg4[%add3A_1662, %dma_start3A_1664] : memref<100000x128xf32, #tpu.memory_space<hbm>> -> memref<128x128xf32, #tpu.memory_space<hbm>>
      tpu.enqueue_dma source(%arg12 : memref<128x128xf32, #tpu.memory_space<vmem>>) target(%dma_start3A_1665 : memref<128x128xf32, #tpu.memory_space<hbm>>) target_semaphore(%arg26 : memref<!tpu.dma_semaphore, #tpu.memory_space<semaphore_mem>>)
    } else {
    }
    %add3A_1234 = arith.constant 2560 : i32
    %add3A_1235 = arith.addi %mul3A_2, %add3A_1234 : i32
    %lt3A_1236 = arith.constant 100000 : i32
    %lt3A_1237 = arith.cmpi slt, %add3A_1235, %lt3A_1236 : i32
    %add3A_1238 = arith.constant 2688 : i32
    %add3A_1239 = arith.addi %mul3A_2, %add3A_1238 : i32
    %le3A_1240 = arith.constant 100000 : i32
    %le3A_1241 = arith.cmpi sle, %add3A_1239, %le3A_1240 : i32
    %not3A_1242 = arith.constant true
    %not3A_1243 = arith.xori %le3A_1241, %not3A_1242 : i1
    %and3A_1244 = arith.andi %lt3A_1237, %not3A_1243 : i1
    %convert_element_type3A_1245 = arith.extui %and3A_1244 : i1 to i32
    %cond3A_1246 = arith.constant 0 : i32
    %cond3A_1247 = arith.cmpi ne, %convert_element_type3A_1245, %cond3A_1246 : i32
    scf.if %cond3A_1247 {
      %dma_start3A = arith.constant 99872 : i32
      %dma_start3A_1661 = arith.constant 0 : i32
      %dma_start3A_1662 = tpu.memref_slice %arg4[%dma_start3A, %dma_start3A_1661] : memref<100000x128xf32, #tpu.memory_space<hbm>> -> memref<128x128xf32, #tpu.memory_space<hbm>>
      %dma_start3A_1663 = arith.constant 99872 : i32
      %dma_start3A_1664 = arith.constant 0 : i32
      %dma_start3A_1665 = tpu.memref_slice %arg4[%dma_start3A_1663, %dma_start3A_1664] : memref<100000x128xf32, #tpu.memory_space<hbm>> -> memref<128x128xf32, #tpu.memory_space<hbm>>
      tpu.enqueue_dma source(%arg12 : memref<128x128xf32, #tpu.memory_space<vmem>>) target(%dma_start3A_1665 : memref<128x128xf32, #tpu.memory_space<hbm>>) target_semaphore(%arg26 : memref<!tpu.dma_semaphore, #tpu.memory_space<semaphore_mem>>)
    } else {
    }
    %add3A_1248 = arith.constant 2688 : i32
    %add3A_1249 = arith.addi %mul3A_2, %add3A_1248 : i32
    %lt3A_1250 = arith.constant 100000 : i32
    %lt3A_1251 = arith.cmpi slt, %add3A_1249, %lt3A_1250 : i32
    %convert_element_type3A_1252 = arith.extui %lt3A_1251 : i1 to i32
    %cond3A_1253 = arith.constant 0 : i32
    %cond3A_1254 = arith.cmpi ne, %convert_element_type3A_1252, %cond3A_1253 : i32
    scf.if %cond3A_1254 {
      %dma_wait3A = arith.constant 0 : i32
      %dma_wait3A_1661 = tpu.memref_slice %arg5[%dma_wait3A] : memref<3200xi32, #tpu.memory_space<vmem>> -> memref<128xi32, #tpu.memory_space<vmem>>
      %dma_wait3A_1662 = arith.constant 0 : i32
      %dma_wait3A_1663 = arith.constant 0 : i32
      %dma_wait3A_1664 = tpu.memref_slice %arg2[%dma_wait3A_1662, %dma_wait3A_1663] : memref<50000x128xf32, #tpu.memory_space<hbm>> -> memref<50000x128xf32, #tpu.memory_space<hbm>>
      tpu.wait_indirect_dma semaphore(%arg13 : memref<!tpu.dma_semaphore, #tpu.memory_space<semaphore_mem>>) src(%dma_wait3A_1664 : memref<50000x128xf32, #tpu.memory_space<hbm>>) dst(%arg6 : memref<128x128xf32, #tpu.memory_space<vmem>>)
    } else {
    }
    %add3A_1255 = arith.constant 2816 : i32
    %add3A_1256 = arith.addi %mul3A_2, %add3A_1255 : i32
    %le3A_1257 = arith.constant 100000 : i32
    %le3A_1258 = arith.cmpi sle, %add3A_1256, %le3A_1257 : i32
    %convert_element_type3A_1259 = arith.extui %le3A_1258 : i1 to i32
    %cond3A_1260 = arith.constant 0 : i32
    %cond3A_1261 = arith.cmpi ne, %convert_element_type3A_1259, %cond3A_1260 : i32
    scf.if %cond3A_1261 {
      %add3A_1661 = arith.constant 2688 : i32
      %add3A_1662 = arith.addi %mul3A_2, %add3A_1661 : i32
      %dma_start3A = arith.constant 0 : i32
      %dma_start3A_1663 = tpu.memref_slice %arg4[%add3A_1662, %dma_start3A] : memref<100000x128xf32, #tpu.memory_space<hbm>> -> memref<128x128xf32, #tpu.memory_space<hbm>>
      %dma_start3A_1664 = arith.constant 0 : i32
      %dma_start3A_1665 = tpu.memref_slice %arg4[%add3A_1662, %dma_start3A_1664] : memref<100000x128xf32, #tpu.memory_space<hbm>> -> memref<128x128xf32, #tpu.memory_space<hbm>>
      tpu.enqueue_dma source(%arg6 : memref<128x128xf32, #tpu.memory_space<vmem>>) target(%dma_start3A_1665 : memref<128x128xf32, #tpu.memory_space<hbm>>) target_semaphore(%arg20 : memref<!tpu.dma_semaphore, #tpu.memory_space<semaphore_mem>>)
    } else {
    }
    %add3A_1262 = arith.constant 2688 : i32
    %add3A_1263 = arith.addi %mul3A_2, %add3A_1262 : i32
    %lt3A_1264 = arith.constant 100000 : i32
    %lt3A_1265 = arith.cmpi slt, %add3A_1263, %lt3A_1264 : i32
    %add3A_1266 = arith.constant 2816 : i32
    %add3A_1267 = arith.addi %mul3A_2, %add3A_1266 : i32
    %le3A_1268 = arith.constant 100000 : i32
    %le3A_1269 = arith.cmpi sle, %add3A_1267, %le3A_1268 : i32
    %not3A_1270 = arith.constant true
    %not3A_1271 = arith.xori %le3A_1269, %not3A_1270 : i1
    %and3A_1272 = arith.andi %lt3A_1265, %not3A_1271 : i1
    %convert_element_type3A_1273 = arith.extui %and3A_1272 : i1 to i32
    %cond3A_1274 = arith.constant 0 : i32
    %cond3A_1275 = arith.cmpi ne, %convert_element_type3A_1273, %cond3A_1274 : i32
    scf.if %cond3A_1275 {
      %dma_start3A = arith.constant 99872 : i32
      %dma_start3A_1661 = arith.constant 0 : i32
      %dma_start3A_1662 = tpu.memref_slice %arg4[%dma_start3A, %dma_start3A_1661] : memref<100000x128xf32, #tpu.memory_space<hbm>> -> memref<128x128xf32, #tpu.memory_space<hbm>>
      %dma_start3A_1663 = arith.constant 99872 : i32
      %dma_start3A_1664 = arith.constant 0 : i32
      %dma_start3A_1665 = tpu.memref_slice %arg4[%dma_start3A_1663, %dma_start3A_1664] : memref<100000x128xf32, #tpu.memory_space<hbm>> -> memref<128x128xf32, #tpu.memory_space<hbm>>
      tpu.enqueue_dma source(%arg6 : memref<128x128xf32, #tpu.memory_space<vmem>>) target(%dma_start3A_1665 : memref<128x128xf32, #tpu.memory_space<hbm>>) target_semaphore(%arg20 : memref<!tpu.dma_semaphore, #tpu.memory_space<semaphore_mem>>)
    } else {
    }
    %add3A_1276 = arith.constant 2816 : i32
    %add3A_1277 = arith.addi %mul3A_2, %add3A_1276 : i32
    %lt3A_1278 = arith.constant 100000 : i32
    %lt3A_1279 = arith.cmpi slt, %add3A_1277, %lt3A_1278 : i32
    %convert_element_type3A_1280 = arith.extui %lt3A_1279 : i1 to i32
    %cond3A_1281 = arith.constant 0 : i32
    %cond3A_1282 = arith.cmpi ne, %convert_element_type3A_1280, %cond3A_1281 : i32
    scf.if %cond3A_1282 {
      %dma_wait3A = arith.constant 0 : i32
      %dma_wait3A_1661 = tpu.memref_slice %arg5[%dma_wait3A] : memref<3200xi32, #tpu.memory_space<vmem>> -> memref<128xi32, #tpu.memory_space<vmem>>
      %dma_wait3A_1662 = arith.constant 0 : i32
      %dma_wait3A_1663 = arith.constant 0 : i32
      %dma_wait3A_1664 = tpu.memref_slice %arg2[%dma_wait3A_1662, %dma_wait3A_1663] : memref<50000x128xf32, #tpu.memory_space<hbm>> -> memref<50000x128xf32, #tpu.memory_space<hbm>>
      tpu.wait_indirect_dma semaphore(%arg14 : memref<!tpu.dma_semaphore, #tpu.memory_space<semaphore_mem>>) src(%dma_wait3A_1664 : memref<50000x128xf32, #tpu.memory_space<hbm>>) dst(%arg7 : memref<128x128xf32, #tpu.memory_space<vmem>>)
    } else {
    }
    %add3A_1283 = arith.constant 2944 : i32
    %add3A_1284 = arith.addi %mul3A_2, %add3A_1283 : i32
    %le3A_1285 = arith.constant 100000 : i32
    %le3A_1286 = arith.cmpi sle, %add3A_1284, %le3A_1285 : i32
    %convert_element_type3A_1287 = arith.extui %le3A_1286 : i1 to i32
    %cond3A_1288 = arith.constant 0 : i32
    %cond3A_1289 = arith.cmpi ne, %convert_element_type3A_1287, %cond3A_1288 : i32
    scf.if %cond3A_1289 {
      %add3A_1661 = arith.constant 2816 : i32
      %add3A_1662 = arith.addi %mul3A_2, %add3A_1661 : i32
      %dma_start3A = arith.constant 0 : i32
      %dma_start3A_1663 = tpu.memref_slice %arg4[%add3A_1662, %dma_start3A] : memref<100000x128xf32, #tpu.memory_space<hbm>> -> memref<128x128xf32, #tpu.memory_space<hbm>>
      %dma_start3A_1664 = arith.constant 0 : i32
      %dma_start3A_1665 = tpu.memref_slice %arg4[%add3A_1662, %dma_start3A_1664] : memref<100000x128xf32, #tpu.memory_space<hbm>> -> memref<128x128xf32, #tpu.memory_space<hbm>>
      tpu.enqueue_dma source(%arg7 : memref<128x128xf32, #tpu.memory_space<vmem>>) target(%dma_start3A_1665 : memref<128x128xf32, #tpu.memory_space<hbm>>) target_semaphore(%arg21 : memref<!tpu.dma_semaphore, #tpu.memory_space<semaphore_mem>>)
    } else {
    }
    %add3A_1290 = arith.constant 2816 : i32
    %add3A_1291 = arith.addi %mul3A_2, %add3A_1290 : i32
    %lt3A_1292 = arith.constant 100000 : i32
    %lt3A_1293 = arith.cmpi slt, %add3A_1291, %lt3A_1292 : i32
    %add3A_1294 = arith.constant 2944 : i32
    %add3A_1295 = arith.addi %mul3A_2, %add3A_1294 : i32
    %le3A_1296 = arith.constant 100000 : i32
    %le3A_1297 = arith.cmpi sle, %add3A_1295, %le3A_1296 : i32
    %not3A_1298 = arith.constant true
    %not3A_1299 = arith.xori %le3A_1297, %not3A_1298 : i1
    %and3A_1300 = arith.andi %lt3A_1293, %not3A_1299 : i1
    %convert_element_type3A_1301 = arith.extui %and3A_1300 : i1 to i32
    %cond3A_1302 = arith.constant 0 : i32
    %cond3A_1303 = arith.cmpi ne, %convert_element_type3A_1301, %cond3A_1302 : i32
    scf.if %cond3A_1303 {
      %dma_start3A = arith.constant 99872 : i32
      %dma_start3A_1661 = arith.constant 0 : i32
      %dma_start3A_1662 = tpu.memref_slice %arg4[%dma_start3A, %dma_start3A_1661] : memref<100000x128xf32, #tpu.memory_space<hbm>> -> memref<128x128xf32, #tpu.memory_space<hbm>>
      %dma_start3A_1663 = arith.constant 99872 : i32
      %dma_start3A_1664 = arith.constant 0 : i32
      %dma_start3A_1665 = tpu.memref_slice %arg4[%dma_start3A_1663, %dma_start3A_1664] : memref<100000x128xf32, #tpu.memory_space<hbm>> -> memref<128x128xf32, #tpu.memory_space<hbm>>
      tpu.enqueue_dma source(%arg7 : memref<128x128xf32, #tpu.memory_space<vmem>>) target(%dma_start3A_1665 : memref<128x128xf32, #tpu.memory_space<hbm>>) target_semaphore(%arg21 : memref<!tpu.dma_semaphore, #tpu.memory_space<semaphore_mem>>)
    } else {
    }
    %add3A_1304 = arith.constant 2944 : i32
    %add3A_1305 = arith.addi %mul3A_2, %add3A_1304 : i32
    %lt3A_1306 = arith.constant 100000 : i32
    %lt3A_1307 = arith.cmpi slt, %add3A_1305, %lt3A_1306 : i32
    %convert_element_type3A_1308 = arith.extui %lt3A_1307 : i1 to i32
    %cond3A_1309 = arith.constant 0 : i32
    %cond3A_1310 = arith.cmpi ne, %convert_element_type3A_1308, %cond3A_1309 : i32
    scf.if %cond3A_1310 {
      %dma_wait3A = arith.constant 0 : i32
      %dma_wait3A_1661 = tpu.memref_slice %arg5[%dma_wait3A] : memref<3200xi32, #tpu.memory_space<vmem>> -> memref<128xi32, #tpu.memory_space<vmem>>
      %dma_wait3A_1662 = arith.constant 0 : i32
      %dma_wait3A_1663 = arith.constant 0 : i32
      %dma_wait3A_1664 = tpu.memref_slice %arg2[%dma_wait3A_1662, %dma_wait3A_1663] : memref<50000x128xf32, #tpu.memory_space<hbm>> -> memref<50000x128xf32, #tpu.memory_space<hbm>>
      tpu.wait_indirect_dma semaphore(%arg15 : memref<!tpu.dma_semaphore, #tpu.memory_space<semaphore_mem>>) src(%dma_wait3A_1664 : memref<50000x128xf32, #tpu.memory_space<hbm>>) dst(%arg8 : memref<128x128xf32, #tpu.memory_space<vmem>>)
    } else {
    }
    %add3A_1311 = arith.constant 3072 : i32
    %add3A_1312 = arith.addi %mul3A_2, %add3A_1311 : i32
    %le3A_1313 = arith.constant 100000 : i32
    %le3A_1314 = arith.cmpi sle, %add3A_1312, %le3A_1313 : i32
    %convert_element_type3A_1315 = arith.extui %le3A_1314 : i1 to i32
    %cond3A_1316 = arith.constant 0 : i32
    %cond3A_1317 = arith.cmpi ne, %convert_element_type3A_1315, %cond3A_1316 : i32
    scf.if %cond3A_1317 {
      %add3A_1661 = arith.constant 2944 : i32
      %add3A_1662 = arith.addi %mul3A_2, %add3A_1661 : i32
      %dma_start3A = arith.constant 0 : i32
      %dma_start3A_1663 = tpu.memref_slice %arg4[%add3A_1662, %dma_start3A] : memref<100000x128xf32, #tpu.memory_space<hbm>> -> memref<128x128xf32, #tpu.memory_space<hbm>>
      %dma_start3A_1664 = arith.constant 0 : i32
      %dma_start3A_1665 = tpu.memref_slice %arg4[%add3A_1662, %dma_start3A_1664] : memref<100000x128xf32, #tpu.memory_space<hbm>> -> memref<128x128xf32, #tpu.memory_space<hbm>>
      tpu.enqueue_dma source(%arg8 : memref<128x128xf32, #tpu.memory_space<vmem>>) target(%dma_start3A_1665 : memref<128x128xf32, #tpu.memory_space<hbm>>) target_semaphore(%arg22 : memref<!tpu.dma_semaphore, #tpu.memory_space<semaphore_mem>>)
    } else {
    }
    %add3A_1318 = arith.constant 2944 : i32
    %add3A_1319 = arith.addi %mul3A_2, %add3A_1318 : i32
    %lt3A_1320 = arith.constant 100000 : i32
    %lt3A_1321 = arith.cmpi slt, %add3A_1319, %lt3A_1320 : i32
    %add3A_1322 = arith.constant 3072 : i32
    %add3A_1323 = arith.addi %mul3A_2, %add3A_1322 : i32
    %le3A_1324 = arith.constant 100000 : i32
    %le3A_1325 = arith.cmpi sle, %add3A_1323, %le3A_1324 : i32
    %not3A_1326 = arith.constant true
    %not3A_1327 = arith.xori %le3A_1325, %not3A_1326 : i1
    %and3A_1328 = arith.andi %lt3A_1321, %not3A_1327 : i1
    %convert_element_type3A_1329 = arith.extui %and3A_1328 : i1 to i32
    %cond3A_1330 = arith.constant 0 : i32
    %cond3A_1331 = arith.cmpi ne, %convert_element_type3A_1329, %cond3A_1330 : i32
    scf.if %cond3A_1331 {
      %dma_start3A = arith.constant 99872 : i32
      %dma_start3A_1661 = arith.constant 0 : i32
      %dma_start3A_1662 = tpu.memref_slice %arg4[%dma_start3A, %dma_start3A_1661] : memref<100000x128xf32, #tpu.memory_space<hbm>> -> memref<128x128xf32, #tpu.memory_space<hbm>>
      %dma_start3A_1663 = arith.constant 99872 : i32
      %dma_start3A_1664 = arith.constant 0 : i32
      %dma_start3A_1665 = tpu.memref_slice %arg4[%dma_start3A_1663, %dma_start3A_1664] : memref<100000x128xf32, #tpu.memory_space<hbm>> -> memref<128x128xf32, #tpu.memory_space<hbm>>
      tpu.enqueue_dma source(%arg8 : memref<128x128xf32, #tpu.memory_space<vmem>>) target(%dma_start3A_1665 : memref<128x128xf32, #tpu.memory_space<hbm>>) target_semaphore(%arg22 : memref<!tpu.dma_semaphore, #tpu.memory_space<semaphore_mem>>)
    } else {
    }
    %add3A_1332 = arith.constant 3072 : i32
    %add3A_1333 = arith.addi %mul3A_2, %add3A_1332 : i32
    %lt3A_1334 = arith.constant 100000 : i32
    %lt3A_1335 = arith.cmpi slt, %add3A_1333, %lt3A_1334 : i32
    %convert_element_type3A_1336 = arith.extui %lt3A_1335 : i1 to i32
    %cond3A_1337 = arith.constant 0 : i32
    %cond3A_1338 = arith.cmpi ne, %convert_element_type3A_1336, %cond3A_1337 : i32
    scf.if %cond3A_1338 {
      %dma_wait3A = arith.constant 0 : i32
      %dma_wait3A_1661 = tpu.memref_slice %arg5[%dma_wait3A] : memref<3200xi32, #tpu.memory_space<vmem>> -> memref<128xi32, #tpu.memory_space<vmem>>
      %dma_wait3A_1662 = arith.constant 0 : i32
      %dma_wait3A_1663 = arith.constant 0 : i32
      %dma_wait3A_1664 = tpu.memref_slice %arg2[%dma_wait3A_1662, %dma_wait3A_1663] : memref<50000x128xf32, #tpu.memory_space<hbm>> -> memref<50000x128xf32, #tpu.memory_space<hbm>>
      tpu.wait_indirect_dma semaphore(%arg16 : memref<!tpu.dma_semaphore, #tpu.memory_space<semaphore_mem>>) src(%dma_wait3A_1664 : memref<50000x128xf32, #tpu.memory_space<hbm>>) dst(%arg9 : memref<128x128xf32, #tpu.memory_space<vmem>>)
    } else {
    }
    %add3A_1339 = arith.constant 3200 : i32
    %add3A_1340 = arith.addi %mul3A_2, %add3A_1339 : i32
    %le3A_1341 = arith.constant 100000 : i32
    %le3A_1342 = arith.cmpi sle, %add3A_1340, %le3A_1341 : i32
    %convert_element_type3A_1343 = arith.extui %le3A_1342 : i1 to i32
    %cond3A_1344 = arith.constant 0 : i32
    %cond3A_1345 = arith.cmpi ne, %convert_element_type3A_1343, %cond3A_1344 : i32
    scf.if %cond3A_1345 {
      %add3A_1661 = arith.constant 3072 : i32
      %add3A_1662 = arith.addi %mul3A_2, %add3A_1661 : i32
      %dma_start3A = arith.constant 0 : i32
      %dma_start3A_1663 = tpu.memref_slice %arg4[%add3A_1662, %dma_start3A] : memref<100000x128xf32, #tpu.memory_space<hbm>> -> memref<128x128xf32, #tpu.memory_space<hbm>>
      %dma_start3A_1664 = arith.constant 0 : i32
      %dma_start3A_1665 = tpu.memref_slice %arg4[%add3A_1662, %dma_start3A_1664] : memref<100000x128xf32, #tpu.memory_space<hbm>> -> memref<128x128xf32, #tpu.memory_space<hbm>>
      tpu.enqueue_dma source(%arg9 : memref<128x128xf32, #tpu.memory_space<vmem>>) target(%dma_start3A_1665 : memref<128x128xf32, #tpu.memory_space<hbm>>) target_semaphore(%arg23 : memref<!tpu.dma_semaphore, #tpu.memory_space<semaphore_mem>>)
    } else {
    }
    %add3A_1346 = arith.constant 3072 : i32
    %add3A_1347 = arith.addi %mul3A_2, %add3A_1346 : i32
    %lt3A_1348 = arith.constant 100000 : i32
    %lt3A_1349 = arith.cmpi slt, %add3A_1347, %lt3A_1348 : i32
    %add3A_1350 = arith.constant 3200 : i32
    %add3A_1351 = arith.addi %mul3A_2, %add3A_1350 : i32
    %le3A_1352 = arith.constant 100000 : i32
    %le3A_1353 = arith.cmpi sle, %add3A_1351, %le3A_1352 : i32
    %not3A_1354 = arith.constant true
    %not3A_1355 = arith.xori %le3A_1353, %not3A_1354 : i1
    %and3A_1356 = arith.andi %lt3A_1349, %not3A_1355 : i1
    %convert_element_type3A_1357 = arith.extui %and3A_1356 : i1 to i32
    %cond3A_1358 = arith.constant 0 : i32
    %cond3A_1359 = arith.cmpi ne, %convert_element_type3A_1357, %cond3A_1358 : i32
    scf.if %cond3A_1359 {
      %dma_start3A = arith.constant 99872 : i32
      %dma_start3A_1661 = arith.constant 0 : i32
      %dma_start3A_1662 = tpu.memref_slice %arg4[%dma_start3A, %dma_start3A_1661] : memref<100000x128xf32, #tpu.memory_space<hbm>> -> memref<128x128xf32, #tpu.memory_space<hbm>>
      %dma_start3A_1663 = arith.constant 99872 : i32
      %dma_start3A_1664 = arith.constant 0 : i32
      %dma_start3A_1665 = tpu.memref_slice %arg4[%dma_start3A_1663, %dma_start3A_1664] : memref<100000x128xf32, #tpu.memory_space<hbm>> -> memref<128x128xf32, #tpu.memory_space<hbm>>
      tpu.enqueue_dma source(%arg9 : memref<128x128xf32, #tpu.memory_space<vmem>>) target(%dma_start3A_1665 : memref<128x128xf32, #tpu.memory_space<hbm>>) target_semaphore(%arg23 : memref<!tpu.dma_semaphore, #tpu.memory_space<semaphore_mem>>)
    } else {
    }
    %add3A_1360 = arith.constant 0 : i32
    %add3A_1361 = arith.addi %mul3A_2, %add3A_1360 : i32
    %lt3A_1362 = arith.constant 100000 : i32
    %lt3A_1363 = arith.cmpi slt, %add3A_1361, %lt3A_1362 : i32
    %add3A_1364 = arith.constant 896 : i32
    %add3A_1365 = arith.addi %mul3A_2, %add3A_1364 : i32
    %lt3A_1366 = arith.constant 100000 : i32
    %lt3A_1367 = arith.cmpi slt, %add3A_1365, %lt3A_1366 : i32
    %not3A_1368 = arith.constant true
    %not3A_1369 = arith.xori %lt3A_1367, %not3A_1368 : i1
    %and3A_1370 = arith.andi %lt3A_1363, %not3A_1369 : i1
    %convert_element_type3A_1371 = arith.extui %and3A_1370 : i1 to i32
    %cond3A_1372 = arith.constant 0 : i32
    %cond3A_1373 = arith.cmpi ne, %convert_element_type3A_1371, %cond3A_1372 : i32
    scf.if %cond3A_1373 {
      %dma_wait3A = arith.constant 0 : i32
      %dma_wait3A_1661 = arith.constant 0 : i32
      %dma_wait3A_1662 = tpu.memref_slice %arg4[%dma_wait3A, %dma_wait3A_1661] : memref<100000x128xf32, #tpu.memory_space<hbm>> -> memref<128x128xf32, #tpu.memory_space<hbm>>
      %dma_wait3A_1663 = arith.constant 0 : i32
      %dma_wait3A_1664 = arith.constant 0 : i32
      %dma_wait3A_1665 = tpu.memref_slice %arg4[%dma_wait3A_1663, %dma_wait3A_1664] : memref<100000x128xf32, #tpu.memory_space<hbm>> -> memref<128x128xf32, #tpu.memory_space<hbm>>
      tpu.wait_dma2 semaphore(%arg20 : memref<!tpu.dma_semaphore, #tpu.memory_space<semaphore_mem>>) src(%arg6 : memref<128x128xf32, #tpu.memory_space<vmem>>) dst(%dma_wait3A_1665 : memref<128x128xf32, #tpu.memory_space<hbm>>)
    } else {
    }
    %add3A_1374 = arith.constant 128 : i32
    %add3A_1375 = arith.addi %mul3A_2, %add3A_1374 : i32
    %lt3A_1376 = arith.constant 100000 : i32
    %lt3A_1377 = arith.cmpi slt, %add3A_1375, %lt3A_1376 : i32
    %add3A_1378 = arith.constant 1024 : i32
    %add3A_1379 = arith.addi %mul3A_2, %add3A_1378 : i32
    %lt3A_1380 = arith.constant 100000 : i32
    %lt3A_1381 = arith.cmpi slt, %add3A_1379, %lt3A_1380 : i32
    %not3A_1382 = arith.constant true
    %not3A_1383 = arith.xori %lt3A_1381, %not3A_1382 : i1
    %and3A_1384 = arith.andi %lt3A_1377, %not3A_1383 : i1
    %convert_element_type3A_1385 = arith.extui %and3A_1384 : i1 to i32
    %cond3A_1386 = arith.constant 0 : i32
    %cond3A_1387 = arith.cmpi ne, %convert_element_type3A_1385, %cond3A_1386 : i32
    scf.if %cond3A_1387 {
      %dma_wait3A = arith.constant 0 : i32
      %dma_wait3A_1661 = arith.constant 0 : i32
      %dma_wait3A_1662 = tpu.memref_slice %arg4[%dma_wait3A, %dma_wait3A_1661] : memref<100000x128xf32, #tpu.memory_space<hbm>> -> memref<128x128xf32, #tpu.memory_space<hbm>>
      %dma_wait3A_1663 = arith.constant 0 : i32
      %dma_wait3A_1664 = arith.constant 0 : i32
      %dma_wait3A_1665 = tpu.memref_slice %arg4[%dma_wait3A_1663, %dma_wait3A_1664] : memref<100000x128xf32, #tpu.memory_space<hbm>> -> memref<128x128xf32, #tpu.memory_space<hbm>>
      tpu.wait_dma2 semaphore(%arg21 : memref<!tpu.dma_semaphore, #tpu.memory_space<semaphore_mem>>) src(%arg7 : memref<128x128xf32, #tpu.memory_space<vmem>>) dst(%dma_wait3A_1665 : memref<128x128xf32, #tpu.memory_space<hbm>>)
    } else {
    }
    %add3A_1388 = arith.constant 256 : i32
    %add3A_1389 = arith.addi %mul3A_2, %add3A_1388 : i32
    %lt3A_1390 = arith.constant 100000 : i32
    %lt3A_1391 = arith.cmpi slt, %add3A_1389, %lt3A_1390 : i32
    %add3A_1392 = arith.constant 1152 : i32
    %add3A_1393 = arith.addi %mul3A_2, %add3A_1392 : i32
    %lt3A_1394 = arith.constant 100000 : i32
    %lt3A_1395 = arith.cmpi slt, %add3A_1393, %lt3A_1394 : i32
    %not3A_1396 = arith.constant true
    %not3A_1397 = arith.xori %lt3A_1395, %not3A_1396 : i1
    %and3A_1398 = arith.andi %lt3A_1391, %not3A_1397 : i1
    %convert_element_type3A_1399 = arith.extui %and3A_1398 : i1 to i32
    %cond3A_1400 = arith.constant 0 : i32
    %cond3A_1401 = arith.cmpi ne, %convert_element_type3A_1399, %cond3A_1400 : i32
    scf.if %cond3A_1401 {
      %dma_wait3A = arith.constant 0 : i32
      %dma_wait3A_1661 = arith.constant 0 : i32
      %dma_wait3A_1662 = tpu.memref_slice %arg4[%dma_wait3A, %dma_wait3A_1661] : memref<100000x128xf32, #tpu.memory_space<hbm>> -> memref<128x128xf32, #tpu.memory_space<hbm>>
      %dma_wait3A_1663 = arith.constant 0 : i32
      %dma_wait3A_1664 = arith.constant 0 : i32
      %dma_wait3A_1665 = tpu.memref_slice %arg4[%dma_wait3A_1663, %dma_wait3A_1664] : memref<100000x128xf32, #tpu.memory_space<hbm>> -> memref<128x128xf32, #tpu.memory_space<hbm>>
      tpu.wait_dma2 semaphore(%arg22 : memref<!tpu.dma_semaphore, #tpu.memory_space<semaphore_mem>>) src(%arg8 : memref<128x128xf32, #tpu.memory_space<vmem>>) dst(%dma_wait3A_1665 : memref<128x128xf32, #tpu.memory_space<hbm>>)
    } else {
    }
    %add3A_1402 = arith.constant 384 : i32
    %add3A_1403 = arith.addi %mul3A_2, %add3A_1402 : i32
    %lt3A_1404 = arith.constant 100000 : i32
    %lt3A_1405 = arith.cmpi slt, %add3A_1403, %lt3A_1404 : i32
    %add3A_1406 = arith.constant 1280 : i32
    %add3A_1407 = arith.addi %mul3A_2, %add3A_1406 : i32
    %lt3A_1408 = arith.constant 100000 : i32
    %lt3A_1409 = arith.cmpi slt, %add3A_1407, %lt3A_1408 : i32
    %not3A_1410 = arith.constant true
    %not3A_1411 = arith.xori %lt3A_1409, %not3A_1410 : i1
    %and3A_1412 = arith.andi %lt3A_1405, %not3A_1411 : i1
    %convert_element_type3A_1413 = arith.extui %and3A_1412 : i1 to i32
    %cond3A_1414 = arith.constant 0 : i32
    %cond3A_1415 = arith.cmpi ne, %convert_element_type3A_1413, %cond3A_1414 : i32
    scf.if %cond3A_1415 {
      %dma_wait3A = arith.constant 0 : i32
      %dma_wait3A_1661 = arith.constant 0 : i32
      %dma_wait3A_1662 = tpu.memref_slice %arg4[%dma_wait3A, %dma_wait3A_1661] : memref<100000x128xf32, #tpu.memory_space<hbm>> -> memref<128x128xf32, #tpu.memory_space<hbm>>
      %dma_wait3A_1663 = arith.constant 0 : i32
      %dma_wait3A_1664 = arith.constant 0 : i32
      %dma_wait3A_1665 = tpu.memref_slice %arg4[%dma_wait3A_1663, %dma_wait3A_1664] : memref<100000x128xf32, #tpu.memory_space<hbm>> -> memref<128x128xf32, #tpu.memory_space<hbm>>
      tpu.wait_dma2 semaphore(%arg23 : memref<!tpu.dma_semaphore, #tpu.memory_space<semaphore_mem>>) src(%arg9 : memref<128x128xf32, #tpu.memory_space<vmem>>) dst(%dma_wait3A_1665 : memref<128x128xf32, #tpu.memory_space<hbm>>)
    } else {
    }
    %add3A_1416 = arith.constant 512 : i32
    %add3A_1417 = arith.addi %mul3A_2, %add3A_1416 : i32
    %lt3A_1418 = arith.constant 100000 : i32
    %lt3A_1419 = arith.cmpi slt, %add3A_1417, %lt3A_1418 : i32
    %add3A_1420 = arith.constant 1408 : i32
    %add3A_1421 = arith.addi %mul3A_2, %add3A_1420 : i32
    %lt3A_1422 = arith.constant 100000 : i32
    %lt3A_1423 = arith.cmpi slt, %add3A_1421, %lt3A_1422 : i32
    %not3A_1424 = arith.constant true
    %not3A_1425 = arith.xori %lt3A_1423, %not3A_1424 : i1
    %and3A_1426 = arith.andi %lt3A_1419, %not3A_1425 : i1
    %convert_element_type3A_1427 = arith.extui %and3A_1426 : i1 to i32
    %cond3A_1428 = arith.constant 0 : i32
    %cond3A_1429 = arith.cmpi ne, %convert_element_type3A_1427, %cond3A_1428 : i32
    scf.if %cond3A_1429 {
      %dma_wait3A = arith.constant 0 : i32
      %dma_wait3A_1661 = arith.constant 0 : i32
      %dma_wait3A_1662 = tpu.memref_slice %arg4[%dma_wait3A, %dma_wait3A_1661] : memref<100000x128xf32, #tpu.memory_space<hbm>> -> memref<128x128xf32, #tpu.memory_space<hbm>>
      %dma_wait3A_1663 = arith.constant 0 : i32
      %dma_wait3A_1664 = arith.constant 0 : i32
      %dma_wait3A_1665 = tpu.memref_slice %arg4[%dma_wait3A_1663, %dma_wait3A_1664] : memref<100000x128xf32, #tpu.memory_space<hbm>> -> memref<128x128xf32, #tpu.memory_space<hbm>>
      tpu.wait_dma2 semaphore(%arg24 : memref<!tpu.dma_semaphore, #tpu.memory_space<semaphore_mem>>) src(%arg10 : memref<128x128xf32, #tpu.memory_space<vmem>>) dst(%dma_wait3A_1665 : memref<128x128xf32, #tpu.memory_space<hbm>>)
    } else {
    }
    %add3A_1430 = arith.constant 640 : i32
    %add3A_1431 = arith.addi %mul3A_2, %add3A_1430 : i32
    %lt3A_1432 = arith.constant 100000 : i32
    %lt3A_1433 = arith.cmpi slt, %add3A_1431, %lt3A_1432 : i32
    %add3A_1434 = arith.constant 1536 : i32
    %add3A_1435 = arith.addi %mul3A_2, %add3A_1434 : i32
    %lt3A_1436 = arith.constant 100000 : i32
    %lt3A_1437 = arith.cmpi slt, %add3A_1435, %lt3A_1436 : i32
    %not3A_1438 = arith.constant true
    %not3A_1439 = arith.xori %lt3A_1437, %not3A_1438 : i1
    %and3A_1440 = arith.andi %lt3A_1433, %not3A_1439 : i1
    %convert_element_type3A_1441 = arith.extui %and3A_1440 : i1 to i32
    %cond3A_1442 = arith.constant 0 : i32
    %cond3A_1443 = arith.cmpi ne, %convert_element_type3A_1441, %cond3A_1442 : i32
    scf.if %cond3A_1443 {
      %dma_wait3A = arith.constant 0 : i32
      %dma_wait3A_1661 = arith.constant 0 : i32
      %dma_wait3A_1662 = tpu.memref_slice %arg4[%dma_wait3A, %dma_wait3A_1661] : memref<100000x128xf32, #tpu.memory_space<hbm>> -> memref<128x128xf32, #tpu.memory_space<hbm>>
      %dma_wait3A_1663 = arith.constant 0 : i32
      %dma_wait3A_1664 = arith.constant 0 : i32
      %dma_wait3A_1665 = tpu.memref_slice %arg4[%dma_wait3A_1663, %dma_wait3A_1664] : memref<100000x128xf32, #tpu.memory_space<hbm>> -> memref<128x128xf32, #tpu.memory_space<hbm>>
      tpu.wait_dma2 semaphore(%arg25 : memref<!tpu.dma_semaphore, #tpu.memory_space<semaphore_mem>>) src(%arg11 : memref<128x128xf32, #tpu.memory_space<vmem>>) dst(%dma_wait3A_1665 : memref<128x128xf32, #tpu.memory_space<hbm>>)
    } else {
    }
    %add3A_1444 = arith.constant 768 : i32
    %add3A_1445 = arith.addi %mul3A_2, %add3A_1444 : i32
    %lt3A_1446 = arith.constant 100000 : i32
    %lt3A_1447 = arith.cmpi slt, %add3A_1445, %lt3A_1446 : i32
    %add3A_1448 = arith.constant 1664 : i32
    %add3A_1449 = arith.addi %mul3A_2, %add3A_1448 : i32
    %lt3A_1450 = arith.constant 100000 : i32
    %lt3A_1451 = arith.cmpi slt, %add3A_1449, %lt3A_1450 : i32
    %not3A_1452 = arith.constant true
    %not3A_1453 = arith.xori %lt3A_1451, %not3A_1452 : i1
    %and3A_1454 = arith.andi %lt3A_1447, %not3A_1453 : i1
    %convert_element_type3A_1455 = arith.extui %and3A_1454 : i1 to i32
    %cond3A_1456 = arith.constant 0 : i32
    %cond3A_1457 = arith.cmpi ne, %convert_element_type3A_1455, %cond3A_1456 : i32
    scf.if %cond3A_1457 {
      %dma_wait3A = arith.constant 0 : i32
      %dma_wait3A_1661 = arith.constant 0 : i32
      %dma_wait3A_1662 = tpu.memref_slice %arg4[%dma_wait3A, %dma_wait3A_1661] : memref<100000x128xf32, #tpu.memory_space<hbm>> -> memref<128x128xf32, #tpu.memory_space<hbm>>
      %dma_wait3A_1663 = arith.constant 0 : i32
      %dma_wait3A_1664 = arith.constant 0 : i32
      %dma_wait3A_1665 = tpu.memref_slice %arg4[%dma_wait3A_1663, %dma_wait3A_1664] : memref<100000x128xf32, #tpu.memory_space<hbm>> -> memref<128x128xf32, #tpu.memory_space<hbm>>
      tpu.wait_dma2 semaphore(%arg26 : memref<!tpu.dma_semaphore, #tpu.memory_space<semaphore_mem>>) src(%arg12 : memref<128x128xf32, #tpu.memory_space<vmem>>) dst(%dma_wait3A_1665 : memref<128x128xf32, #tpu.memory_space<hbm>>)
    } else {
    }
    %add3A_1458 = arith.constant 896 : i32
    %add3A_1459 = arith.addi %mul3A_2, %add3A_1458 : i32
    %lt3A_1460 = arith.constant 100000 : i32
    %lt3A_1461 = arith.cmpi slt, %add3A_1459, %lt3A_1460 : i32
    %add3A_1462 = arith.constant 1792 : i32
    %add3A_1463 = arith.addi %mul3A_2, %add3A_1462 : i32
    %lt3A_1464 = arith.constant 100000 : i32
    %lt3A_1465 = arith.cmpi slt, %add3A_1463, %lt3A_1464 : i32
    %not3A_1466 = arith.constant true
    %not3A_1467 = arith.xori %lt3A_1465, %not3A_1466 : i1
    %and3A_1468 = arith.andi %lt3A_1461, %not3A_1467 : i1
    %convert_element_type3A_1469 = arith.extui %and3A_1468 : i1 to i32
    %cond3A_1470 = arith.constant 0 : i32
    %cond3A_1471 = arith.cmpi ne, %convert_element_type3A_1469, %cond3A_1470 : i32
    scf.if %cond3A_1471 {
      %dma_wait3A = arith.constant 0 : i32
      %dma_wait3A_1661 = arith.constant 0 : i32
      %dma_wait3A_1662 = tpu.memref_slice %arg4[%dma_wait3A, %dma_wait3A_1661] : memref<100000x128xf32, #tpu.memory_space<hbm>> -> memref<128x128xf32, #tpu.memory_space<hbm>>
      %dma_wait3A_1663 = arith.constant 0 : i32
      %dma_wait3A_1664 = arith.constant 0 : i32
      %dma_wait3A_1665 = tpu.memref_slice %arg4[%dma_wait3A_1663, %dma_wait3A_1664] : memref<100000x128xf32, #tpu.memory_space<hbm>> -> memref<128x128xf32, #tpu.memory_space<hbm>>
      tpu.wait_dma2 semaphore(%arg20 : memref<!tpu.dma_semaphore, #tpu.memory_space<semaphore_mem>>) src(%arg6 : memref<128x128xf32, #tpu.memory_space<vmem>>) dst(%dma_wait3A_1665 : memref<128x128xf32, #tpu.memory_space<hbm>>)
    } else {
    }
    %add3A_1472 = arith.constant 1024 : i32
    %add3A_1473 = arith.addi %mul3A_2, %add3A_1472 : i32
    %lt3A_1474 = arith.constant 100000 : i32
    %lt3A_1475 = arith.cmpi slt, %add3A_1473, %lt3A_1474 : i32
    %add3A_1476 = arith.constant 1920 : i32
    %add3A_1477 = arith.addi %mul3A_2, %add3A_1476 : i32
    %lt3A_1478 = arith.constant 100000 : i32
    %lt3A_1479 = arith.cmpi slt, %add3A_1477, %lt3A_1478 : i32
    %not3A_1480 = arith.constant true
    %not3A_1481 = arith.xori %lt3A_1479, %not3A_1480 : i1
    %and3A_1482 = arith.andi %lt3A_1475, %not3A_1481 : i1
    %convert_element_type3A_1483 = arith.extui %and3A_1482 : i1 to i32
    %cond3A_1484 = arith.constant 0 : i32
    %cond3A_1485 = arith.cmpi ne, %convert_element_type3A_1483, %cond3A_1484 : i32
    scf.if %cond3A_1485 {
      %dma_wait3A = arith.constant 0 : i32
      %dma_wait3A_1661 = arith.constant 0 : i32
      %dma_wait3A_1662 = tpu.memref_slice %arg4[%dma_wait3A, %dma_wait3A_1661] : memref<100000x128xf32, #tpu.memory_space<hbm>> -> memref<128x128xf32, #tpu.memory_space<hbm>>
      %dma_wait3A_1663 = arith.constant 0 : i32
      %dma_wait3A_1664 = arith.constant 0 : i32
      %dma_wait3A_1665 = tpu.memref_slice %arg4[%dma_wait3A_1663, %dma_wait3A_1664] : memref<100000x128xf32, #tpu.memory_space<hbm>> -> memref<128x128xf32, #tpu.memory_space<hbm>>
      tpu.wait_dma2 semaphore(%arg21 : memref<!tpu.dma_semaphore, #tpu.memory_space<semaphore_mem>>) src(%arg7 : memref<128x128xf32, #tpu.memory_space<vmem>>) dst(%dma_wait3A_1665 : memref<128x128xf32, #tpu.memory_space<hbm>>)
    } else {
    }
    %add3A_1486 = arith.constant 1152 : i32
    %add3A_1487 = arith.addi %mul3A_2, %add3A_1486 : i32
    %lt3A_1488 = arith.constant 100000 : i32
    %lt3A_1489 = arith.cmpi slt, %add3A_1487, %lt3A_1488 : i32
    %add3A_1490 = arith.constant 2048 : i32
    %add3A_1491 = arith.addi %mul3A_2, %add3A_1490 : i32
    %lt3A_1492 = arith.constant 100000 : i32
    %lt3A_1493 = arith.cmpi slt, %add3A_1491, %lt3A_1492 : i32
    %not3A_1494 = arith.constant true
    %not3A_1495 = arith.xori %lt3A_1493, %not3A_1494 : i1
    %and3A_1496 = arith.andi %lt3A_1489, %not3A_1495 : i1
    %convert_element_type3A_1497 = arith.extui %and3A_1496 : i1 to i32
    %cond3A_1498 = arith.constant 0 : i32
    %cond3A_1499 = arith.cmpi ne, %convert_element_type3A_1497, %cond3A_1498 : i32
    scf.if %cond3A_1499 {
      %dma_wait3A = arith.constant 0 : i32
      %dma_wait3A_1661 = arith.constant 0 : i32
      %dma_wait3A_1662 = tpu.memref_slice %arg4[%dma_wait3A, %dma_wait3A_1661] : memref<100000x128xf32, #tpu.memory_space<hbm>> -> memref<128x128xf32, #tpu.memory_space<hbm>>
      %dma_wait3A_1663 = arith.constant 0 : i32
      %dma_wait3A_1664 = arith.constant 0 : i32
      %dma_wait3A_1665 = tpu.memref_slice %arg4[%dma_wait3A_1663, %dma_wait3A_1664] : memref<100000x128xf32, #tpu.memory_space<hbm>> -> memref<128x128xf32, #tpu.memory_space<hbm>>
      tpu.wait_dma2 semaphore(%arg22 : memref<!tpu.dma_semaphore, #tpu.memory_space<semaphore_mem>>) src(%arg8 : memref<128x128xf32, #tpu.memory_space<vmem>>) dst(%dma_wait3A_1665 : memref<128x128xf32, #tpu.memory_space<hbm>>)
    } else {
    }
    %add3A_1500 = arith.constant 1280 : i32
    %add3A_1501 = arith.addi %mul3A_2, %add3A_1500 : i32
    %lt3A_1502 = arith.constant 100000 : i32
    %lt3A_1503 = arith.cmpi slt, %add3A_1501, %lt3A_1502 : i32
    %add3A_1504 = arith.constant 2176 : i32
    %add3A_1505 = arith.addi %mul3A_2, %add3A_1504 : i32
    %lt3A_1506 = arith.constant 100000 : i32
    %lt3A_1507 = arith.cmpi slt, %add3A_1505, %lt3A_1506 : i32
    %not3A_1508 = arith.constant true
    %not3A_1509 = arith.xori %lt3A_1507, %not3A_1508 : i1
    %and3A_1510 = arith.andi %lt3A_1503, %not3A_1509 : i1
    %convert_element_type3A_1511 = arith.extui %and3A_1510 : i1 to i32
    %cond3A_1512 = arith.constant 0 : i32
    %cond3A_1513 = arith.cmpi ne, %convert_element_type3A_1511, %cond3A_1512 : i32
    scf.if %cond3A_1513 {
      %dma_wait3A = arith.constant 0 : i32
      %dma_wait3A_1661 = arith.constant 0 : i32
      %dma_wait3A_1662 = tpu.memref_slice %arg4[%dma_wait3A, %dma_wait3A_1661] : memref<100000x128xf32, #tpu.memory_space<hbm>> -> memref<128x128xf32, #tpu.memory_space<hbm>>
      %dma_wait3A_1663 = arith.constant 0 : i32
      %dma_wait3A_1664 = arith.constant 0 : i32
      %dma_wait3A_1665 = tpu.memref_slice %arg4[%dma_wait3A_1663, %dma_wait3A_1664] : memref<100000x128xf32, #tpu.memory_space<hbm>> -> memref<128x128xf32, #tpu.memory_space<hbm>>
      tpu.wait_dma2 semaphore(%arg23 : memref<!tpu.dma_semaphore, #tpu.memory_space<semaphore_mem>>) src(%arg9 : memref<128x128xf32, #tpu.memory_space<vmem>>) dst(%dma_wait3A_1665 : memref<128x128xf32, #tpu.memory_space<hbm>>)
    } else {
    }
    %add3A_1514 = arith.constant 1408 : i32
    %add3A_1515 = arith.addi %mul3A_2, %add3A_1514 : i32
    %lt3A_1516 = arith.constant 100000 : i32
    %lt3A_1517 = arith.cmpi slt, %add3A_1515, %lt3A_1516 : i32
    %add3A_1518 = arith.constant 2304 : i32
    %add3A_1519 = arith.addi %mul3A_2, %add3A_1518 : i32
    %lt3A_1520 = arith.constant 100000 : i32
    %lt3A_1521 = arith.cmpi slt, %add3A_1519, %lt3A_1520 : i32
    %not3A_1522 = arith.constant true
    %not3A_1523 = arith.xori %lt3A_1521, %not3A_1522 : i1
    %and3A_1524 = arith.andi %lt3A_1517, %not3A_1523 : i1
    %convert_element_type3A_1525 = arith.extui %and3A_1524 : i1 to i32
    %cond3A_1526 = arith.constant 0 : i32
    %cond3A_1527 = arith.cmpi ne, %convert_element_type3A_1525, %cond3A_1526 : i32
    scf.if %cond3A_1527 {
      %dma_wait3A = arith.constant 0 : i32
      %dma_wait3A_1661 = arith.constant 0 : i32
      %dma_wait3A_1662 = tpu.memref_slice %arg4[%dma_wait3A, %dma_wait3A_1661] : memref<100000x128xf32, #tpu.memory_space<hbm>> -> memref<128x128xf32, #tpu.memory_space<hbm>>
      %dma_wait3A_1663 = arith.constant 0 : i32
      %dma_wait3A_1664 = arith.constant 0 : i32
      %dma_wait3A_1665 = tpu.memref_slice %arg4[%dma_wait3A_1663, %dma_wait3A_1664] : memref<100000x128xf32, #tpu.memory_space<hbm>> -> memref<128x128xf32, #tpu.memory_space<hbm>>
      tpu.wait_dma2 semaphore(%arg24 : memref<!tpu.dma_semaphore, #tpu.memory_space<semaphore_mem>>) src(%arg10 : memref<128x128xf32, #tpu.memory_space<vmem>>) dst(%dma_wait3A_1665 : memref<128x128xf32, #tpu.memory_space<hbm>>)
    } else {
    }
    %add3A_1528 = arith.constant 1536 : i32
    %add3A_1529 = arith.addi %mul3A_2, %add3A_1528 : i32
    %lt3A_1530 = arith.constant 100000 : i32
    %lt3A_1531 = arith.cmpi slt, %add3A_1529, %lt3A_1530 : i32
    %add3A_1532 = arith.constant 2432 : i32
    %add3A_1533 = arith.addi %mul3A_2, %add3A_1532 : i32
    %lt3A_1534 = arith.constant 100000 : i32
    %lt3A_1535 = arith.cmpi slt, %add3A_1533, %lt3A_1534 : i32
    %not3A_1536 = arith.constant true
    %not3A_1537 = arith.xori %lt3A_1535, %not3A_1536 : i1
    %and3A_1538 = arith.andi %lt3A_1531, %not3A_1537 : i1
    %convert_element_type3A_1539 = arith.extui %and3A_1538 : i1 to i32
    %cond3A_1540 = arith.constant 0 : i32
    %cond3A_1541 = arith.cmpi ne, %convert_element_type3A_1539, %cond3A_1540 : i32
    scf.if %cond3A_1541 {
      %dma_wait3A = arith.constant 0 : i32
      %dma_wait3A_1661 = arith.constant 0 : i32
      %dma_wait3A_1662 = tpu.memref_slice %arg4[%dma_wait3A, %dma_wait3A_1661] : memref<100000x128xf32, #tpu.memory_space<hbm>> -> memref<128x128xf32, #tpu.memory_space<hbm>>
      %dma_wait3A_1663 = arith.constant 0 : i32
      %dma_wait3A_1664 = arith.constant 0 : i32
      %dma_wait3A_1665 = tpu.memref_slice %arg4[%dma_wait3A_1663, %dma_wait3A_1664] : memref<100000x128xf32, #tpu.memory_space<hbm>> -> memref<128x128xf32, #tpu.memory_space<hbm>>
      tpu.wait_dma2 semaphore(%arg25 : memref<!tpu.dma_semaphore, #tpu.memory_space<semaphore_mem>>) src(%arg11 : memref<128x128xf32, #tpu.memory_space<vmem>>) dst(%dma_wait3A_1665 : memref<128x128xf32, #tpu.memory_space<hbm>>)
    } else {
    }
    %add3A_1542 = arith.constant 1664 : i32
    %add3A_1543 = arith.addi %mul3A_2, %add3A_1542 : i32
    %lt3A_1544 = arith.constant 100000 : i32
    %lt3A_1545 = arith.cmpi slt, %add3A_1543, %lt3A_1544 : i32
    %add3A_1546 = arith.constant 2560 : i32
    %add3A_1547 = arith.addi %mul3A_2, %add3A_1546 : i32
    %lt3A_1548 = arith.constant 100000 : i32
    %lt3A_1549 = arith.cmpi slt, %add3A_1547, %lt3A_1548 : i32
    %not3A_1550 = arith.constant true
    %not3A_1551 = arith.xori %lt3A_1549, %not3A_1550 : i1
    %and3A_1552 = arith.andi %lt3A_1545, %not3A_1551 : i1
    %convert_element_type3A_1553 = arith.extui %and3A_1552 : i1 to i32
    %cond3A_1554 = arith.constant 0 : i32
    %cond3A_1555 = arith.cmpi ne, %convert_element_type3A_1553, %cond3A_1554 : i32
    scf.if %cond3A_1555 {
      %dma_wait3A = arith.constant 0 : i32
      %dma_wait3A_1661 = arith.constant 0 : i32
      %dma_wait3A_1662 = tpu.memref_slice %arg4[%dma_wait3A, %dma_wait3A_1661] : memref<100000x128xf32, #tpu.memory_space<hbm>> -> memref<128x128xf32, #tpu.memory_space<hbm>>
      %dma_wait3A_1663 = arith.constant 0 : i32
      %dma_wait3A_1664 = arith.constant 0 : i32
      %dma_wait3A_1665 = tpu.memref_slice %arg4[%dma_wait3A_1663, %dma_wait3A_1664] : memref<100000x128xf32, #tpu.memory_space<hbm>> -> memref<128x128xf32, #tpu.memory_space<hbm>>
      tpu.wait_dma2 semaphore(%arg26 : memref<!tpu.dma_semaphore, #tpu.memory_space<semaphore_mem>>) src(%arg12 : memref<128x128xf32, #tpu.memory_space<vmem>>) dst(%dma_wait3A_1665 : memref<128x128xf32, #tpu.memory_space<hbm>>)
    } else {
    }
    %add3A_1556 = arith.constant 1792 : i32
    %add3A_1557 = arith.addi %mul3A_2, %add3A_1556 : i32
    %lt3A_1558 = arith.constant 100000 : i32
    %lt3A_1559 = arith.cmpi slt, %add3A_1557, %lt3A_1558 : i32
    %add3A_1560 = arith.constant 2688 : i32
    %add3A_1561 = arith.addi %mul3A_2, %add3A_1560 : i32
    %lt3A_1562 = arith.constant 100000 : i32
    %lt3A_1563 = arith.cmpi slt, %add3A_1561, %lt3A_1562 : i32
    %not3A_1564 = arith.constant true
    %not3A_1565 = arith.xori %lt3A_1563, %not3A_1564 : i1
    %and3A_1566 = arith.andi %lt3A_1559, %not3A_1565 : i1
    %convert_element_type3A_1567 = arith.extui %and3A_1566 : i1 to i32
    %cond3A_1568 = arith.constant 0 : i32
    %cond3A_1569 = arith.cmpi ne, %convert_element_type3A_1567, %cond3A_1568 : i32
    scf.if %cond3A_1569 {
      %dma_wait3A = arith.constant 0 : i32
      %dma_wait3A_1661 = arith.constant 0 : i32
      %dma_wait3A_1662 = tpu.memref_slice %arg4[%dma_wait3A, %dma_wait3A_1661] : memref<100000x128xf32, #tpu.memory_space<hbm>> -> memref<128x128xf32, #tpu.memory_space<hbm>>
      %dma_wait3A_1663 = arith.constant 0 : i32
      %dma_wait3A_1664 = arith.constant 0 : i32
      %dma_wait3A_1665 = tpu.memref_slice %arg4[%dma_wait3A_1663, %dma_wait3A_1664] : memref<100000x128xf32, #tpu.memory_space<hbm>> -> memref<128x128xf32, #tpu.memory_space<hbm>>
      tpu.wait_dma2 semaphore(%arg20 : memref<!tpu.dma_semaphore, #tpu.memory_space<semaphore_mem>>) src(%arg6 : memref<128x128xf32, #tpu.memory_space<vmem>>) dst(%dma_wait3A_1665 : memref<128x128xf32, #tpu.memory_space<hbm>>)
    } else {
    }
    %add3A_1570 = arith.constant 1920 : i32
    %add3A_1571 = arith.addi %mul3A_2, %add3A_1570 : i32
    %lt3A_1572 = arith.constant 100000 : i32
    %lt3A_1573 = arith.cmpi slt, %add3A_1571, %lt3A_1572 : i32
    %add3A_1574 = arith.constant 2816 : i32
    %add3A_1575 = arith.addi %mul3A_2, %add3A_1574 : i32
    %lt3A_1576 = arith.constant 100000 : i32
    %lt3A_1577 = arith.cmpi slt, %add3A_1575, %lt3A_1576 : i32
    %not3A_1578 = arith.constant true
    %not3A_1579 = arith.xori %lt3A_1577, %not3A_1578 : i1
    %and3A_1580 = arith.andi %lt3A_1573, %not3A_1579 : i1
    %convert_element_type3A_1581 = arith.extui %and3A_1580 : i1 to i32
    %cond3A_1582 = arith.constant 0 : i32
    %cond3A_1583 = arith.cmpi ne, %convert_element_type3A_1581, %cond3A_1582 : i32
    scf.if %cond3A_1583 {
      %dma_wait3A = arith.constant 0 : i32
      %dma_wait3A_1661 = arith.constant 0 : i32
      %dma_wait3A_1662 = tpu.memref_slice %arg4[%dma_wait3A, %dma_wait3A_1661] : memref<100000x128xf32, #tpu.memory_space<hbm>> -> memref<128x128xf32, #tpu.memory_space<hbm>>
      %dma_wait3A_1663 = arith.constant 0 : i32
      %dma_wait3A_1664 = arith.constant 0 : i32
      %dma_wait3A_1665 = tpu.memref_slice %arg4[%dma_wait3A_1663, %dma_wait3A_1664] : memref<100000x128xf32, #tpu.memory_space<hbm>> -> memref<128x128xf32, #tpu.memory_space<hbm>>
      tpu.wait_dma2 semaphore(%arg21 : memref<!tpu.dma_semaphore, #tpu.memory_space<semaphore_mem>>) src(%arg7 : memref<128x128xf32, #tpu.memory_space<vmem>>) dst(%dma_wait3A_1665 : memref<128x128xf32, #tpu.memory_space<hbm>>)
    } else {
    }
    %add3A_1584 = arith.constant 2048 : i32
    %add3A_1585 = arith.addi %mul3A_2, %add3A_1584 : i32
    %lt3A_1586 = arith.constant 100000 : i32
    %lt3A_1587 = arith.cmpi slt, %add3A_1585, %lt3A_1586 : i32
    %add3A_1588 = arith.constant 2944 : i32
    %add3A_1589 = arith.addi %mul3A_2, %add3A_1588 : i32
    %lt3A_1590 = arith.constant 100000 : i32
    %lt3A_1591 = arith.cmpi slt, %add3A_1589, %lt3A_1590 : i32
    %not3A_1592 = arith.constant true
    %not3A_1593 = arith.xori %lt3A_1591, %not3A_1592 : i1
    %and3A_1594 = arith.andi %lt3A_1587, %not3A_1593 : i1
    %convert_element_type3A_1595 = arith.extui %and3A_1594 : i1 to i32
    %cond3A_1596 = arith.constant 0 : i32
    %cond3A_1597 = arith.cmpi ne, %convert_element_type3A_1595, %cond3A_1596 : i32
    scf.if %cond3A_1597 {
      %dma_wait3A = arith.constant 0 : i32
      %dma_wait3A_1661 = arith.constant 0 : i32
      %dma_wait3A_1662 = tpu.memref_slice %arg4[%dma_wait3A, %dma_wait3A_1661] : memref<100000x128xf32, #tpu.memory_space<hbm>> -> memref<128x128xf32, #tpu.memory_space<hbm>>
      %dma_wait3A_1663 = arith.constant 0 : i32
      %dma_wait3A_1664 = arith.constant 0 : i32
      %dma_wait3A_1665 = tpu.memref_slice %arg4[%dma_wait3A_1663, %dma_wait3A_1664] : memref<100000x128xf32, #tpu.memory_space<hbm>> -> memref<128x128xf32, #tpu.memory_space<hbm>>
      tpu.wait_dma2 semaphore(%arg22 : memref<!tpu.dma_semaphore, #tpu.memory_space<semaphore_mem>>) src(%arg8 : memref<128x128xf32, #tpu.memory_space<vmem>>) dst(%dma_wait3A_1665 : memref<128x128xf32, #tpu.memory_space<hbm>>)
    } else {
    }
    %add3A_1598 = arith.constant 2176 : i32
    %add3A_1599 = arith.addi %mul3A_2, %add3A_1598 : i32
    %lt3A_1600 = arith.constant 100000 : i32
    %lt3A_1601 = arith.cmpi slt, %add3A_1599, %lt3A_1600 : i32
    %add3A_1602 = arith.constant 3072 : i32
    %add3A_1603 = arith.addi %mul3A_2, %add3A_1602 : i32
    %lt3A_1604 = arith.constant 100000 : i32
    %lt3A_1605 = arith.cmpi slt, %add3A_1603, %lt3A_1604 : i32
    %not3A_1606 = arith.constant true
    %not3A_1607 = arith.xori %lt3A_1605, %not3A_1606 : i1
    %and3A_1608 = arith.andi %lt3A_1601, %not3A_1607 : i1
    %convert_element_type3A_1609 = arith.extui %and3A_1608 : i1 to i32
    %cond3A_1610 = arith.constant 0 : i32
    %cond3A_1611 = arith.cmpi ne, %convert_element_type3A_1609, %cond3A_1610 : i32
    scf.if %cond3A_1611 {
      %dma_wait3A = arith.constant 0 : i32
      %dma_wait3A_1661 = arith.constant 0 : i32
      %dma_wait3A_1662 = tpu.memref_slice %arg4[%dma_wait3A, %dma_wait3A_1661] : memref<100000x128xf32, #tpu.memory_space<hbm>> -> memref<128x128xf32, #tpu.memory_space<hbm>>
      %dma_wait3A_1663 = arith.constant 0 : i32
      %dma_wait3A_1664 = arith.constant 0 : i32
      %dma_wait3A_1665 = tpu.memref_slice %arg4[%dma_wait3A_1663, %dma_wait3A_1664] : memref<100000x128xf32, #tpu.memory_space<hbm>> -> memref<128x128xf32, #tpu.memory_space<hbm>>
      tpu.wait_dma2 semaphore(%arg23 : memref<!tpu.dma_semaphore, #tpu.memory_space<semaphore_mem>>) src(%arg9 : memref<128x128xf32, #tpu.memory_space<vmem>>) dst(%dma_wait3A_1665 : memref<128x128xf32, #tpu.memory_space<hbm>>)
    } else {
    }
    %add3A_1612 = arith.constant 2304 : i32
    %add3A_1613 = arith.addi %mul3A_2, %add3A_1612 : i32
    %lt3A_1614 = arith.constant 100000 : i32
    %lt3A_1615 = arith.cmpi slt, %add3A_1613, %lt3A_1614 : i32
    %convert_element_type3A_1616 = arith.extui %lt3A_1615 : i1 to i32
    %cond3A_1617 = arith.constant 0 : i32
    %cond3A_1618 = arith.cmpi ne, %convert_element_type3A_1616, %cond3A_1617 : i32
    scf.if %cond3A_1618 {
      %dma_wait3A = arith.constant 0 : i32
      %dma_wait3A_1661 = arith.constant 0 : i32
      %dma_wait3A_1662 = tpu.memref_slice %arg4[%dma_wait3A, %dma_wait3A_1661] : memref<100000x128xf32, #tpu.memory_space<hbm>> -> memref<128x128xf32, #tpu.memory_space<hbm>>
      %dma_wait3A_1663 = arith.constant 0 : i32
      %dma_wait3A_1664 = arith.constant 0 : i32
      %dma_wait3A_1665 = tpu.memref_slice %arg4[%dma_wait3A_1663, %dma_wait3A_1664] : memref<100000x128xf32, #tpu.memory_space<hbm>> -> memref<128x128xf32, #tpu.memory_space<hbm>>
      tpu.wait_dma2 semaphore(%arg24 : memref<!tpu.dma_semaphore, #tpu.memory_space<semaphore_mem>>) src(%arg10 : memref<128x128xf32, #tpu.memory_space<vmem>>) dst(%dma_wait3A_1665 : memref<128x128xf32, #tpu.memory_space<hbm>>)
    } else {
    }
    %add3A_1619 = arith.constant 2432 : i32
    %add3A_1620 = arith.addi %mul3A_2, %add3A_1619 : i32
    %lt3A_1621 = arith.constant 100000 : i32
    %lt3A_1622 = arith.cmpi slt, %add3A_1620, %lt3A_1621 : i32
    %convert_element_type3A_1623 = arith.extui %lt3A_1622 : i1 to i32
    %cond3A_1624 = arith.constant 0 : i32
    %cond3A_1625 = arith.cmpi ne, %convert_element_type3A_1623, %cond3A_1624 : i32
    scf.if %cond3A_1625 {
      %dma_wait3A = arith.constant 0 : i32
      %dma_wait3A_1661 = arith.constant 0 : i32
      %dma_wait3A_1662 = tpu.memref_slice %arg4[%dma_wait3A, %dma_wait3A_1661] : memref<100000x128xf32, #tpu.memory_space<hbm>> -> memref<128x128xf32, #tpu.memory_space<hbm>>
      %dma_wait3A_1663 = arith.constant 0 : i32
      %dma_wait3A_1664 = arith.constant 0 : i32
      %dma_wait3A_1665 = tpu.memref_slice %arg4[%dma_wait3A_1663, %dma_wait3A_1664] : memref<100000x128xf32, #tpu.memory_space<hbm>> -> memref<128x128xf32, #tpu.memory_space<hbm>>
      tpu.wait_dma2 semaphore(%arg25 : memref<!tpu.dma_semaphore, #tpu.memory_space<semaphore_mem>>) src(%arg11 : memref<128x128xf32, #tpu.memory_space<vmem>>) dst(%dma_wait3A_1665 : memref<128x128xf32, #tpu.memory_space<hbm>>)
    } else {
    }
    %add3A_1626 = arith.constant 2560 : i32
    %add3A_1627 = arith.addi %mul3A_2, %add3A_1626 : i32
    %lt3A_1628 = arith.constant 100000 : i32
    %lt3A_1629 = arith.cmpi slt, %add3A_1627, %lt3A_1628 : i32
    %convert_element_type3A_1630 = arith.extui %lt3A_1629 : i1 to i32
    %cond3A_1631 = arith.constant 0 : i32
    %cond3A_1632 = arith.cmpi ne, %convert_element_type3A_1630, %cond3A_1631 : i32
    scf.if %cond3A_1632 {
      %dma_wait3A = arith.constant 0 : i32
      %dma_wait3A_1661 = arith.constant 0 : i32
      %dma_wait3A_1662 = tpu.memref_slice %arg4[%dma_wait3A, %dma_wait3A_1661] : memref<100000x128xf32, #tpu.memory_space<hbm>> -> memref<128x128xf32, #tpu.memory_space<hbm>>
      %dma_wait3A_1663 = arith.constant 0 : i32
      %dma_wait3A_1664 = arith.constant 0 : i32
      %dma_wait3A_1665 = tpu.memref_slice %arg4[%dma_wait3A_1663, %dma_wait3A_1664] : memref<100000x128xf32, #tpu.memory_space<hbm>> -> memref<128x128xf32, #tpu.memory_space<hbm>>
      tpu.wait_dma2 semaphore(%arg26 : memref<!tpu.dma_semaphore, #tpu.memory_space<semaphore_mem>>) src(%arg12 : memref<128x128xf32, #tpu.memory_space<vmem>>) dst(%dma_wait3A_1665 : memref<128x128xf32, #tpu.memory_space<hbm>>)
    } else {
    }
    %add3A_1633 = arith.constant 2688 : i32
    %add3A_1634 = arith.addi %mul3A_2, %add3A_1633 : i32
    %lt3A_1635 = arith.constant 100000 : i32
    %lt3A_1636 = arith.cmpi slt, %add3A_1634, %lt3A_1635 : i32
    %convert_element_type3A_1637 = arith.extui %lt3A_1636 : i1 to i32
    %cond3A_1638 = arith.constant 0 : i32
    %cond3A_1639 = arith.cmpi ne, %convert_element_type3A_1637, %cond3A_1638 : i32
    scf.if %cond3A_1639 {
      %dma_wait3A = arith.constant 0 : i32
      %dma_wait3A_1661 = arith.constant 0 : i32
      %dma_wait3A_1662 = tpu.memref_slice %arg4[%dma_wait3A, %dma_wait3A_1661] : memref<100000x128xf32, #tpu.memory_space<hbm>> -> memref<128x128xf32, #tpu.memory_space<hbm>>
      %dma_wait3A_1663 = arith.constant 0 : i32
      %dma_wait3A_1664 = arith.constant 0 : i32
      %dma_wait3A_1665 = tpu.memref_slice %arg4[%dma_wait3A_1663, %dma_wait3A_1664] : memref<100000x128xf32, #tpu.memory_space<hbm>> -> memref<128x128xf32, #tpu.memory_space<hbm>>
      tpu.wait_dma2 semaphore(%arg20 : memref<!tpu.dma_semaphore, #tpu.memory_space<semaphore_mem>>) src(%arg6 : memref<128x128xf32, #tpu.memory_space<vmem>>) dst(%dma_wait3A_1665 : memref<128x128xf32, #tpu.memory_space<hbm>>)
    } else {
    }
    %add3A_1640 = arith.constant 2816 : i32
    %add3A_1641 = arith.addi %mul3A_2, %add3A_1640 : i32
    %lt3A_1642 = arith.constant 100000 : i32
    %lt3A_1643 = arith.cmpi slt, %add3A_1641, %lt3A_1642 : i32
    %convert_element_type3A_1644 = arith.extui %lt3A_1643 : i1 to i32
    %cond3A_1645 = arith.constant 0 : i32
    %cond3A_1646 = arith.cmpi ne, %convert_element_type3A_1644, %cond3A_1645 : i32
    scf.if %cond3A_1646 {
      %dma_wait3A = arith.constant 0 : i32
      %dma_wait3A_1661 = arith.constant 0 : i32
      %dma_wait3A_1662 = tpu.memref_slice %arg4[%dma_wait3A, %dma_wait3A_1661] : memref<100000x128xf32, #tpu.memory_space<hbm>> -> memref<128x128xf32, #tpu.memory_space<hbm>>
      %dma_wait3A_1663 = arith.constant 0 : i32
      %dma_wait3A_1664 = arith.constant 0 : i32
      %dma_wait3A_1665 = tpu.memref_slice %arg4[%dma_wait3A_1663, %dma_wait3A_1664] : memref<100000x128xf32, #tpu.memory_space<hbm>> -> memref<128x128xf32, #tpu.memory_space<hbm>>
      tpu.wait_dma2 semaphore(%arg21 : memref<!tpu.dma_semaphore, #tpu.memory_space<semaphore_mem>>) src(%arg7 : memref<128x128xf32, #tpu.memory_space<vmem>>) dst(%dma_wait3A_1665 : memref<128x128xf32, #tpu.memory_space<hbm>>)
    } else {
    }
    %add3A_1647 = arith.constant 2944 : i32
    %add3A_1648 = arith.addi %mul3A_2, %add3A_1647 : i32
    %lt3A_1649 = arith.constant 100000 : i32
    %lt3A_1650 = arith.cmpi slt, %add3A_1648, %lt3A_1649 : i32
    %convert_element_type3A_1651 = arith.extui %lt3A_1650 : i1 to i32
    %cond3A_1652 = arith.constant 0 : i32
    %cond3A_1653 = arith.cmpi ne, %convert_element_type3A_1651, %cond3A_1652 : i32
    scf.if %cond3A_1653 {
      %dma_wait3A = arith.constant 0 : i32
      %dma_wait3A_1661 = arith.constant 0 : i32
      %dma_wait3A_1662 = tpu.memref_slice %arg4[%dma_wait3A, %dma_wait3A_1661] : memref<100000x128xf32, #tpu.memory_space<hbm>> -> memref<128x128xf32, #tpu.memory_space<hbm>>
      %dma_wait3A_1663 = arith.constant 0 : i32
      %dma_wait3A_1664 = arith.constant 0 : i32
      %dma_wait3A_1665 = tpu.memref_slice %arg4[%dma_wait3A_1663, %dma_wait3A_1664] : memref<100000x128xf32, #tpu.memory_space<hbm>> -> memref<128x128xf32, #tpu.memory_space<hbm>>
      tpu.wait_dma2 semaphore(%arg22 : memref<!tpu.dma_semaphore, #tpu.memory_space<semaphore_mem>>) src(%arg8 : memref<128x128xf32, #tpu.memory_space<vmem>>) dst(%dma_wait3A_1665 : memref<128x128xf32, #tpu.memory_space<hbm>>)
    } else {
    }
    %add3A_1654 = arith.constant 3072 : i32
    %add3A_1655 = arith.addi %mul3A_2, %add3A_1654 : i32
    %lt3A_1656 = arith.constant 100000 : i32
    %lt3A_1657 = arith.cmpi slt, %add3A_1655, %lt3A_1656 : i32
    %convert_element_type3A_1658 = arith.extui %lt3A_1657 : i1 to i32
    %cond3A_1659 = arith.constant 0 : i32
    %cond3A_1660 = arith.cmpi ne, %convert_element_type3A_1658, %cond3A_1659 : i32
    scf.if %cond3A_1660 {
      %dma_wait3A = arith.constant 0 : i32
      %dma_wait3A_1661 = arith.constant 0 : i32
      %dma_wait3A_1662 = tpu.memref_slice %arg4[%dma_wait3A, %dma_wait3A_1661] : memref<100000x128xf32, #tpu.memory_space<hbm>> -> memref<128x128xf32, #tpu.memory_space<hbm>>
      %dma_wait3A_1663 = arith.constant 0 : i32
      %dma_wait3A_1664 = arith.constant 0 : i32
      %dma_wait3A_1665 = tpu.memref_slice %arg4[%dma_wait3A_1663, %dma_wait3A_1664] : memref<100000x128xf32, #tpu.memory_space<hbm>> -> memref<128x128xf32, #tpu.memory_space<hbm>>
      tpu.wait_dma2 semaphore(%arg23 : memref<!tpu.dma_semaphore, #tpu.memory_space<semaphore_mem>>) src(%arg9 : memref<128x128xf32, #tpu.memory_space<vmem>>) dst(%dma_wait3A_1665 : memref<128x128xf32, #tpu.memory_space<hbm>>)
    } else {
    }
    return
  }
}

</mosaic_0001>

<sc_bundles>
// kernel: kernel.3.cloned.1.call-start
scs
__scs_entry_jumppad:
0x0: {  	(pc) =	sbr.rel $0x88, $3  }
0x1: {  	(tag) =	ssettag $0x0;
	lr =	simm.s32 $0x1  }
0x2: {  	[smem:$0x3F9F] =	sst lr;
	_ =	strace $0xD0000000  }
0x3: {  	_ = 	snop  }
0x4: {  	_ = 	snop  }
0x5: {  	_ = 	snop  }
0x6: {  	_ = 	snop  }
0x7: {  	_ = 	snop  }
__scs_overlays_trampoline_lowered:
0x8: {  	[smem:$0x3FAE] =	sst s0  }
0x9: {  	[smem:$0x3FAF] =	sst s1  }
0xa: {  	[smem:$0x3FB0] =	sst s2  }
0xb: {  	[smem:$0x3FB1] =	sst s3  }
0xc: {  	[smem:$0x3FB2] =	sst s4  }
0xd: {  	[smem:$0x3FB3] =	sst s5  }
0xe: {  	[smem:$0x3FB4] =	sst s6  }
0xf: {  	[smem:$0x3FB5] =	sst s7  }
0x10: {  	[smem:$0x3FB6] =	sst s8  }
0x11: {  	[smem:$0x3FB7] =	sst s9;
	s0 =	simm.s32 @!p0 $0x0  }
0x12: {  	s1 =	sld [smem:$0x3F9D];
	s0 =	simm.s32 @p0 $0x1  }
0x13: {  	[smem:$0x3FB8] =	sst s0;
	s0 =	simm.s32 @!p1 $0x0  }
0x14: {  	s2 =	sld [smem:$0x3F9C];
	s0 =	simm.s32 @p1 $0x1  }
0x15: {  	[smem:$0x3FB9] =	sst s0;
	s0 =	simm.s32 @!p2 $0x0  }
0x16: {  	s3 =	sld [smem:$0x3FDB];
	s0 =	simm.s32 @p2 $0x1  }
0x17: {  	s4 =	simm.s32 $0x1BF5;
	[smem:$0x3FBB] =	sst s0  }
0x18: {  	s0 =	sld [smem:$0x3F9E];
	_ =	swait.ge [sflag:s4], $0x0  }
0x19: {  	s7 =	sld [smem:$0x3F9F]  }
0x1a: {  	s8 =	sadd.s32 $0xFFFFE003, lr  }
0x1b: {  	s9 =	sadd.s32 $0xFFFFFEF7, lr;
	s5 =	simm.s32 $0xFFFFFFFF;
	p2 =	slt.u32 s8, $0xFFFFF086  }
0x1c: {  	p1 =	slt.u32 s9, $0xF7A;
	s5 =	simm.s32 @!p2 $0x0  }
0x1d: {  	s5 =	simm.s32 @p1 $0x1;
	p0 =	seq.s32 s7, s2  }
0x1e: {  	s7 =	smul.u32 @!p0 $0xF7A, s2;
	p2 =	seq.s32 @!p0 s5, $0x0  }
0x1f: {  	s9 =	smul.u32 $0xF7A, s1;
	s8 =	simm.s32 @!p0 $0x1BF5;
	p2 =	por !p2, p0  }
0x20: {  	[sflag:s8] =	ssyncset.s32 @!p0 $0xFFFFF086;
	s6 =	sadd.s32 @!p0 s3, s7;
	s7 =	simm.s32 @!p0 $0x108  }
0x21: {  	s3 =	sadd.s32 s3, s9;
	s6 =	sadd.s32 @!p0 $0x88, s6;
	s7 =	simm.s32 @p2 $0x1082  }
0x22: {  	[simem:s7], [sflag:s8] =	dma.local @!p0 [hbm:s6], $0xF7A  }
0x23: {  	s9 =	sor.u32 $0xD0000000, s2;
	s6 =	simm.s32 $0x108;
	_ =	swait.ge @!p0 [sflag:s8], $0x0  }
0x24: {  	s3 =	sadd.s32 $0x88, s3;
	s6 =	simm.s32 @!p1 $0x1082;
	[sflag:s4] =	ssyncset.s32 $0xFFFFF086  }
0x25: {  	[simem:s6], [sflag:s4] =	dma.local [hbm:s3], $0xF7A  }
0x26: {  	[smem:$0x3F9F] =	sst s1;
	(tag) =	ssettag s2;
	_ =	strace s9  }
0x27: {  	s1 =	sld [smem:$0x3FAF]  }
0x28: {  	s2 =	sld [smem:$0x3FB0]  }
0x29: {  	s4 =	sld [smem:$0x3FB2]  }
0x2a: {  	p0 =	seq.s32 s5, $0x0;
	s5 =	sld [smem:$0x3FB3]  }
0x2b: {  	s6 =	sld [smem:$0x3FB4]  }
0x2c: {  	s7 =	sld [smem:$0x3FB5]  }
0x2d: {  	s3 =	simm.s32 $0x108;
	s8 =	sld [smem:$0x3FB6]  }
0x2e: {  	s3 =	simm.s32 @!p0 $0x1082;
	s9 =	sld [smem:$0x3FB7]  }
0x2f: {  	lr =	sadd.s32 s0, s3;
	s0 =	sld [smem:$0x3FAE]  }
0x30: {  	s3 =	sld [smem:$0x3FB1]  }
0x31: {  	[smem:$0x3FBA] =	sst s10  }
0x32: {  	s10 =	sld [smem:$0x3FB8];
	_ =	sdelay $0x3  }
0x33: {  	p0 =	seq.s32 s10, $0x1;
	s10 =	sld [smem:$0x3FBA];
	_ =	sdelay $0x3  }
0x34: {  	[smem:$0x3FBA] =	sst s10  }
0x35: {  	s10 =	sld [smem:$0x3FB9];
	_ =	sdelay $0x3  }
0x36: {  	p1 =	seq.s32 s10, $0x1;
	s10 =	sld [smem:$0x3FBA];
	_ =	sdelay $0x3  }
0x37: {  	[smem:$0x3FBA] =	sst s10  }
0x38: {  	s10 =	sld [smem:$0x3FBB]  }
0x39: {  	_ = 	snop;
	(pc) =	sbr.ind lr, $3  }
0x3a: {  	_ = 	snop  }
0x3b: {  	_ = 	snop  }
0x3c: {  	p2 =	seq.s32 s10, $0x1;
	s10 =	sld [smem:$0x3FBA]  }
0x3d: {  	_ =	shalt  }
0x3e: {  	_ =	shalt  }
0x3f: {  	_ =	shalt  }
0x40: {  	_ =	shalt  }
0x41: {  	_ =	shalt  }
0x42: {  	_ =	shalt  }
0x43: {  	_ =	shalt  }
0x44: {  	_ =	shalt  }
0x45: {  	_ =	shalt  }
0x46: {  	_ =	shalt  }
0x47: {  	_ =	shalt  }
0x48: {  	_ =	shalt  }
0x49: {  	_ =	shalt  }
0x4a: {  	_ =	shalt  }
0x4b: {  	_ =	shalt  }
0x4c: {  	_ =	shalt  }
0x4d: {  	_ =	shalt  }
0x4e: {  	_ =	shalt  }
0x4f: {  	_ =	shalt  }
0x50: {  	_ =	shalt  }
0x51: {  	_ =	shalt  }
0x52: {  	_ =	shalt  }
0x53: {  	_ =	shalt  }
0x54: {  	_ =	shalt  }
0x55: {  	_ =	shalt  }
0x56: {  	_ =	shalt  }
0x57: {  	_ =	shalt  }
0x58: {  	_ =	shalt  }
0x59: {  	_ =	shalt  }
0x5a: {  	_ =	shalt  }
0x5b: {  	_ =	shalt  }
0x5c: {  	_ =	shalt  }
0x5d: {  	_ =	shalt  }
0x5e: {  	_ =	shalt  }
0x5f: {  	_ =	shalt  }
0x60: {  	_ =	shalt  }
0x61: {  	_ =	shalt  }
0x62: {  	_ =	shalt  }
0x63: {  	_ =	shalt  }
0x64: {  	_ =	shalt  }
0x65: {  	_ =	shalt  }
0x66: {  	_ =	shalt  }
0x67: {  	_ =	shalt  }
0x68: {  	_ =	shalt  }
0x69: {  	_ =	shalt  }
0x6a: {  	_ =	shalt  }
0x6b: {  	_ =	shalt  }
0x6c: {  	_ =	shalt  }
0x6d: {  	_ =	shalt  }
0x6e: {  	_ =	shalt  }
0x6f: {  	_ =	shalt  }
0x70: {  	_ =	shalt  }
0x71: {  	_ =	shalt  }
0x72: {  	_ =	shalt  }
0x73: {  	_ =	shalt  }
0x74: {  	_ =	shalt  }
0x75: {  	_ =	shalt  }
0x76: {  	_ =	shalt  }
0x77: {  	_ =	shalt  }
0x78: {  	_ =	shalt  }
0x79: {  	_ =	shalt  }
0x7a: {  	_ =	shalt  }
0x7b: {  	_ =	shalt  }
0x7c: {  	_ =	shalt  }
0x7d: {  	_ =	shalt  }
0x7e: {  	_ =	shalt  }
0x7f: {  	_ =	shalt  }
0x80: {  	_ =	shalt  }
0x81: {  	_ =	shalt  }
0x82: {  	_ =	shalt  }
0x83: {  	_ =	shalt  }
0x84: {  	_ =	shalt  }
0x85: {  	_ =	shalt  }
0x86: {  	_ =	shalt  }
0x87: {  	_ =	shalt  }
.Lfunc_end0:
.L_simem_size_0:
called_computation_lowered:
.L_overlay_start_0:
0x88: {  	s2 =	sld [smem:$0x3FD9]  }
0x89: {  	s3 =	sld [smem:$0x3FFE];
	_ =	sdelay $0x1  }
0x8a: {  	s1 =	srdreg.scid  }
0x8b: {  	s0 =	sand.u32 $0x1, s1  }
0x8c: {  	s17 =	sshll.u32 s0, $0xA;
	s2 =	sadd.s32 s3, s2  }
0x8d: {  	s2 =	sadd.s32 s2, s17  }
0x8e: {  	[smem:$0x3FC6] =	sst s2  }
0x8f: {  	_ = 	snop  }
0x90: {  	s2 =	sld [smem:$0x3FC9]  }
0x91: {  	s18 =	sld [smem:$0x3FD0];
	(tm) =	ssettm $0x1  }
0x92: {  	s4 =	sld [smem:$0x3FFB];
	_ =	sdelay $0x3  }
0x93: {  	_ =	strace s4  }
0x94: {  	s4 =	sld [smem:$0x3FFC];
	_ =	sdelay $0x3  }
0x95: {  	_ =	strace s4  }
0x96: {  	s4 =	sld [smem:$0x3FFD];
	_ =	sdelay $0x3  }
0x97: {  	_ =	strace s4  }
0x98: {  	_ =	strace $0x8FFFFFFF  }
0x99: {  	s19 =	sld [smem:$0x3FDB];
	_ =	sdelay $0x1  }
0x9a: {  	s5 =	simm.s32 $_scs_section_size  }
0x9b: {  	s6 =	simm.s32 $_size__tile_overlayer_lowered;
	s7 =	simm.s32 $_tile_overlayer_lowered  }
0x9c: {  	s22 =	simm.s32 $0x1BFF;
	s21 =	sshll.u32 s7, $0x1;
	s4 =	sadd.s32 s5, s19  }
0x9d: {  	s8 =	simm.s32 $0x0;
	s20 =	sshll.u32 s6, $0x1;
	s6 =	sadd.s32 s21, s4  }
0x9e: {  	[timem:s8], [sflag:s22] =	dma.local [hbm:s6], s20  }
0x9f: {  	_ =	swait.ge [sflag:s22], s20  }
0xa0: {  	s5 =	ssub.s32 $0x0, s20;
	[sflag:s22] =	ssyncset.done $0x0  }
0xa1: {  	[sflag:s22] =	ssyncadd.s32 s5;
	_ =	sdelay $0x1  }
0xa2: {  	s23 =	simm.s32 $0x1B8B  }
0xa3: {  	_ =	swait.ge [sflag:s23], $0x1  }
0xa4: {  	[sflag:s23] =	ssyncset.done $0x0  }
0xa5: {  	s25 =	simm.s32 $0x1B8E;
	s24 =	sld [smem:$0x3FFE];
	[sflag:s23] =	ssyncadd.s32 $0xFFFFFFFF  }
0xa6: {  	s26 =	simm.s32 $execute0_lowered;
	[smem:$0x3FD2] =	sst s25  }
0xa7: {  	s6 =	sshll.u32 s26, $0x1;
	_ =	strace $0x80000046;
	[dreg:$0x1] =	wrdreg $0xFFFFFFFF  }
0xa8: {  	s28 =	simm.s32 $_size_execute0_lowered;
	s4 =	sadd.s32 s4, s6;
	[dreg:$0x0] =	wrdreg $0x0  }
0xa9: {  	s6 =	sshll.u32 s28, $0x1;
	[dreg:$0x2] =	wrdreg s4  }
0xaa: {  	[dreg:$0x3] =	wrdreg s6  }
0xab: {  	[dreg:$0x4] =	wrdreg $0xC0  }
0xac: {  	_ =	task [dreg:s8], $0x5FFFF  }
0xad: {  	[dreg:$0x1] =	wrdreg $0xFFFFFFFF  }
0xae: {  	[dreg:$0x0] =	wrdreg $0x60  }
0xaf: {  	[dreg:$0x2] =	wrdreg s2  }
0xb0: {  	[dreg:$0x3] =	wrdreg s24  }
0xb1: {  	[dreg:$0x4] =	wrdreg s18  }
0xb2: {  	[dreg:$0x5] =	wrdreg $0x9  }
0xb3: {  	_ =	task.clear_ibuf [dreg:s8], $0x6FFFF;
	_ =	strace $0x90000046  }
0xb4: {  	s29 =	simm.s32 $0x9;
	_ =	strace $0x80000048  }
0xb5: {  	_ =	swait.ge [sflag:s29], $0x1  }
0xb6: {  	[sflag:s29] =	ssyncadd.s32 $0xFFFFFFFF  }
0xb7: {  	_ =	strace $0x90000048  }
0xb8: {  	_ =	sfence  }
0xb9: {  	s30 =	sld [smem:$0x0];
	_ =	sdelay $0x2  }
0xba: {  	s31 =	sshll.u32 s1, $0xD;
	s1 =	sshrl.u32 s1, $0x2  }
0xbb: {  	s3 =	sand.u32 $0x4000, s31;
	s1 =	sadd.s32 s1, s30  }
0xbc: {  	s0 =	sor.u32 s3, s0;
	s1 =	sshll.u32 s1, $0x11  }
0xbd: {  	s0 =	sor.u32 s1, s0  }
0xbe: {  	s0 =	sadd.s32 $0x8F2B, s0  }
0xbf: {  	[sflag:s0] =	ssyncadd.remote.s32 $0x1  }
0xc0: {  	_ =	sfence.sel $0xFFFF  }
0xc1: {  	[dreg:$0x0] =	wrdreg $0xFFFFFFFF;
	(pc) =	sbr.abs _section_cstart, $3  }
0xc2: {  	[dreg:$0x1] =	wrdreg $0xFFFFFFFF  }
0xc3: {  	_ =	task.clear_ibuf [dreg:s8], $0x2FFFF;
	_ =	strace $0x9FFFFFFF  }
0xc4: {  	(tm) =	ssettm $0x7FFFFFFF  }
0xc5: {  	_ =	shalt  }
tec
execute0_lowered:
.L_overlay_start_1:
0x0: {  	(tag) =	ssettag $0x1  }
0x1: {  	s2 =	srdreg.scid;
	s3 =	stileid.u32  }
0x2: {  	s2 =	sand.u32 $0x1, s2;
	s3 =	sshll.u32 s3, $0x1  }
0x3: {  	s1 =	rddreg [dreg:$0x0];
	s5 =	sor.u32 s2, s3  }
0x4: {  	s0 =	rddreg [dreg:$0x1];
	s6 =	smul.u32 $0xC80, s5  }
0x5: {  	s4 =	rddreg [dreg:$0x2];
	s3 =	simm.s32 $0x0  }
0x6: {  	[smem:$0x7FF] =	sst s3;
	s31 =	sadd.s32 $0xFFFE8000, s6  }
0x7: {  	_ =	strace $0x80000047;
	s23 =	sadd.s32 $0xFFFE8200, s6;
	[dreg:$0x13] =	wrdreg s31  }
0x8: {  	s24 =	sadd.s32 $0xFFFE8280, s6;
	[dreg:$0x17] =	wrdreg s23  }
0x9: {  	p5 =	por $0x0, $0x0;
	s25 =	sadd.s32 $0xFFFE8300, s6;
	[dreg:$0x18] =	wrdreg s24  }
0xa: {  	p6 =	por $0x0, $0x0;
	s26 =	sadd.s32 $0xFFFE8380, s6;
	[dreg:$0x19] =	wrdreg s25  }
0xb: {  	s10 =	sadd.s32 $0x186200, s4;
	s28 =	sadd.s32 $0xFFFE8400, s6;
	[dreg:$0x1a] =	wrdreg s26  }
0xc: {  	s2 =	ssub.s32 $0x2, s2;
	s29 =	sadd.s32 $0xFFFE8480, s6;
	[dreg:$0x1b] =	wrdreg s28  }
0xd: {  	s8 =	smul.u32 $0xC800, s5;
	s15 =	sadd.s32 $0xFFFE7F5F, s6;
	[dreg:$0x1c] =	wrdreg s29  }
0xe: {  	s7 =	sshrl.u32 s2, $0x1;
	s16 =	sadd.s32 $0xFFFE7FDF, s6;
	[dreg:$0x7] =	wrdreg s15  }
0xf: {  	s14 =	sadd.s32 s4, s8;
	s4 =	sadd.s32 $0xFFFE815F, s6;
	[dreg:$0x8] =	wrdreg s16  }
0x10: {  	p0 =	seq.s32 s5, $0x1F;
	s17 =	sadd.s32 $0xFFFE81DF, s6;
	[dreg:$0x9] =	wrdreg s4  }
0x11: {  	s2 =	ssub.s32 s2, s7;
	s18 =	sadd.s32 $0xFFFE825F, s6;
	[dreg:$0xa] =	wrdreg s17  }
0x12: {  	s30 =	sshrl.u32 s6, $0x3;
	s19 =	sadd.s32 $0xFFFE82DF, s6;
	[dreg:$0xb] =	wrdreg s18  }
0x13: {  	s8 =	sadd.s32 $0xFFFE7DDF, s6;
	s20 =	sadd.s32 $0xFFFE835F, s6;
	[dreg:$0xc] =	wrdreg s19  }
0x14: {  	s9 =	sadd.s32 $0xFFFE7E5F, s6;
	s5 =	sadd.s32 $0xFFFE83DF, s6;
	[dreg:$0xd] =	wrdreg s20  }
0x15: {  	s11 =	sadd.s32 $0xFFFE7EDF, s6;
	s21 =	sadd.s32 $0xFFFE845F, s6;
	[dreg:$0xe] =	wrdreg s5  }
0x16: {  	s12 =	sadd.s32 $0xFFFE805F, s6;
	s22 =	sadd.s32 $0xFFFE84DF, s6;
	[dreg:$0xf] =	wrdreg s21  }
0x17: {  	s13 =	sadd.s32 $0xFFFE80DF, s6;
	s7 =	sadd.s32 s0, s30;
	[dreg:$0x10] =	wrdreg s22  }
0x18: {  	s0 =	sadd.s32 $0x3070, s0;
	p3 =	slt.u32 s12, $0x7F;
	[dreg:$0x6] =	wrdreg s14  }
0x19: {  	p4 =	slt.u32 s13, $0x7F;
	p2 =	sgt.u32 @!p0 s8, $0x7E;
	[dreg:$0x4] =	wrdreg s7  }
0x1a: {  	s8 =	sadd.s32 $0xFFFE855F, s6;
	s30 =	sadd.s32 $0xFFFE8500, s6;
	[dreg:$0x5] =	wrdreg s0  }
0x1b: {  	s23 =	sadd.s32 $0x8800, s14;
	s24 =	sadd.s32 $0x9000, s14;
	[dreg:$0x1d] =	wrdreg s30  }
0x1c: {  	s25 =	sadd.s32 $0x9800, s14;
	s26 =	sadd.s32 $0xA000, s14;
	[dreg:$0x11] =	wrdreg s8  }
0x1d: {  	s28 =	sadd.s32 $0xA800, s14;
	s29 =	sadd.s32 $0xB000, s14;
	[smem:$0x7F6] =	sst s23  }
0x1e: {  	s7 =	ssub.s32 $0x18620, s6;
	s0 =	sadd.s32 $0xFFFE7D5F, s6;
	[smem:$0x7F7] =	sst s24  }
0x1f: {  	p5 =	por @!p0 p3, p3;
	p3 =	sgt.u32 @!p0 s9, $0x7E;
	[smem:$0x7F8] =	sst s25  }
0x20: {  	s9 =	sadd.s32 $0xFFFE85DF, s6;
	p6 =	por @!p0 p4, p4;
	[smem:$0x7F9] =	sst s26  }
0x21: {  	[smem:$0x7FA] =	sst s28;
	p1 =	sgt.u32 @!p0 s0, $0x7E;
	s0 =	simm.s32 @!p5 $0x0  }
0x22: {  	p4 =	sgt.u32 @!p0 s11, $0x7E;
	[smem:$0x7FB] =	sst s29;
	s0 =	simm.s32 @p5 $0x1  }
0x23: {  	s11 =	sadd.s32 $0xFFFE8080, s6;
	[smem:$0x7CF] =	sst s0;
	s0 =	simm.s32 @!p6 $0x0  }
0x24: {  	[dreg:$0x14] =	wrdreg s11;
	p5 =	sgt.u32 @!p0 s12, $0x7E;
	s0 =	simm.s32 @p6 $0x1  }
0x25: {  	s30 =	sadd.s32 $0xB800, s14;
	[smem:$0x7D0] =	sst s0;
	s0 =	simm.s32 @!p5 $0x0  }
0x26: {  	[dreg:$0x12] =	wrdreg s9;
	s0 =	simm.s32 @p5 $0x1;
	p5 =	por p1, p0  }
0x27: {  	[smem:$0x7D9] =	sst s0;
	s0 =	smax.u32 s2, $0x1;
	s2 =	simm.s32 @!p5 $0x0  }
0x28: {  	[smem:$0x7FC] =	sst s30;
	p1 =	por !p1, p0;
	s2 =	simm.s32 @p5 $0x1  }
0x29: {  	s11 =	sadd.s32 $0x3000, s14;
	[smem:$0x7D1] =	sst s2;
	s2 =	simm.s32 @!p1 $0x0  }
0x2a: {  	[smem:$0x7EB] =	sst s11;
	s2 =	simm.s32 @p1 $0x1;
	p1 =	por p2, p0  }
0x2b: {  	s12 =	sadd.s32 $0xFFFE8100, s6;
	[smem:$0x7D2] =	sst s2;
	s2 =	simm.s32 @!p1 $0x0  }
0x2c: {  	[dreg:$0x15] =	wrdreg s12;
	s2 =	simm.s32 @p1 $0x1;
	p1 =	por !p2, p0  }
0x2d: {  	s25 =	simm.s32 $0x1;
	[smem:$0x7D3] =	sst s2;
	s2 =	simm.s32 @!p1 $0x0  }
0x2e: {  	s12 =	sadd.s32 $0x3800, s14;
	s2 =	simm.s32 @p1 $0x1;
	p1 =	por p3, p0  }
0x2f: {  	p6 =	sgt.u32 @!p0 s13, $0x7E;
	[smem:$0x7D4] =	sst s2;
	s2 =	simm.s32 @!p1 $0x0  }
0x30: {  	[smem:$0x7EC] =	sst s12;
	s2 =	simm.s32 @p1 $0x1;
	p1 =	por !p3, p0  }
0x31: {  	s13 =	sadd.s32 $0xFFFE8180, s6;
	[smem:$0x7D5] =	sst s2;
	s2 =	simm.s32 @!p1 $0x0  }
0x32: {  	s31 =	sld [smem:$0x7D9];
	s2 =	simm.s32 @p1 $0x1;
	p1 =	por p4, p0  }
0x33: {  	s6 =	sadd.s32 $0x1800, s14;
	[smem:$0x7D6] =	sst s2;
	s2 =	simm.s32 @!p1 $0x0  }
0x34: {  	[dreg:$0x16] =	wrdreg s13;
	s2 =	simm.s32 @p1 $0x1;
	p1 =	por !p4, p0  }
0x35: {  	p5 =	seq.s32 s31, $0x1;
	[smem:$0x7D7] =	sst s2;
	s2 =	simm.s32 @!p1 $0x0  }
0x36: {  	[smem:$0x7E8] =	sst s6;
	s2 =	simm.s32 @p1 $0x1;
	p1 =	por p5, p0  }
0x37: {  	s13 =	sadd.s32 $0x4000, s14;
	[smem:$0x7D8] =	sst s2;
	s2 =	simm.s32 @!p1 $0x0  }
0x38: {  	[smem:$0x7ED] =	sst s13;
	s2 =	simm.s32 @p1 $0x1;
	p1 =	por p6, p0  }
0x39: {  	s31 =	sadd.s32 $0xC000, s14;
	[smem:$0x7DA] =	sst s2;
	s2 =	simm.s32 @!p1 $0x0  }
0x3a: {  	[smem:$0x7FD] =	sst s31;
	s2 =	simm.s32 @p1 $0x1;
	p1 =	slt.u32 s15, $0x7F  }
0x3b: {  	s15 =	sadd.s32 $0x4800, s14;
	[smem:$0x7DB] =	sst s2;
	s2 =	simm.s32 @!p1 $0x0  }
0x3c: {  	[smem:$0x7EE] =	sst s15;
	s2 =	simm.s32 @p1 $0x1;
	p1 =	slt.u32 s16, $0x7F  }
0x3d: {  	s16 =	sadd.s32 $0x5000, s14;
	[smem:$0x7DC] =	sst s2;
	s2 =	simm.s32 @!p1 $0x0  }
0x3e: {  	[smem:$0x7EF] =	sst s16;
	s2 =	simm.s32 @p1 $0x1;
	p1 =	slt.u32 s4, $0x7F  }
0x3f: {  	s4 =	sadd.s32 $0x800, s14;
	[smem:$0x7DD] =	sst s2;
	s2 =	simm.s32 @!p1 $0x0  }
0x40: {  	[dreg:$0x1e] =	wrdreg s4;
	s2 =	simm.s32 @p1 $0x1;
	p1 =	slt.u32 s17, $0x7F  }
0x41: {  	s17 =	sadd.s32 $0x5800, s14;
	[smem:$0x7DE] =	sst s2;
	s2 =	simm.s32 @!p1 $0x0  }
0x42: {  	[smem:$0x7F0] =	sst s17;
	s2 =	simm.s32 @p1 $0x1;
	p1 =	slt.u32 s18, $0x7F  }
0x43: {  	s18 =	sadd.s32 $0x6000, s14;
	[smem:$0x7DF] =	sst s2;
	s2 =	simm.s32 @!p1 $0x0  }
0x44: {  	[smem:$0x7F1] =	sst s18;
	s2 =	simm.s32 @p1 $0x1;
	p1 =	slt.u32 s19, $0x7F  }
0x45: {  	s19 =	sadd.s32 $0x6800, s14;
	[smem:$0x7E0] =	sst s2;
	s2 =	simm.s32 @!p1 $0x0  }
0x46: {  	[smem:$0x7F2] =	sst s19;
	s2 =	simm.s32 @p1 $0x1;
	p1 =	slt.u32 s20, $0x7F  }
0x47: {  	s20 =	sadd.s32 $0x7000, s14;
	[smem:$0x7E1] =	sst s2;
	s2 =	simm.s32 @!p1 $0x0  }
0x48: {  	[smem:$0x7F3] =	sst s20;
	s2 =	simm.s32 @p1 $0x1;
	p1 =	slt.u32 s5, $0x7F  }
0x49: {  	s5 =	sadd.s32 $0x1000, s14;
	[smem:$0x7E2] =	sst s2;
	s2 =	simm.s32 @!p1 $0x0  }
0x4a: {  	[dreg:$0x1f] =	wrdreg s5;
	s2 =	simm.s32 @p1 $0x1;
	p1 =	slt.u32 s21, $0x7F  }
0x4b: {  	s21 =	sadd.s32 $0x7800, s14;
	[smem:$0x7E3] =	sst s2;
	s2 =	simm.s32 @!p1 $0x0  }
0x4c: {  	s26 =	simm.s32 $0x7;
	[smem:$0x7F4] =	sst s21;
	s2 =	simm.s32 @p1 $0x1  }
0x4d: {  	p1 =	slt.u32 s22, $0x7F;
	s22 =	sadd.s32 $0x8000, s14;
	[smem:$0x7E4] =	sst s2  }
0x4e: {  	s12 =	simm.s32 $0x10C80;
	s2 =	simm.s32 @!p1 $0x0;
	[smem:$0x7F5] =	sst s22  }
0x4f: {  	s2 =	simm.s32 @p1 $0x1;
	p1 =	slt.u32 s8, $0x7F;
	s8 =	sadd.s32 $0x2000, s14  }
.Ltmp0:
0x50: {  	[smem:$0x7E5] =	sst s2;
	s2 =	simm.s32 @!p1 $0x0;
	(pc) =	sbr.rel .LBB2_1-.Ltmp0, $4  }
0x51: {  	[smem:$0x7E9] =	sst s8;
	s2 =	simm.s32 @p1 $0x1;
	p1 =	slt.u32 s9, $0x7F  }
0x52: {  	s9 =	sadd.s32 $0x2800, s14;
	[smem:$0x7E6] =	sst s2;
	s2 =	simm.s32 @!p1 $0x0  }
0x53: {  	s13 =	simm.s32 $0x14C80;
	[smem:$0x7EA] =	sst s9;
	s2 =	simm.s32 @p1 $0x1  }
0x54: {  	s18 =	simm.s32 $0x80;
	s14 =	simm.s32 $0x18C80;
	[smem:$0x7E7] =	sst s2  }
.LBB2_5:
0x55: {  	s2 =	rddreg [dreg:$0x13]  }
0x56: {  	p1 =	sgt.u32 s2, $0x37F  }
0x57: {  	s2 =	simm.s32 @!p1 $0x8  }
0x58: {  	_ =	swait.ge @!p1 [sflag:s2], $0x4000  }
0x59: {  	s4 =	rddreg [dreg:$0x14]  }
0x5a: {  	[sflag:s2] =	ssyncset.done @!p1 $0x0;
	p2 =	sgt.u32 s4, $0x37F  }
0x5b: {  	[sflag:s2] =	ssyncadd.s32 @!p1 $0xFFFFC000;
	s2 =	simm.s32 @!p2 $0x9  }
0x5c: {  	_ =	swait.ge @!p2 [sflag:s2], $0x4000  }
0x5d: {  	s20 =	rddreg [dreg:$0x15]  }
0x5e: {  	[sflag:s2] =	ssyncset.done @!p2 $0x0;
	p1 =	sgt.u32 s20, $0x37F  }
0x5f: {  	[sflag:s2] =	ssyncadd.s32 @!p2 $0xFFFFC000;
	s2 =	simm.s32 @!p1 $0xA  }
0x60: {  	_ =	swait.ge @!p1 [sflag:s2], $0x4000  }
0x61: {  	s21 =	rddreg [dreg:$0x16]  }
0x62: {  	[sflag:s2] =	ssyncset.done @!p1 $0x0;
	p2 =	sgt.u32 s21, $0x37F  }
0x63: {  	[sflag:s2] =	ssyncadd.s32 @!p1 $0xFFFFC000;
	s2 =	simm.s32 @!p2 $0xB  }
0x64: {  	_ =	swait.ge @!p2 [sflag:s2], $0x4000  }
0x65: {  	s22 =	rddreg [dreg:$0x17]  }
0x66: {  	[sflag:s2] =	ssyncset.done @!p2 $0x0;
	p1 =	sgt.u32 s22, $0x37F  }
0x67: {  	[sflag:s2] =	ssyncadd.s32 @!p2 $0xFFFFC000;
	s2 =	simm.s32 @!p1 $0xC  }
0x68: {  	_ =	swait.ge @!p1 [sflag:s2], $0x4000  }
0x69: {  	s23 =	rddreg [dreg:$0x18]  }
0x6a: {  	[sflag:s2] =	ssyncset.done @!p1 $0x0;
	p2 =	sgt.u32 s23, $0x37F  }
0x6b: {  	[sflag:s2] =	ssyncadd.s32 @!p1 $0xFFFFC000;
	s2 =	simm.s32 @!p2 $0xD  }
0x6c: {  	_ =	swait.ge @!p2 [sflag:s2], $0x4000  }
0x6d: {  	s24 =	rddreg [dreg:$0x19]  }
0x6e: {  	[sflag:s2] =	ssyncset.done @!p2 $0x0;
	p1 =	sgt.u32 s24, $0x37F  }
0x6f: {  	[sflag:s2] =	ssyncadd.s32 @!p2 $0xFFFFC000;
	s2 =	simm.s32 @!p1 $0xE  }
0x70: {  	_ =	swait.ge @!p1 [sflag:s2], $0x4000  }
0x71: {  	s28 =	rddreg [dreg:$0x1a]  }
0x72: {  	[sflag:s2] =	ssyncset.done @!p1 $0x0;
	p2 =	sgt.u32 s28, $0x37F  }
0x73: {  	[sflag:s2] =	ssyncadd.s32 @!p1 $0xFFFFC000;
	s2 =	simm.s32 @!p2 $0x8  }
0x74: {  	_ =	swait.ge @!p2 [sflag:s2], $0x4000  }
0x75: {  	s29 =	rddreg [dreg:$0x1b]  }
0x76: {  	[sflag:s2] =	ssyncset.done @!p2 $0x0;
	p1 =	sgt.u32 s29, $0x37F  }
0x77: {  	[sflag:s2] =	ssyncadd.s32 @!p2 $0xFFFFC000;
	s2 =	simm.s32 @!p1 $0x9  }
0x78: {  	_ =	swait.ge @!p1 [sflag:s2], $0x4000  }
0x79: {  	s30 =	rddreg [dreg:$0x1c]  }
0x7a: {  	[sflag:s2] =	ssyncset.done @!p1 $0x0;
	p2 =	sgt.u32 s30, $0x37F  }
0x7b: {  	[sflag:s2] =	ssyncadd.s32 @!p1 $0xFFFFC000;
	s2 =	simm.s32 @!p2 $0xA  }
0x7c: {  	_ =	swait.ge @!p2 [sflag:s2], $0x4000  }
0x7d: {  	s31 =	rddreg [dreg:$0x1d]  }
0x7e: {  	[sflag:s2] =	ssyncset.done @!p2 $0x0;
	p1 =	sgt.u32 s31, $0x37F  }
0x7f: {  	[sflag:s2] =	ssyncadd.s32 @!p2 $0xFFFFC000;
	s4 =	simm.s32 @!p1 $0xB;
	s5 =	simm.s32 @!p1 $0x9  }
0x80: {  	s13 =	simm.s32 @!p1 $0xC;
	s11 =	simm.s32 @!p1 $0xE;
	s12 =	simm.s32 @!p1 $0xD  }
0x81: {  	s8 =	simm.s32 @!p1 $0x8;
	s6 =	simm.s32 @!p1 $0xA;
	_ =	swait.ge @!p1 [sflag:s4], $0x4000  }
0x82: {  	s13 =	simm.s32 @p1 $0xC;
	s12 =	simm.s32 @p1 $0xD;
	s11 =	simm.s32 @p1 $0xE  }
0x83: {  	s8 =	simm.s32 @p1 $0x8;
	s5 =	simm.s32 @p1 $0x9;
	[sflag:s4] =	ssyncset.done @!p1 $0x0  }
0x84: {  	s6 =	simm.s32 @p1 $0xA;
	[sflag:s4] =	ssyncadd.s32 @!p1 $0xFFFFC000;
	s4 =	simm.s32 @p1 $0xB  }
.LBB2_6:
0x85: {  	_ =	swait.ge [sflag:s13], $0x4000  }
0x86: {  	[sflag:s13] =	ssyncset.done $0x0  }
0x87: {  	[sflag:s13] =	ssyncadd.s32 $0xFFFFC000  }
0x88: {  	_ =	swait.ge [sflag:s12], $0x4000  }
0x89: {  	[sflag:s12] =	ssyncset.done $0x0  }
0x8a: {  	[sflag:s12] =	ssyncadd.s32 $0xFFFFC000  }
0x8b: {  	_ =	swait.ge [sflag:s11], $0x4000  }
0x8c: {  	[sflag:s11] =	ssyncset.done $0x0  }
0x8d: {  	[sflag:s11] =	ssyncadd.s32 $0xFFFFC000  }
0x8e: {  	_ =	swait.ge [sflag:s8], $0x4000  }
0x8f: {  	[sflag:s8] =	ssyncset.done $0x0  }
0x90: {  	[sflag:s8] =	ssyncadd.s32 $0xFFFFC000  }
0x91: {  	_ =	swait.ge [sflag:s5], $0x4000  }
0x92: {  	[sflag:s5] =	ssyncset.done $0x0  }
0x93: {  	s0 =	sadd.s32 $0xFFFFFFFF, s0;
	[sflag:s5] =	ssyncadd.s32 $0xFFFFC000  }
0x94: {  	p1 =	sne.s32 s0, $0x0;
	_ =	swait.ge [sflag:s6], $0x4000  }
.Ltmp1:
0x95: {  	[sflag:s6] =	ssyncset.done $0x0;
	(pc) =	sbr.rel @!p1 .LBB2_7-.Ltmp1, $4  }
0x96: {  	[sflag:s6] =	ssyncadd.s32 $0xFFFFC000  }
0x97: {  	_ =	swait.ge [sflag:s4], $0x4000  }
0x98: {  	s14 =	simm.s32 $0x18C80;
	[sflag:s4] =	ssyncset.done $0x0  }
0x99: {  	s13 =	simm.s32 $0x14C80;
	s12 =	simm.s32 $0x10C80;
	[sflag:s4] =	ssyncadd.s32 $0xFFFFC000  }
.LBB2_1:
0x9a: {  	s4 =	simm.s32 @p0 $0x0;
	s2 =	rddreg [dreg:$0x5]  }
0x9b: {  	[tilespmem:s4], [sflag:$0xF] =	stream.linear.gather @p0 [hbm4b:s2+s4], $0x320, $0x38;
	[tilespmem:$0x1CC80] =	vst v63  }
0x9c: {  	s4 =	simm.s32 @p0 $0xF  }
0x9d: {  	_ =	swait.ge @p0 [sflag:s4], $0x320  }
0x9e: {  	[sflag:s4] =	ssyncset.done @p0 $0x0  }
0x9f: {  	s2 =	rddreg [dreg:$0x4];
	[sflag:s4] =	ssyncadd.s32 @p0 $0xFFFFFCE0;
	s4 =	simm.s32 @!p0 $0x0  }
0xa0: {  	[tilespmem:s4], [sflag:$0xF] =	stream.linear.gather @!p0 [hbm4b:s2+s4], $0xC80, $0x38;
	[tilespmem:$0x1CC80] =	vst v63  }
0xa1: {  	s4 =	simm.s32 @!p0 $0xF  }
0xa2: {  	_ =	swait.ge @!p0 [sflag:s4], $0xC80  }
0xa3: {  	[sflag:s4] =	ssyncset.done @!p0 $0x0  }
0xa4: {  	s5 =	simm.s32 $0xC80;
	[sflag:s4] =	ssyncadd.s32 @!p0 $0xFFFFF380  }
0xa5: {  	[tilespmem:s5], [sflag:$0x1] =	stream.indirect.gather [hbm4b:s1+s18], $0x80, s3, s18, $0xb8;
	[tilespmem:$0x1CC80] =	vst v63  }
0xa6: {  	s6 =	simm.s32 $0x4C80  }
0xa7: {  	[tilespmem:s6], [sflag:$0x2] =	stream.indirect.gather [hbm4b:s1+s18], $0x80, s18, s18, $0xb8;
	[tilespmem:$0x1CC80] =	vst v63  }
0xa8: {  	s21 =	simm.s32 $0x100;
	s9 =	simm.s32 $0x8C80  }
0xa9: {  	[tilespmem:s9], [sflag:$0x3] =	stream.indirect.gather [hbm4b:s1+s18], $0x80, s21, s18, $0xb8;
	[tilespmem:$0x1CC80] =	vst v63  }
0xaa: {  	s22 =	simm.s32 $0x180;
	s11 =	simm.s32 $0xCC80  }
0xab: {  	[tilespmem:s11], [sflag:$0x4] =	stream.indirect.gather [hbm4b:s1+s18], $0x80, s22, s18, $0xb8;
	[tilespmem:$0x1CC80] =	vst v63  }
0xac: {  	s23 =	simm.s32 $0x200  }
0xad: {  	[tilespmem:s12], [sflag:$0x5] =	stream.indirect.gather [hbm4b:s1+s18], $0x80, s23, s18, $0xb8;
	[tilespmem:$0x1CC80] =	vst v63  }
0xae: {  	s24 =	simm.s32 $0x280  }
0xaf: {  	[tilespmem:s13], [sflag:$0x6] =	stream.indirect.gather [hbm4b:s1+s18], $0x80, s24, s18, $0xb8;
	[tilespmem:$0x1CC80] =	vst v63  }
0xb0: {  	_ =	swait.ge [sflag:s25], $0x4000  }
0xb1: {  	[sflag:s25] =	ssyncset.done $0x0  }
0xb2: {  	s4 =	smov.u32 s7;
	s28 =	rddreg [dreg:$0x6];
	[sflag:s25] =	ssyncadd.s32 $0xFFFFC000  }
0xb3: {  	[hbm4b:s28+s3] =	stream.linear.scatter [tilespmem:s5], [sflag:$0x8], $0x4000, $0x38;
	[tilespmem:$0x1CC80] =	vst v63  }
0xb4: {  	s29 =	simm.s32 $0x2;
	s4 =	simm.s32 @!p0 $0x300  }
0xb5: {  	[tilespmem:s14], [sflag:$0x7] =	stream.indirect.gather [hbm4b:s1+s18], $0x80, s4, s18, $0xb8;
	[tilespmem:$0x1CC80] =	vst v63  }
0xb6: {  	_ =	swait.ge [sflag:s29], $0x4000  }
0xb7: {  	[sflag:s29] =	ssyncset.done $0x0  }
0xb8: {  	s4 =	simm.s32 @!p0 $0x8;
	s30 =	rddreg [dreg:$0x1e];
	[sflag:s29] =	ssyncadd.s32 $0xFFFFC000  }
0xb9: {  	[hbm4b:s30+s3] =	stream.linear.scatter [tilespmem:s6], [sflag:$0x9], $0x4000, $0x38;
	[tilespmem:$0x1CC80] =	vst v63  }
0xba: {  	_ =	swait.ge @!p0 [sflag:s4], $0x4000  }
0xbb: {  	s5 =	simm.s32 @!p0 $0x380;
	[sflag:s4] =	ssyncset.done @!p0 $0x0;
	s31 =	sld [smem:$0x7D1]  }
0xbc: {  	s6 =	simm.s32 @!p0 $0xC80;
	[sflag:s4] =	ssyncadd.s32 @!p0 $0xFFFFC000;
	s4 =	simm.s32 @!p0 $0x80  }
0xbd: {  	[tilespmem:s6], [sflag:$0x1] =	stream.indirect.gather @!p0 [hbm4b:s1+s4], $0x80, s5, s4, $0xb8;
	[tilespmem:$0x1CC80] =	vst v63  }
0xbe: {  	p2 =	seq.s32 s31, $0x1  }
0xbf: {  	s5 =	simm.s32 @!p2 $0x80;
	s6 =	simm.s32 @!p2 $0xC80  }
0xc0: {  	[tilespmem:s6], [sflag:$0x1] =	stream.indirect.gather @!p2 [hbm4b:s1+s5], $0x80, s7, s5, $0xb8;
	[tilespmem:$0x1CC80] =	vst v63  }
0xc1: {  	s5 =	simm.s32 $0x3  }
0xc2: {  	_ =	swait.ge [sflag:s5], $0x4000  }
0xc3: {  	[sflag:s5] =	ssyncset.done $0x0  }
0xc4: {  	s6 =	rddreg [dreg:$0x1f];
	[sflag:s5] =	ssyncadd.s32 $0xFFFFC000;
	s5 =	simm.s32 @!p0 $0x9  }
0xc5: {  	[hbm4b:s6+s3] =	stream.linear.scatter [tilespmem:s9], [sflag:$0xA], $0x4000, $0x38;
	[tilespmem:$0x1CC80] =	vst v63  }
0xc6: {  	_ =	swait.ge @!p0 [sflag:s5], $0x4000  }
0xc7: {  	[sflag:s5] =	ssyncset.done @!p0 $0x0;
	s15 =	sld [smem:$0x7D3]  }
0xc8: {  	s6 =	simm.s32 @!p0 $0x4C80;
	[sflag:s5] =	ssyncadd.s32 @!p0 $0xFFFFC000;
	s5 =	simm.s32 @!p0 $0x400  }
0xc9: {  	[tilespmem:s6], [sflag:$0x2] =	stream.indirect.gather @!p0 [hbm4b:s1+s4], $0x80, s5, s4, $0xb8;
	[tilespmem:$0x1CC80] =	vst v63  }
0xca: {  	p4 =	seq.s32 s15, $0x1  }
0xcb: {  	s16 =	simm.s32 $0x4;
	s5 =	simm.s32 @!p4 $0x80;
	s6 =	simm.s32 @!p4 $0x4C80  }
0xcc: {  	[tilespmem:s6], [sflag:$0x2] =	stream.indirect.gather @!p4 [hbm4b:s1+s5], $0x80, s7, s5, $0xb8;
	[tilespmem:$0x1CC80] =	vst v63  }
0xcd: {  	_ =	swait.ge [sflag:s16], $0x4000  }
0xce: {  	s17 =	sld [smem:$0x7E8]  }
0xcf: {  	[sflag:s16] =	ssyncset.done $0x0  }
0xd0: {  	s5 =	simm.s32 @!p0 $0xA;
	[sflag:s16] =	ssyncadd.s32 $0xFFFFC000  }
0xd1: {  	[hbm4b:s17+s3] =	stream.linear.scatter [tilespmem:s11], [sflag:$0xB], $0x4000, $0x38;
	[tilespmem:$0x1CC80] =	vst v63  }
0xd2: {  	_ =	swait.ge @!p0 [sflag:s5], $0x4000  }
0xd3: {  	[sflag:s5] =	ssyncset.done @!p0 $0x0;
	s19 =	sld [smem:$0x7D5]  }
0xd4: {  	s6 =	simm.s32 @!p0 $0x8C80;
	[sflag:s5] =	ssyncadd.s32 @!p0 $0xFFFFC000;
	s5 =	simm.s32 @!p0 $0x480  }
0xd5: {  	[tilespmem:s6], [sflag:$0x3] =	stream.indirect.gather @!p0 [hbm4b:s1+s4], $0x80, s5, s4, $0xb8;
	[tilespmem:$0x1CC80] =	vst v63  }
0xd6: {  	p5 =	seq.s32 s19, $0x1  }
0xd7: {  	s20 =	simm.s32 $0x5;
	s5 =	simm.s32 @!p5 $0x80;
	s6 =	simm.s32 @!p5 $0x8C80  }
0xd8: {  	[tilespmem:s6], [sflag:$0x3] =	stream.indirect.gather @!p5 [hbm4b:s1+s5], $0x80, s7, s5, $0xb8;
	[tilespmem:$0x1CC80] =	vst v63  }
0xd9: {  	_ =	swait.ge [sflag:s20], $0x4000  }
0xda: {  	s21 =	sld [smem:$0x7E9]  }
0xdb: {  	[sflag:s20] =	ssyncset.done $0x0  }
0xdc: {  	s5 =	simm.s32 @!p0 $0xB;
	[sflag:s20] =	ssyncadd.s32 $0xFFFFC000  }
0xdd: {  	[hbm4b:s21+s3] =	stream.linear.scatter [tilespmem:s12], [sflag:$0xC], $0x4000, $0x38;
	[tilespmem:$0x1CC80] =	vst v63  }
0xde: {  	_ =	swait.ge @!p0 [sflag:s5], $0x4000  }
0xdf: {  	s6 =	simm.s32 @!p0 $0xCC80;
	[sflag:s5] =	ssyncset.done @!p0 $0x0;
	s22 =	sld [smem:$0x7D7]  }
0xe0: {  	s23 =	sld [smem:$0x7D2];
	[sflag:s5] =	ssyncadd.s32 @!p0 $0xFFFFC000;
	s5 =	simm.s32 @!p0 $0x500  }
0xe1: {  	[tilespmem:s6], [sflag:$0x4] =	stream.indirect.gather @!p0 [hbm4b:s1+s4], $0x80, s5, s4, $0xb8;
	[tilespmem:$0x1CC80] =	vst v63  }
0xe2: {  	p6 =	por @!p0 $0x0, $0x0;
	p2 =	por @!p2 $0x1, $0x1;
	p1 =	seq.s32 s22, $0x1  }
0xe3: {  	s24 =	sld [smem:$0x7D4];
	p3 =	seq.s32 s23, $0x1;
	s4 =	simm.s32 @!p1 $0x80  }
0xe4: {  	s5 =	simm.s32 @!p1 $0xCC80;
	p2 =	por @!p3 p6, p6;
	p6 =	por $0x0, $0x0  }
0xe5: {  	[tilespmem:s5], [sflag:$0x4] =	stream.indirect.gather @!p1 [hbm4b:s1+s4], $0x80, s7, s4, $0xb8;
	[tilespmem:$0x1CC80] =	vst v63  }
0xe6: {  	s28 =	simm.s32 $0x6;
	p3 =	seq.s32 s24, $0x1;
	p6 =	por @!p0 p2, p2  }
0xe7: {  	p2 =	por @!p4 $0x1, $0x1;
	p4 =	por @!p0 $0x0, $0x0;
	_ =	swait.ge [sflag:s28], $0x4000  }
0xe8: {  	p5 =	por @!p5 $0x1, $0x1;
	p2 =	por @!p3 p4, p4;
	s30 =	sld [smem:$0x7EA]  }
0xe9: {  	p4 =	por $0x0, $0x0;
	[sflag:s28] =	ssyncset.done $0x0;
	s29 =	sld [smem:$0x7D6]  }
0xea: {  	p3 =	por @!p0 $0x0, $0x0;
	s31 =	sld [smem:$0x7D8];
	[sflag:s28] =	ssyncadd.s32 $0xFFFFC000  }
0xeb: {  	[hbm4b:s30+s3] =	stream.linear.scatter [tilespmem:s13], [sflag:$0xD], $0x4000, $0x38;
	[tilespmem:$0x1CC80] =	vst v63  }
.Ltmp2:
0xec: {  	p4 =	por @!p0 p2, p2;
	p2 =	seq.s32 s29, $0x1;
	(pc) =	sbr.rel @!p0 .LBB2_2-.Ltmp2, $4  }
0xed: {  	p5 =	por @!p2 p3, p3  }
0xee: {  	p2 =	por @!p1 $0x1, $0x1;
	p1 =	seq.s32 s31, $0x1;
	p3 =	por @!p0 $0x0, $0x0  }
0xef: {  	p2 =	por @!p1 p3, p3;
	p3 =	por $0x0, $0x0;
	p1 =	por $0x0, $0x0  }
0xf0: {  	s8 =	simm.s32 $0xC80;
	p3 =	por @!p0 p5, p5;
	p1 =	por @!p0 p2, p2  }
.Ltmp3:
0xf1: {  	(pc) =	sbr.rel .LBB2_3-.Ltmp3, $4  }
0xf2: {  	_ =	swait.ge [sflag:s26], $0x4000  }
0xf3: {  	[sflag:s26] =	ssyncset.done $0x0  }
0xf4: {  	p2 =	por $0x0, $0x0;
	p5 =	por $0x0, $0x0;
	[sflag:s26] =	ssyncadd.s32 $0xFFFFC000  }
0xf5: {  	[hbm4b:s10+s3] =	stream.linear.scatter [tilespmem:s14], [sflag:$0xE], $0x4000, $0x38;
	[tilespmem:$0x1CC80] =	vst v63  }
.LBB2_2:
0xf6: {  	s4 =	simm.s32 $0xC  }
0xf7: {  	_ =	swait.ge [sflag:s4], $0x4000  }
0xf8: {  	[sflag:s4] =	ssyncset.done $0x0;
	s2 =	rddreg [dreg:$0x7]  }
0xf9: {  	s21 =	simm.s32 $0x580;
	p2 =	sgt.u32 s2, $0x7E;
	[sflag:s4] =	ssyncadd.s32 $0xFFFFC000  }
0xfa: {  	[tilespmem:s12], [sflag:$0x5] =	stream.indirect.gather [hbm4b:s1+s18], $0x80, s21, s18, $0xb8;
	[tilespmem:$0x1CC80] =	vst v63  }
0xfb: {  	s4 =	simm.s32 @!p2 $0x80;
	s5 =	simm.s32 @!p2 $0x10C80  }
0xfc: {  	[tilespmem:s5], [sflag:$0x5] =	stream.indirect.gather @!p2 [hbm4b:s1+s4], $0x80, s7, s4, $0xb8;
	[tilespmem:$0x1CC80] =	vst v63  }
0xfd: {  	_ =	swait.ge [sflag:s26], $0x4000  }
0xfe: {  	s22 =	sld [smem:$0x7EB]  }
0xff: {  	[sflag:s26] =	ssyncset.done $0x0  }
0x100: {  	s23 =	simm.s32 $0xD;
	[sflag:s26] =	ssyncadd.s32 $0xFFFFC000  }
0x101: {  	[hbm4b:s22+s3] =	stream.linear.scatter [tilespmem:s14], [sflag:$0xE], $0x4000, $0x38;
	[tilespmem:$0x1CC80] =	vst v63  }
0x102: {  	_ =	swait.ge [sflag:s23], $0x4000  }
0x103: {  	[sflag:s23] =	ssyncset.done $0x0;
	s24 =	rddreg [dreg:$0x8]  }
0x104: {  	s28 =	simm.s32 $0x600;
	p2 =	sgt.u32 s24, $0x7E;
	[sflag:s23] =	ssyncadd.s32 $0xFFFFC000  }
0x105: {  	[tilespmem:s13], [sflag:$0x6] =	stream.indirect.gather [hbm4b:s1+s18], $0x80, s28, s18, $0xb8;
	[tilespmem:$0x1CC80] =	vst v63  }
0x106: {  	s4 =	simm.s32 @!p2 $0x80;
	s5 =	simm.s32 @!p2 $0x14C80  }
0x107: {  	[tilespmem:s5], [sflag:$0x6] =	stream.indirect.gather @!p2 [hbm4b:s1+s4], $0x80, s7, s4, $0xb8;
	[tilespmem:$0x1CC80] =	vst v63  }
0x108: {  	_ =	swait.ge [sflag:s25], $0x4000  }
0x109: {  	s29 =	sld [smem:$0x7EC]  }
0x10a: {  	s30 =	sld [smem:$0x7DD]  }
0x10b: {  	[sflag:s25] =	ssyncset.done $0x0;
	s31 =	sld [smem:$0x7DC]  }
0x10c: {  	[sflag:s25] =	ssyncadd.s32 $0xFFFFC000  }
0x10d: {  	[hbm4b:s29+s3] =	stream.linear.scatter [tilespmem:s8], [sflag:$0x8], $0x4000, $0x38;
	[tilespmem:$0x1CC80] =	vst v63  }
0x10e: {  	p2 =	seq.s32 s30, $0x1;
	p5 =	seq.s32 s31, $0x1  }
.LBB2_3:
0x10f: {  	s4 =	simm.s32 @p6 $0x0;
	s5 =	simm.s32 @p6 $0xC80;
	s22 =	simm.s32 @!p0 $0xE  }
0x110: {  	[hbm4b:s10+s4] =	stream.linear.scatter @p6 [tilespmem:s5], [sflag:$0x8], $0x4000, $0x38;
	[tilespmem:$0x1CC80] =	vst v63  }
0x111: {  	_ =	swait.ge @!p0 [sflag:s22], $0x4000  }
0x112: {  	s15 =	simm.s32 @!p0 $0x80;
	[sflag:s22] =	ssyncset.done @!p0 $0x0;
	s2 =	sld [smem:$0x7DA]  }
0x113: {  	s20 =	simm.s32 @!p0 $0x18C80;
	s4 =	simm.s32 @!p0 $0x680;
	[sflag:s22] =	ssyncadd.s32 @!p0 $0xFFFFC000  }
0x114: {  	[tilespmem:s20], [sflag:$0x7] =	stream.indirect.gather @!p0 [hbm4b:s1+s15], $0x80, s4, s15, $0xb8;
	[tilespmem:$0x1CC80] =	vst v63  }
0x115: {  	p6 =	seq.s32 s2, $0x1  }
0x116: {  	s4 =	simm.s32 @!p6 $0x80;
	s5 =	simm.s32 @!p6 $0x18C80  }
0x117: {  	[tilespmem:s5], [sflag:$0x7] =	stream.indirect.gather @!p6 [hbm4b:s1+s4], $0x80, s7, s4, $0xb8;
	[tilespmem:$0x1CC80] =	vst v63  }
0x118: {  	s4 =	simm.s32 @!p0 $0x2  }
0x119: {  	_ =	swait.ge @!p0 [sflag:s4], $0x4000  }
0x11a: {  	s2 =	sld [smem:$0x7ED]  }
0x11b: {  	[sflag:s4] =	ssyncset.done @!p0 $0x0  }
0x11c: {  	s28 =	simm.s32 @!p0 $0x0;
	s5 =	simm.s32 @!p0 $0x4C80;
	[sflag:s4] =	ssyncadd.s32 @!p0 $0xFFFFC000  }
0x11d: {  	[hbm4b:s2+s28] =	stream.linear.scatter @!p0 [tilespmem:s5], [sflag:$0x9], $0x4000, $0x38;
	[tilespmem:$0x1CC80] =	vst v63  }
0x11e: {  	s6 =	simm.s32 @p4 $0x0;
	s8 =	simm.s32 @p4 $0x4C80;
	s16 =	simm.s32 @!p0 $0x8  }
0x11f: {  	[hbm4b:s10+s6] =	stream.linear.scatter @p4 [tilespmem:s8], [sflag:$0x9], $0x4000, $0x38;
	[tilespmem:$0x1CC80] =	vst v63  }
0x120: {  	_ =	swait.ge @!p0 [sflag:s16], $0x4000  }
0x121: {  	[sflag:s16] =	ssyncset.done @!p0 $0x0;
	s30 =	sld [smem:$0x7DB]  }
0x122: {  	s13 =	simm.s32 @!p0 $0xC80;
	s6 =	simm.s32 @!p0 $0x700;
	[sflag:s16] =	ssyncadd.s32 @!p0 $0xFFFFC000  }
0x123: {  	[tilespmem:s13], [sflag:$0x1] =	stream.indirect.gather @!p0 [hbm4b:s1+s15], $0x80, s6, s15, $0xb8;
	[tilespmem:$0x1CC80] =	vst v63  }
0x124: {  	p4 =	seq.s32 s30, $0x1  }
0x125: {  	s11 =	simm.s32 @!p0 $0x3;
	s6 =	simm.s32 @!p4 $0x80;
	s8 =	simm.s32 @!p4 $0xC80  }
0x126: {  	[tilespmem:s8], [sflag:$0x1] =	stream.indirect.gather @!p4 [hbm4b:s1+s6], $0x80, s7, s6, $0xb8;
	[tilespmem:$0x1CC80] =	vst v63  }
0x127: {  	_ =	swait.ge @!p0 [sflag:s11], $0x4000  }
0x128: {  	s2 =	sld [smem:$0x7EE]  }
0x129: {  	[sflag:s11] =	ssyncset.done @!p0 $0x0  }
0x12a: {  	s12 =	simm.s32 @!p0 $0x8C80;
	[sflag:s11] =	ssyncadd.s32 @!p0 $0xFFFFC000  }
0x12b: {  	[hbm4b:s2+s28] =	stream.linear.scatter @!p0 [tilespmem:s12], [sflag:$0xA], $0x4000, $0x38;
	[tilespmem:$0x1CC80] =	vst v63  }
0x12c: {  	s17 =	simm.s32 @!p0 $0x9;
	s6 =	simm.s32 @p3 $0x0;
	s8 =	simm.s32 @p3 $0x8C80  }
0x12d: {  	[hbm4b:s10+s6] =	stream.linear.scatter @p3 [tilespmem:s8], [sflag:$0xA], $0x4000, $0x38;
	[tilespmem:$0x1CC80] =	vst v63  }
0x12e: {  	_ =	swait.ge @!p0 [sflag:s17], $0x4000  }
0x12f: {  	[sflag:s17] =	ssyncset.done @!p0 $0x0;
	s2 =	rddreg [dreg:$0x9]  }
0x130: {  	s6 =	simm.s32 @!p0 $0x780;
	p3 =	sgt.u32 @!p0 s2, $0x7E;
	[sflag:s17] =	ssyncadd.s32 @!p0 $0xFFFFC000  }
0x131: {  	[tilespmem:s5], [sflag:$0x2] =	stream.indirect.gather @!p0 [hbm4b:s1+s15], $0x80, s6, s15, $0xb8;
	[tilespmem:$0x1CC80] =	vst v63  }
0x132: {  	p3 =	por p3, p0  }
0x133: {  	s21 =	simm.s32 @!p0 $0x4;
	s6 =	simm.s32 @!p3 $0x80;
	s8 =	simm.s32 @!p3 $0x4C80  }
0x134: {  	[tilespmem:s8], [sflag:$0x2] =	stream.indirect.gather @!p3 [hbm4b:s1+s6], $0x80, s7, s6, $0xb8;
	[tilespmem:$0x1CC80] =	vst v63  }
0x135: {  	_ =	swait.ge @!p0 [sflag:s21], $0x4000  }
0x136: {  	s2 =	sld [smem:$0x7EF]  }
0x137: {  	[sflag:s21] =	ssyncset.done @!p0 $0x0  }
0x138: {  	s14 =	simm.s32 @!p0 $0xCC80;
	[sflag:s21] =	ssyncadd.s32 @!p0 $0xFFFFC000  }
0x139: {  	[hbm4b:s2+s28] =	stream.linear.scatter @!p0 [tilespmem:s14], [sflag:$0xB], $0x4000, $0x38;
	[tilespmem:$0x1CC80] =	vst v63  }
0x13a: {  	s29 =	simm.s32 @!p0 $0xA;
	s6 =	simm.s32 @p1 $0x0;
	s8 =	simm.s32 @p1 $0xCC80  }
0x13b: {  	[hbm4b:s10+s6] =	stream.linear.scatter @p1 [tilespmem:s8], [sflag:$0xB], $0x4000, $0x38;
	[tilespmem:$0x1CC80] =	vst v63  }
0x13c: {  	_ =	swait.ge @!p0 [sflag:s29], $0x4000  }
0x13d: {  	[sflag:s29] =	ssyncset.done @!p0 $0x0;
	s2 =	rddreg [dreg:$0xa]  }
0x13e: {  	s6 =	simm.s32 @!p0 $0x800;
	p1 =	sgt.u32 @!p0 s2, $0x7E;
	[sflag:s29] =	ssyncadd.s32 @!p0 $0xFFFFC000  }
0x13f: {  	[tilespmem:s12], [sflag:$0x3] =	stream.indirect.gather @!p0 [hbm4b:s1+s15], $0x80, s6, s15, $0xb8;
	[tilespmem:$0x1CC80] =	vst v63  }
0x140: {  	p1 =	por p1, p0  }
0x141: {  	s19 =	simm.s32 @!p0 $0x5;
	s6 =	simm.s32 @!p1 $0x80;
	s8 =	simm.s32 @!p1 $0x8C80  }
0x142: {  	[tilespmem:s8], [sflag:$0x3] =	stream.indirect.gather @!p1 [hbm4b:s1+s6], $0x80, s7, s6, $0xb8;
	[tilespmem:$0x1CC80] =	vst v63  }
0x143: {  	_ =	swait.ge @!p0 [sflag:s19], $0x4000  }
0x144: {  	s2 =	sld [smem:$0x7F0]  }
0x145: {  	[sflag:s19] =	ssyncset.done @!p0 $0x0  }
0x146: {  	s6 =	simm.s32 @!p0 $0x10C80;
	[sflag:s19] =	ssyncadd.s32 @!p0 $0xFFFFC000  }
0x147: {  	[hbm4b:s2+s28] =	stream.linear.scatter @!p0 [tilespmem:s6], [sflag:$0xC], $0x4000, $0x38;
	[tilespmem:$0x1CC80] =	vst v63  }
0x148: {  	s23 =	simm.s32 @p5 $0x10C80;
	s8 =	simm.s32 @p5 $0x0  }
0x149: {  	[hbm4b:s10+s8] =	stream.linear.scatter @p5 [tilespmem:s23], [sflag:$0xC], $0x4000, $0x38;
	[tilespmem:$0x1CC80] =	vst v63  }
0x14a: {  	s23 =	simm.s32 @!p0 $0xB  }
0x14b: {  	_ =	swait.ge @!p0 [sflag:s23], $0x4000  }
0x14c: {  	[sflag:s23] =	ssyncset.done @!p0 $0x0;
	s2 =	rddreg [dreg:$0xb]  }
0x14d: {  	s8 =	simm.s32 @!p0 $0x880;
	p1 =	sgt.u32 @!p0 s2, $0x7E;
	[sflag:s23] =	ssyncadd.s32 @!p0 $0xFFFFC000  }
0x14e: {  	[tilespmem:s14], [sflag:$0x4] =	stream.indirect.gather @!p0 [hbm4b:s1+s15], $0x80, s8, s15, $0xb8;
	[tilespmem:$0x1CC80] =	vst v63  }
0x14f: {  	p1 =	por p1, p0  }
0x150: {  	s8 =	simm.s32 @!p1 $0x80;
	s24 =	simm.s32 @!p1 $0xCC80  }
0x151: {  	[tilespmem:s24], [sflag:$0x4] =	stream.indirect.gather @!p1 [hbm4b:s1+s8], $0x80, s7, s8, $0xb8;
	[tilespmem:$0x1CC80] =	vst v63  }
0x152: {  	s24 =	simm.s32 @!p0 $0x6  }
0x153: {  	_ =	swait.ge @!p0 [sflag:s24], $0x4000  }
0x154: {  	s2 =	sld [smem:$0x7F1]  }
0x155: {  	[sflag:s24] =	ssyncset.done @!p0 $0x0  }
0x156: {  	s30 =	simm.s32 @!p0 $0x14C80;
	[sflag:s24] =	ssyncadd.s32 @!p0 $0xFFFFC000  }
0x157: {  	[hbm4b:s2+s28] =	stream.linear.scatter @!p0 [tilespmem:s30], [sflag:$0xD], $0x4000, $0x38;
	[tilespmem:$0x1CC80] =	vst v63  }
0x158: {  	s31 =	simm.s32 @p2 $0x14C80;
	s8 =	simm.s32 @p2 $0x0  }
0x159: {  	[hbm4b:s10+s8] =	stream.linear.scatter @p2 [tilespmem:s31], [sflag:$0xD], $0x4000, $0x38;
	[tilespmem:$0x1CC80] =	vst v63  }
0x15a: {  	s8 =	simm.s32 @!p0 $0xC  }
0x15b: {  	_ =	swait.ge @!p0 [sflag:s8], $0x4000  }
0x15c: {  	[sflag:s8] =	ssyncset.done @!p0 $0x0;
	s2 =	rddreg [dreg:$0xc]  }
0x15d: {  	p1 =	sgt.u32 @!p0 s2, $0x7E;
	[sflag:s8] =	ssyncadd.s32 @!p0 $0xFFFFC000;
	s8 =	simm.s32 @!p0 $0x900  }
0x15e: {  	[tilespmem:s6], [sflag:$0x5] =	stream.indirect.gather @!p0 [hbm4b:s1+s15], $0x80, s8, s15, $0xb8;
	[tilespmem:$0x1CC80] =	vst v63  }
0x15f: {  	p1 =	por p1, p0  }
0x160: {  	s8 =	simm.s32 @!p1 $0x80;
	s31 =	simm.s32 @!p1 $0x10C80  }
0x161: {  	[tilespmem:s31], [sflag:$0x5] =	stream.indirect.gather @!p1 [hbm4b:s1+s8], $0x80, s7, s8, $0xb8;
	[tilespmem:$0x1CC80] =	vst v63  }
0x162: {  	s8 =	simm.s32 @!p0 $0x7  }
0x163: {  	_ =	swait.ge @!p0 [sflag:s8], $0x4000  }
0x164: {  	s2 =	sld [smem:$0x7F2]  }
0x165: {  	[sflag:s8] =	ssyncset.done @!p0 $0x0;
	s31 =	sld [smem:$0x7CF]  }
0x166: {  	[sflag:s8] =	ssyncadd.s32 @!p0 $0xFFFFC000  }
0x167: {  	[hbm4b:s2+s28] =	stream.linear.scatter @!p0 [tilespmem:s20], [sflag:$0xE], $0x4000, $0x38;
	[tilespmem:$0x1CC80] =	vst v63  }
0x168: {  	p1 =	seq.s32 s31, $0x1  }
0x169: {  	s31 =	simm.s32 @p1 $0x0;
	s9 =	simm.s32 @p1 $0x18C80  }
0x16a: {  	[hbm4b:s10+s31] =	stream.linear.scatter @p1 [tilespmem:s9], [sflag:$0xE], $0x4000, $0x38;
	[tilespmem:$0x1CC80] =	vst v63  }
0x16b: {  	s9 =	simm.s32 @!p0 $0xD  }
0x16c: {  	_ =	swait.ge @!p0 [sflag:s9], $0x4000  }
0x16d: {  	[sflag:s9] =	ssyncset.done @!p0 $0x0;
	s2 =	rddreg [dreg:$0xd]  }
0x16e: {  	p1 =	sgt.u32 @!p0 s2, $0x7E;
	[sflag:s9] =	ssyncadd.s32 @!p0 $0xFFFFC000;
	s9 =	simm.s32 @!p0 $0x980  }
0x16f: {  	[tilespmem:s30], [sflag:$0x6] =	stream.indirect.gather @!p0 [hbm4b:s1+s15], $0x80, s9, s15, $0xb8;
	[tilespmem:$0x1CC80] =	vst v63  }
0x170: {  	p1 =	por p1, p0  }
0x171: {  	s9 =	simm.s32 @!p1 $0x80;
	s31 =	simm.s32 @!p1 $0x14C80  }
0x172: {  	[tilespmem:s31], [sflag:$0x6] =	stream.indirect.gather @!p1 [hbm4b:s1+s9], $0x80, s7, s9, $0xb8;
	[tilespmem:$0x1CC80] =	vst v63  }
0x173: {  	s31 =	simm.s32 @!p0 $0x1  }
0x174: {  	_ =	swait.ge @!p0 [sflag:s31], $0x4000  }
0x175: {  	s2 =	sld [smem:$0x7F3]  }
0x176: {  	[sflag:s31] =	ssyncset.done @!p0 $0x0;
	s9 =	sld [smem:$0x7D0]  }
0x177: {  	[sflag:s31] =	ssyncadd.s32 @!p0 $0xFFFFC000  }
0x178: {  	[hbm4b:s2+s28] =	stream.linear.scatter @!p0 [tilespmem:s13], [sflag:$0x8], $0x4000, $0x38;
	[tilespmem:$0x1CC80] =	vst v63  }
0x179: {  	p1 =	seq.s32 s9, $0x1  }
0x17a: {  	s9 =	simm.s32 @p1 $0x0;
	s2 =	simm.s32 @p1 $0xC80  }
0x17b: {  	[hbm4b:s10+s9] =	stream.linear.scatter @p1 [tilespmem:s2], [sflag:$0x8], $0x4000, $0x38;
	[tilespmem:$0x1CC80] =	vst v63  }
0x17c: {  	_ =	swait.ge @!p0 [sflag:s22], $0x4000  }
0x17d: {  	[sflag:s22] =	ssyncset.done @!p0 $0x0;
	s2 =	rddreg [dreg:$0xe]  }
0x17e: {  	p1 =	sgt.u32 @!p0 s2, $0x7E;
	[sflag:s22] =	ssyncadd.s32 @!p0 $0xFFFFC000;
	s2 =	simm.s32 @!p0 $0xA00  }
0x17f: {  	[tilespmem:s20], [sflag:$0x7] =	stream.indirect.gather @!p0 [hbm4b:s1+s15], $0x80, s2, s15, $0xb8;
	[tilespmem:$0x1CC80] =	vst v63  }
0x180: {  	p1 =	por p1, p0  }
0x181: {  	s2 =	simm.s32 @!p1 $0x80;
	s9 =	simm.s32 @!p1 $0x18C80  }
0x182: {  	[tilespmem:s9], [sflag:$0x7] =	stream.indirect.gather @!p1 [hbm4b:s1+s2], $0x80, s7, s2, $0xb8;
	[tilespmem:$0x1CC80] =	vst v63  }
0x183: {  	_ =	swait.ge @!p0 [sflag:s4], $0x4000  }
0x184: {  	s22 =	sld [smem:$0x7DE]  }
0x185: {  	s2 =	sld [smem:$0x7F4]  }
0x186: {  	[sflag:s4] =	ssyncset.done @!p0 $0x0  }
0x187: {  	p1 =	por $0x0, $0x0;
	[sflag:s4] =	ssyncadd.s32 @!p0 $0xFFFFC000;
	p2 =	seq.s32 s22, $0x1  }
0x188: {  	[hbm4b:s2+s28] =	stream.linear.scatter @!p0 [tilespmem:s5], [sflag:$0x9], $0x4000, $0x38;
	[tilespmem:$0x1CC80] =	vst v63  }
0x189: {  	p1 =	por @!p0 p2, p2  }
0x18a: {  	s2 =	simm.s32 @p1 $0x0;
	s9 =	simm.s32 @p1 $0x4C80  }
0x18b: {  	[hbm4b:s10+s2] =	stream.linear.scatter @p1 [tilespmem:s9], [sflag:$0x9], $0x4000, $0x38;
	[tilespmem:$0x1CC80] =	vst v63  }
0x18c: {  	_ =	swait.ge @!p0 [sflag:s16], $0x4000  }
0x18d: {  	[sflag:s16] =	ssyncset.done @!p0 $0x0;
	s2 =	rddreg [dreg:$0xf]  }
0x18e: {  	p1 =	sgt.u32 @!p0 s2, $0x7E;
	[sflag:s16] =	ssyncadd.s32 @!p0 $0xFFFFC000;
	s2 =	simm.s32 @!p0 $0xA80  }
0x18f: {  	[tilespmem:s13], [sflag:$0x1] =	stream.indirect.gather @!p0 [hbm4b:s1+s15], $0x80, s2, s15, $0xb8;
	[tilespmem:$0x1CC80] =	vst v63  }
0x190: {  	p1 =	por p1, p0  }
0x191: {  	s2 =	simm.s32 @!p1 $0x80;
	s9 =	simm.s32 @!p1 $0xC80  }
0x192: {  	[tilespmem:s9], [sflag:$0x1] =	stream.indirect.gather @!p1 [hbm4b:s1+s2], $0x80, s7, s2, $0xb8;
	[tilespmem:$0x1CC80] =	vst v63  }
0x193: {  	_ =	swait.ge @!p0 [sflag:s11], $0x4000  }
0x194: {  	s9 =	sld [smem:$0x7DF]  }
0x195: {  	s2 =	sld [smem:$0x7F5]  }
0x196: {  	[sflag:s11] =	ssyncset.done @!p0 $0x0  }
0x197: {  	p1 =	por $0x0, $0x0;
	[sflag:s11] =	ssyncadd.s32 @!p0 $0xFFFFC000;
	p2 =	seq.s32 s9, $0x1  }
0x198: {  	[hbm4b:s2+s28] =	stream.linear.scatter @!p0 [tilespmem:s12], [sflag:$0xA], $0x4000, $0x38;
	[tilespmem:$0x1CC80] =	vst v63  }
0x199: {  	p1 =	por @!p0 p2, p2  }
0x19a: {  	s2 =	simm.s32 @p1 $0x0;
	s9 =	simm.s32 @p1 $0x8C80  }
0x19b: {  	[hbm4b:s10+s2] =	stream.linear.scatter @p1 [tilespmem:s9], [sflag:$0xA], $0x4000, $0x38;
	[tilespmem:$0x1CC80] =	vst v63  }
0x19c: {  	_ =	swait.ge @!p0 [sflag:s17], $0x4000  }
0x19d: {  	[sflag:s17] =	ssyncset.done @!p0 $0x0;
	s2 =	rddreg [dreg:$0x10]  }
0x19e: {  	p1 =	sgt.u32 @!p0 s2, $0x7E;
	[sflag:s17] =	ssyncadd.s32 @!p0 $0xFFFFC000;
	s2 =	simm.s32 @!p0 $0xB00  }
0x19f: {  	[tilespmem:s5], [sflag:$0x2] =	stream.indirect.gather @!p0 [hbm4b:s1+s15], $0x80, s2, s15, $0xb8;
	[tilespmem:$0x1CC80] =	vst v63  }
0x1a0: {  	p1 =	por p1, p0  }
0x1a1: {  	s2 =	simm.s32 @!p1 $0x80;
	s9 =	simm.s32 @!p1 $0x4C80  }
0x1a2: {  	[tilespmem:s9], [sflag:$0x2] =	stream.indirect.gather @!p1 [hbm4b:s1+s2], $0x80, s7, s2, $0xb8;
	[tilespmem:$0x1CC80] =	vst v63  }
0x1a3: {  	_ =	swait.ge @!p0 [sflag:s21], $0x4000  }
0x1a4: {  	s16 =	sld [smem:$0x7E0]  }
0x1a5: {  	s2 =	sld [smem:$0x7F6]  }
0x1a6: {  	[sflag:s21] =	ssyncset.done @!p0 $0x0  }
0x1a7: {  	p1 =	por $0x0, $0x0;
	[sflag:s21] =	ssyncadd.s32 @!p0 $0xFFFFC000;
	p2 =	seq.s32 s16, $0x1  }
0x1a8: {  	[hbm4b:s2+s28] =	stream.linear.scatter @!p0 [tilespmem:s14], [sflag:$0xB], $0x4000, $0x38;
	[tilespmem:$0x1CC80] =	vst v63  }
0x1a9: {  	p1 =	por @!p0 p2, p2  }
0x1aa: {  	s2 =	simm.s32 @p1 $0x0;
	s9 =	simm.s32 @p1 $0xCC80  }
0x1ab: {  	[hbm4b:s10+s2] =	stream.linear.scatter @p1 [tilespmem:s9], [sflag:$0xB], $0x4000, $0x38;
	[tilespmem:$0x1CC80] =	vst v63  }
0x1ac: {  	_ =	swait.ge @!p0 [sflag:s29], $0x4000  }
0x1ad: {  	[sflag:s29] =	ssyncset.done @!p0 $0x0;
	s2 =	rddreg [dreg:$0x11]  }
0x1ae: {  	p1 =	sgt.u32 @!p0 s2, $0x7E;
	[sflag:s29] =	ssyncadd.s32 @!p0 $0xFFFFC000;
	s2 =	simm.s32 @!p0 $0xB80  }
0x1af: {  	[tilespmem:s12], [sflag:$0x3] =	stream.indirect.gather @!p0 [hbm4b:s1+s15], $0x80, s2, s15, $0xb8;
	[tilespmem:$0x1CC80] =	vst v63  }
0x1b0: {  	p1 =	por p1, p0  }
0x1b1: {  	s2 =	simm.s32 @!p1 $0x80;
	s9 =	simm.s32 @!p1 $0x8C80  }
0x1b2: {  	[tilespmem:s9], [sflag:$0x3] =	stream.indirect.gather @!p1 [hbm4b:s1+s2], $0x80, s7, s2, $0xb8;
	[tilespmem:$0x1CC80] =	vst v63  }
0x1b3: {  	_ =	swait.ge @!p0 [sflag:s19], $0x4000  }
0x1b4: {  	s17 =	sld [smem:$0x7E1]  }
0x1b5: {  	s2 =	sld [smem:$0x7F7]  }
0x1b6: {  	[sflag:s19] =	ssyncset.done @!p0 $0x0  }
0x1b7: {  	p1 =	por $0x0, $0x0;
	[sflag:s19] =	ssyncadd.s32 @!p0 $0xFFFFC000;
	p2 =	seq.s32 s17, $0x1  }
0x1b8: {  	[hbm4b:s2+s28] =	stream.linear.scatter @!p0 [tilespmem:s6], [sflag:$0xC], $0x4000, $0x38;
	[tilespmem:$0x1CC80] =	vst v63  }
0x1b9: {  	p1 =	por @!p0 p2, p2  }
0x1ba: {  	s2 =	simm.s32 @p1 $0x0;
	s6 =	simm.s32 @p1 $0x10C80  }
0x1bb: {  	[hbm4b:s10+s2] =	stream.linear.scatter @p1 [tilespmem:s6], [sflag:$0xC], $0x4000, $0x38;
	[tilespmem:$0x1CC80] =	vst v63  }
0x1bc: {  	_ =	swait.ge @!p0 [sflag:s23], $0x4000  }
0x1bd: {  	[sflag:s23] =	ssyncset.done @!p0 $0x0;
	s2 =	rddreg [dreg:$0x12]  }
0x1be: {  	p1 =	sgt.u32 @!p0 s2, $0x7E;
	[sflag:s23] =	ssyncadd.s32 @!p0 $0xFFFFC000;
	s2 =	simm.s32 @!p0 $0xC00  }
0x1bf: {  	[tilespmem:s14], [sflag:$0x4] =	stream.indirect.gather @!p0 [hbm4b:s1+s15], $0x80, s2, s15, $0xb8;
	[tilespmem:$0x1CC80] =	vst v63  }
0x1c0: {  	p1 =	por p1, p0  }
0x1c1: {  	s2 =	simm.s32 @!p1 $0x80;
	s6 =	simm.s32 @!p1 $0xCC80  }
0x1c2: {  	[tilespmem:s6], [sflag:$0x4] =	stream.indirect.gather @!p1 [hbm4b:s1+s2], $0x80, s7, s2, $0xb8;
	[tilespmem:$0x1CC80] =	vst v63  }
0x1c3: {  	_ =	swait.ge @!p0 [sflag:s24], $0x4000  }
0x1c4: {  	s22 =	sld [smem:$0x7E2]  }
0x1c5: {  	s2 =	sld [smem:$0x7F8]  }
0x1c6: {  	[sflag:s24] =	ssyncset.done @!p0 $0x0  }
0x1c7: {  	p1 =	por $0x0, $0x0;
	[sflag:s24] =	ssyncadd.s32 @!p0 $0xFFFFC000;
	p2 =	seq.s32 s22, $0x1  }
0x1c8: {  	[hbm4b:s2+s28] =	stream.linear.scatter @!p0 [tilespmem:s30], [sflag:$0xD], $0x4000, $0x38;
	[tilespmem:$0x1CC80] =	vst v63  }
0x1c9: {  	p1 =	por @!p0 p2, p2  }
0x1ca: {  	s2 =	simm.s32 @p1 $0x0;
	s6 =	simm.s32 @p1 $0x14C80  }
0x1cb: {  	[hbm4b:s10+s2] =	stream.linear.scatter @p1 [tilespmem:s6], [sflag:$0xD], $0x4000, $0x38;
	[tilespmem:$0x1CC80] =	vst v63  }
0x1cc: {  	_ =	swait.ge @!p0 [sflag:s8], $0x4000  }
0x1cd: {  	s23 =	sld [smem:$0x7E3]  }
0x1ce: {  	s2 =	sld [smem:$0x7F9]  }
0x1cf: {  	[sflag:s8] =	ssyncset.done @!p0 $0x0  }
0x1d0: {  	p1 =	por $0x0, $0x0;
	[sflag:s8] =	ssyncadd.s32 @!p0 $0xFFFFC000;
	p2 =	seq.s32 s23, $0x1  }
0x1d1: {  	[hbm4b:s2+s28] =	stream.linear.scatter @!p0 [tilespmem:s20], [sflag:$0xE], $0x4000, $0x38;
	[tilespmem:$0x1CC80] =	vst v63  }
0x1d2: {  	p1 =	por @!p0 p2, p2  }
0x1d3: {  	s2 =	simm.s32 @p1 $0x0;
	s6 =	simm.s32 @p1 $0x18C80  }
0x1d4: {  	[hbm4b:s10+s2] =	stream.linear.scatter @p1 [tilespmem:s6], [sflag:$0xE], $0x4000, $0x38;
	[tilespmem:$0x1CC80] =	vst v63  }
0x1d5: {  	_ =	swait.ge @!p0 [sflag:s31], $0x4000  }
0x1d6: {  	s24 =	sld [smem:$0x7E4]  }
0x1d7: {  	s2 =	sld [smem:$0x7FA]  }
0x1d8: {  	[sflag:s31] =	ssyncset.done @!p0 $0x0  }
0x1d9: {  	p1 =	por $0x0, $0x0;
	[sflag:s31] =	ssyncadd.s32 @!p0 $0xFFFFC000;
	p2 =	seq.s32 s24, $0x1  }
0x1da: {  	[hbm4b:s2+s28] =	stream.linear.scatter @!p0 [tilespmem:s13], [sflag:$0x8], $0x4000, $0x38;
	[tilespmem:$0x1CC80] =	vst v63  }
0x1db: {  	p1 =	por @!p0 p2, p2  }
0x1dc: {  	s2 =	simm.s32 @p1 $0x0;
	s6 =	simm.s32 @p1 $0xC80  }
0x1dd: {  	[hbm4b:s10+s2] =	stream.linear.scatter @p1 [tilespmem:s6], [sflag:$0x8], $0x4000, $0x38;
	[tilespmem:$0x1CC80] =	vst v63  }
0x1de: {  	_ =	swait.ge @!p0 [sflag:s4], $0x4000  }
0x1df: {  	s29 =	sld [smem:$0x7E5]  }
0x1e0: {  	s2 =	sld [smem:$0x7FB]  }
0x1e1: {  	[sflag:s4] =	ssyncset.done @!p0 $0x0  }
0x1e2: {  	p1 =	por $0x0, $0x0;
	[sflag:s4] =	ssyncadd.s32 @!p0 $0xFFFFC000;
	p2 =	seq.s32 s29, $0x1  }
0x1e3: {  	[hbm4b:s2+s28] =	stream.linear.scatter @!p0 [tilespmem:s5], [sflag:$0x9], $0x4000, $0x38;
	[tilespmem:$0x1CC80] =	vst v63  }
0x1e4: {  	p1 =	por @!p0 p2, p2  }
0x1e5: {  	s2 =	simm.s32 @p1 $0x0;
	s4 =	simm.s32 @p1 $0x4C80  }
0x1e6: {  	[hbm4b:s10+s2] =	stream.linear.scatter @p1 [tilespmem:s4], [sflag:$0x9], $0x4000, $0x38;
	[tilespmem:$0x1CC80] =	vst v63  }
0x1e7: {  	_ =	swait.ge @!p0 [sflag:s11], $0x4000  }
0x1e8: {  	s30 =	sld [smem:$0x7E6]  }
0x1e9: {  	s2 =	sld [smem:$0x7FC]  }
0x1ea: {  	[sflag:s11] =	ssyncset.done @!p0 $0x0  }
0x1eb: {  	p1 =	por $0x0, $0x0;
	[sflag:s11] =	ssyncadd.s32 @!p0 $0xFFFFC000;
	p2 =	seq.s32 s30, $0x1  }
0x1ec: {  	[hbm4b:s2+s28] =	stream.linear.scatter @!p0 [tilespmem:s12], [sflag:$0xA], $0x4000, $0x38;
	[tilespmem:$0x1CC80] =	vst v63  }
0x1ed: {  	p1 =	por @!p0 p2, p2  }
0x1ee: {  	s2 =	simm.s32 @p1 $0x0;
	s4 =	simm.s32 @p1 $0x8C80  }
0x1ef: {  	[hbm4b:s10+s2] =	stream.linear.scatter @p1 [tilespmem:s4], [sflag:$0xA], $0x4000, $0x38;
	[tilespmem:$0x1CC80] =	vst v63  }
0x1f0: {  	_ =	swait.ge @!p0 [sflag:s21], $0x4000  }
0x1f1: {  	s31 =	sld [smem:$0x7E7]  }
0x1f2: {  	s2 =	sld [smem:$0x7FD]  }
0x1f3: {  	p1 =	por $0x0, $0x0;
	[sflag:s21] =	ssyncset.done @!p0 $0x0  }
.Ltmp4:
0x1f4: {  	[sflag:s21] =	ssyncadd.s32 @!p0 $0xFFFFC000;
	p2 =	seq.s32 s31, $0x1;
	(pc) =	sbr.rel @!p0 .LBB2_5-.Ltmp4, $4  }
0x1f5: {  	[hbm4b:s2+s28] =	stream.linear.scatter @!p0 [tilespmem:s14], [sflag:$0xB], $0x4000, $0x38;
	[tilespmem:$0x1CC80] =	vst v63  }
0x1f6: {  	p1 =	por @!p0 p2, p2  }
0x1f7: {  	s2 =	simm.s32 @p1 $0x0;
	s4 =	simm.s32 @p1 $0xCC80  }
0x1f8: {  	[hbm4b:s10+s2] =	stream.linear.scatter @p1 [tilespmem:s4], [sflag:$0xB], $0x4000, $0x38;
	[tilespmem:$0x1CC80] =	vst v63  }
.Ltmp5:
0x1f9: {  	(pc) =	sbr.rel .LBB2_6-.Ltmp5, $4  }
0x1fa: {  	_ = 	snop  }
0x1fb: {  	s4 =	simm.s32 $0xE  }
0x1fc: {  	s6 =	simm.s32 $0xD;
	s5 =	simm.s32 $0xC;
	s8 =	simm.s32 $0xB  }
0x1fd: {  	s11 =	simm.s32 $0xA;
	s12 =	simm.s32 $0x9;
	s13 =	simm.s32 $0x8  }
.LBB2_7:
0x1fe: {  	_ =	sfence.sel $0x180000  }
0x1ff: {  	[bflag:$0x0] =	sbarrier.arrive $0xFFFF  }
0x200: {  	_ =	strace $0x90000047  }
0x201: {  	s0 =	stileid.u32;
	[bflag:$0x2] =	sbarrier.arrive $0xFFFF  }
0x202: {  	p0 =	sne.s32 s0, $0x0;
	s0 =	rddreg [dreg:$0x3]  }
0x203: {  	s0 =	sadd.s32 @!p0 $0x100000, s0  }
0x204: {  	[sflag:s0] =	ssyncadd.tile.s32 @!p0 $0x1;
	_ =	shalt  }
.Lfunc_end2:
_tile_overlayer_lowered:
.L_overlay_start_2:
0x205: {  	(tag) =	ssettag $0x2  }
0x206: {  	s0 =	rddreg [dreg:$0x0];
	s2 =	stileid.u32  }
0x207: {  	s1 =	rddreg [dreg:$0x1];
	p0 =	sne.s32 s2, $0x0  }
0x208: {  	s3 =	rddreg [dreg:$0x2];
	[bflag:$0x3] =	sbarrier.arrive $0xFFFF;
	s2 =	simm.s32 @!p0 $0x1C0F  }
0x209: {  	[timem:s3], [sflag:s2] =	dma.local @!p0 [hbm:s0], s1  }
0x20a: {  	s0 =	simm.s32 @!p0 $0xF  }
0x20b: {  	_ =	swait.ge @!p0 [sflag:s0], s1  }
0x20c: {  	s1 =	ssub.s32 @!p0 $0x0, s1;
	[sflag:s0] =	ssyncset.done @!p0 $0x0  }
0x20d: {  	[sflag:s0] =	ssyncadd.s32 @!p0 s1  }
0x20e: {  	[bflag:$0x3] =	sbarrier.arrive $0xFFFF  }
0x20f: {  	_ =	shalt  }

</sc_bundles>
